<compile_context>
chip_gen: v7x
topology: tpu7x:2x2x1
jax: 0.10.2.dev20260603
libtpu: 0.0.44.dev20260713+nightly
codegen_flags: <defaults>
</compile_context>

<pallas_src>
import functools

import jax
import jax.numpy as jnp
from jax import lax
from jax.experimental import pallas as pl
from jax.experimental.pallas import tpu as pltpu
from jax.experimental.pallas import tpu_sc as plsc

N = 10000
E = 320000
D = 128
DE = 16

_NSUB = 16
_EPS_PER = E // _NSUB
_K = 80
_NCH = _EPS_PER // _K
_NZCH = N // _K


def _eproj(ea_all, w_edge, b_edge):
    bm = 1280
    grid = (ea_all.shape[0] // bm,)

    def body(ea_ref, w_ref, b_ref, o_ref):
        o_ref[...] = (
            jnp.dot(ea_ref[...], w_ref[...], preferred_element_type=jnp.float32)
            + b_ref[...]
        )

    return pl.pallas_call(
        body,
        grid=grid,
        in_specs=[
            pl.BlockSpec((bm, DE), lambda i: (i, 0)),
            pl.BlockSpec((DE, D), lambda i: (0, 0)),
            pl.BlockSpec((1, D), lambda i: (0, 0)),
        ],
        out_specs=pl.BlockSpec((bm, D), lambda i: (i, 0)),
        out_shape=jax.ShapeDtypeStruct((ea_all.shape[0], D), jnp.float32),
    )(ea_all, w_edge, b_edge.reshape(1, D))


def _out_transform(xp, xa, agg, w_nn, b_nn, eps, relu):
    bm = 1000
    nb = N // bm
    grid = (2 * nb,)

    def body(xp_ref, xa_ref, a_ref, w_ref, b_ref, e_ref, o_ref):
        x = jnp.where(pl.program_id(0) < nb, xp_ref[...], xa_ref[...])
        z = (1.0 + e_ref[0, 0]) * x + a_ref[...]
        r = jnp.dot(z, w_ref[...], preferred_element_type=jnp.float32) + b_ref[...]
        o_ref[...] = jnp.maximum(r, 0.0) if relu else r

    return pl.pallas_call(
        body,
        grid=grid,
        in_specs=[
            pl.BlockSpec((bm, D), lambda i: (jnp.minimum(i, nb - 1), 0)),
            pl.BlockSpec((bm, D), lambda i: (jnp.maximum(i - nb, 0), 0)),
            pl.BlockSpec((bm, D), lambda i: (i, 0)),
            pl.BlockSpec((D, D), lambda i: (0, 0)),
            pl.BlockSpec((1, D), lambda i: (0, 0)),
            pl.BlockSpec((1, 1), lambda i: (0, 0)),
        ],
        out_specs=pl.BlockSpec((bm, D), lambda i: (i, 0)),
        out_shape=jax.ShapeDtypeStruct((2 * N, D), jnp.float32),
    )(xp, xa, agg.reshape(2 * N, D), w_nn, b_nn.reshape(1, D),
      eps.reshape(1, 1))


def _sc_aggregate(x_all, src_all, dst_all, ep_all):
    mesh = plsc.VectorSubcoreMesh(core_axis_name="c", subcore_axis_name="s")

    @functools.partial(
        pl.kernel,
        out_type=jax.ShapeDtypeStruct((2, N, D), jnp.float32),
        mesh=mesh,
        scratch_types=[
            pltpu.VMEM((2, _K), jnp.int32),
            pltpu.VMEM((2, _K), jnp.int32),
            pltpu.VMEM((2, _K, D), jnp.float32),
            pltpu.VMEM((2, _K, D), jnp.float32),
            pltpu.VMEM_SHARED((N, D), jnp.float32),
            pltpu.SemaphoreType.DMA,
            pltpu.SemaphoreType.DMA,
            pltpu.SemaphoreType.DMA,
            pltpu.SemaphoreType.DMA,
            pltpu.SemaphoreType.DMA,
            pltpu.SemaphoreType.DMA,
            pltpu.SemaphoreType.DMA,
            pltpu.SemaphoreType.DMA,
        ],
    )
    def k(x_hbm, src_hbm, dst_hbm, ep_hbm, out_hbm,
          srcv, dstv, gx_v, ep_v, acc_sh,
          sem_src, sem_dst, sem_g0, sem_g1, sem_e0, sem_e1, sem_s0, sem_s1):
        cid = lax.axis_index("c")
        sid = lax.axis_index("s")
        sem_g = (sem_g0, sem_g1)
        sem_e = (sem_e0, sem_e1)
        sem_s = (sem_s0, sem_s1)

        ebase = (cid * _NSUB + sid) * _EPS_PER

        zvec = jnp.zeros((16,), jnp.float32)

        def zrow(r, carry):
            for j in range(D // 16):
                gx_v[1, r, pl.ds(j * 16, 16)] = zvec
            return carry

        lax.fori_loop(0, _K, zrow, 0)

        nz = jnp.where(sid < _NZCH % _NSUB, _NZCH // _NSUB + 1,
                       _NZCH // _NSUB)

        def zacc(t, carry):
            pltpu.sync_copy(gx_v.at[1],
                            acc_sh.at[pl.ds((sid + t * _NSUB) * _K, _K)])
            return carry

        lax.fori_loop(0, nz, zacc, 0)

        def issue_src(ch, sl):
            pltpu.async_copy(src_hbm.at[pl.ds(ebase + ch * _K, _K)],
                             srcv.at[sl], sem_src)

        def wait_src(ch, sl):
            pltpu.make_async_copy(src_hbm.at[pl.ds(ebase + ch * _K, _K)],
                                  srcv.at[sl], sem_src).wait()

        def issue_dst(ch, sl):
            pltpu.async_copy(dst_hbm.at[pl.ds(ebase + ch * _K, _K)],
                             dstv.at[sl], sem_dst)

        def wait_dst(ch, sl):
            pltpu.make_async_copy(dst_hbm.at[pl.ds(ebase + ch * _K, _K)],
                                  dstv.at[sl], sem_dst).wait()

        def issue_in(ch, sl):
            pltpu.async_copy(x_hbm.at[srcv.at[sl]], gx_v.at[sl], sem_g[sl])
            pltpu.async_copy(ep_hbm.at[pl.ds(ebase + ch * _K, _K)],
                             ep_v.at[sl], sem_e[sl])

        def wait_in(ch, sl):
            pltpu.make_async_copy(x_hbm.at[srcv.at[sl]], gx_v.at[sl],
                                  sem_g[sl]).wait()
            pltpu.make_async_copy(ep_hbm.at[pl.ds(ebase + ch * _K, _K)],
                                  ep_v.at[sl], sem_e[sl]).wait()

        def compute(sl):
            def crow(e, c2):
                for j in range(D // 16):
                    s_ = pl.ds(j * 16, 16)
                    gx_v[sl, e, s_] = jnp.maximum(
                        gx_v[sl, e, s_] + ep_v[sl, e, s_], 0.0)
                return c2

            lax.fori_loop(0, _K, crow, 0)

        def scatter(sl):
            pltpu.async_copy(gx_v.at[sl], acc_sh.at[dstv.at[sl]],
                             sem_s[sl], add=True)

        def wait_scatter(sl):
            pltpu.make_async_copy(gx_v.at[sl], acc_sh.at[dstv.at[sl]],
                                  sem_s[sl]).wait()

        issue_src(0, 0)
        wait_src(0, 0)
        issue_in(0, 0)
        issue_src(1, 1)
        pltpu.sync_copy(dst_hbm.at[pl.ds(ebase, _K)], dstv.at[0])
        pltpu.async_copy(gx_v.at[1], acc_sh.at[dstv.at[0]], sem_s1,
                         add=True)
        issue_dst(0, 0)
        plsc.subcore_barrier()

        def phase(ph, sl, not_g, not_s):
            nsl = 1 - sl
            wait_scatter(nsl)

            @pl.when(not_g)
            def _():
                wait_src(ph + 1, nsl)
                issue_in(ph + 1, nsl)

            wait_in(ph, sl)

            @pl.when(not_s)
            def _():
                issue_src(ph + 2, sl)

            @pl.when(not_g)
            def _():
                issue_dst(ph + 1, nsl)

            compute(sl)
            wait_dst(ph, sl)
            scatter(sl)

        t_last = _NCH // 2 - 1

        def step(t, carry):
            a_not_s = t < t_last
            b_not = t < t_last
            phase(2 * t, 0, jnp.bool_(True), a_not_s)
            phase(2 * t + 1, 1, b_not, b_not)
            return carry

        lax.fori_loop(0, _NCH // 2, step, 0)
        wait_scatter(1)
        plsc.subcore_barrier()

        def dump(t, carry):
            r0 = (sid + t * _NSUB) * _K
            pltpu.sync_copy(acc_sh.at[pl.ds(r0, _K)],
                            out_hbm.at[cid, pl.ds(r0, _K)])
            return carry

        lax.fori_loop(0, nz, dump, 0)

    return k(x_all, src_all, dst_all, ep_all)


def kernel(x_author, x_paper, edge_index_a2p, edge_index_p2a,
           edge_attr_a2p, edge_attr_p2a, W_edge, b_edge, W_nn, b_nn, eps):
    src_all = jnp.concatenate([
        edge_index_a2p[0].astype(jnp.int32),
        edge_index_p2a[0].astype(jnp.int32) + N,
    ])
    dst_all = jnp.concatenate([
        edge_index_a2p[1].astype(jnp.int32),
        edge_index_p2a[1].astype(jnp.int32),
    ])
    ea_all = jnp.concatenate([edge_attr_a2p, edge_attr_p2a], axis=0)
    ep_all = _eproj(ea_all, W_edge, b_edge)

    xa, xp = x_author, x_paper
    for layer in range(2):
        x_all = jnp.concatenate([xa, xp], axis=0)
        agg = _sc_aggregate(x_all, src_all, dst_all, ep_all)
        new_stack = _out_transform(xp, xa, agg, W_nn, b_nn, eps,
                                   relu=(layer == 0))
        xp, xa = new_stack[:N], new_stack[N:]
    return (xa, xp)

# --- scband reference (transcript-rebuilt; emitter-appended) ---
"""Pipeline reference for scband-hetero-gnn-25881472925696 (READ-ONLY COPY).

The authoritative reference and input builder live on the scoring server;
editing this copy changes nothing except your own understanding.
"""

import jax, jax.numpy as jnp
import numpy as np

N_AUTHOR, N_PAPER, E, D, DE = 10000, 10000, 320000, 128, 16
NUM_LAYERS = 2


def setup_inputs(seed: int = 0) -> dict:
    key = jax.random.key(seed)
    ks = jax.random.split(key, 12)
    x_author = jax.random.normal(ks[0], (N_AUTHOR, D), jnp.float32)
    x_paper = jax.random.normal(ks[1], (N_PAPER, D), jnp.float32)
    edge_index_a2p = jnp.stack([
        jax.random.randint(ks[2], (E,), 0, N_AUTHOR),
        jax.random.randint(ks[3], (E,), 0, N_PAPER),
    ], axis=0)
    edge_index_p2a = jnp.stack([
        jax.random.randint(ks[4], (E,), 0, N_PAPER),
        jax.random.randint(ks[5], (E,), 0, N_AUTHOR),
    ], axis=0)
    edge_attr_a2p = jax.random.normal(ks[6], (E, DE), jnp.float32)
    edge_attr_p2a = jax.random.normal(ks[7], (E, DE), jnp.float32)
    # shared GINEConv parameters (same conv instance reused across edge types and layers)
    W_edge = jax.random.normal(ks[8], (DE, D), jnp.float32) * (1.0 / np.sqrt(DE))
    b_edge = jnp.zeros((D,), jnp.float32)
    W_nn = jax.random.normal(ks[9], (D, D), jnp.float32) * (1.0 / np.sqrt(D))
    b_nn = jnp.zeros((D,), jnp.float32)
    eps = jnp.zeros((), jnp.float32)  # train_eps=True, init 0
    return {
        "x_author": x_author, "x_paper": x_paper,
        "edge_index_a2p": edge_index_a2p, "edge_index_p2a": edge_index_p2a,
        "edge_attr_a2p": edge_attr_a2p, "edge_attr_p2a": edge_attr_p2a,
        "W_edge": W_edge, "b_edge": b_edge, "W_nn": W_nn, "b_nn": b_nn, "eps": eps,
    }


def reference(x_author, x_paper, edge_index_a2p, edge_index_p2a,
              edge_attr_a2p, edge_attr_p2a, W_edge, b_edge, W_nn, b_nn, eps):
    def gine(x_src, x_dst, ei, ea):
        # GINEConv message: relu(x_j + lin(edge_attr)); aggr: sum over dst
        msg = jax.nn.relu(x_src[ei[0]] + ea @ W_edge + b_edge)
        agg = jax.ops.segment_sum(msg, ei[1], num_segments=x_dst.shape[0])
        return ((1.0 + eps) * x_dst + agg) @ W_nn + b_nn

    xa, xp = x_author, x_paper
    for i in range(NUM_LAYERS):
        # HeteroConv(aggr='sum'): each dst type receives exactly one edge type here
        new_p = gine(xa, xp, edge_index_a2p, edge_attr_a2p)
        new_a = gine(xp, xa, edge_index_p2a, edge_attr_p2a)
        if i != NUM_LAYERS - 1:
            new_a = jax.nn.relu(new_a)
            new_p = jax.nn.relu(new_p)
        xa, xp = new_a, new_p
    return (xa, xp)

if __name__ == "__main__":
    import jax
    _d = setup_inputs()
    print(jax.jit(kernel)(*tuple(_d.values())))

</pallas_src>

<mosaic_0001>
#map = affine_map<(d0, d1) -> (0, 0)>
#map1 = affine_map<(d0, d1) -> (0)>
#map2 = affine_map<(d0, d1) -> (0, 0, 0)>
module attributes {stable_mosaic.version = 14 : i64} {
  func.func @k(%arg0: i32, %arg1: i32, %arg2: memref<20000x128xf32, #tpu.memory_space<hbm>>, %arg3: memref<640000xi32, #tpu.memory_space<hbm>>, %arg4: memref<640000xi32, #tpu.memory_space<hbm>>, %arg5: memref<640000x128xf32, #tpu.memory_space<hbm>>, %arg6: memref<2x10000x128xf32, #tpu.memory_space<hbm>>, %arg7: memref<2x80xi32, #tpu.memory_space<vmem>>, %arg8: memref<2x80xi32, #tpu.memory_space<vmem>>, %arg9: memref<2x80x128xf32, #tpu.memory_space<vmem>>, %arg10: memref<2x80x128xf32, #tpu.memory_space<vmem>>, %arg11: memref<10000x128xf32, #tpu.memory_space<vmem_shared>>, %arg12: memref<!tpu.dma_semaphore, #tpu.memory_space<semaphore_mem>>, %arg13: memref<!tpu.dma_semaphore, #tpu.memory_space<semaphore_mem>>, %arg14: memref<!tpu.dma_semaphore, #tpu.memory_space<semaphore_mem>>, %arg15: memref<!tpu.dma_semaphore, #tpu.memory_space<semaphore_mem>>, %arg16: memref<!tpu.dma_semaphore, #tpu.memory_space<semaphore_mem>>, %arg17: memref<!tpu.dma_semaphore, #tpu.memory_space<semaphore_mem>>, %arg18: memref<!tpu.dma_semaphore, #tpu.memory_space<semaphore_mem>>, %arg19: memref<!tpu.dma_semaphore, #tpu.memory_space<semaphore_mem>>) attributes {dimension_semantics = [#tpu.dimension_semantics<core_parallel>, #tpu.dimension_semantics<subcore_parallel>], iteration_bounds = array<i64: 2, 16>, scalar_prefetch = 0 : i64, scratch_operands = 13 : i64, tpu.core_type = #tpu.core_type<sc_vector_subcore>, window_params = [{transform_indices = #map}, {transform_indices = #map1}, {transform_indices = #map1}, {transform_indices = #map}, {transform_indices = #map2}]} {
    %mul3A = arith.constant 16 : i32
    %mul3A_0 = arith.muli %arg0, %mul3A : i32
    %add3A = arith.addi %mul3A_0, %arg1 : i32
    %mul3A_1 = arith.constant 20000 : i32
    %mul3A_2 = arith.muli %add3A, %mul3A_1 : i32
    %broadcast_in_dim3A = arith.constant 0.000000e+00 : f32
    %broadcast_in_dim3A_3 = vector.broadcast %broadcast_in_dim3A : f32 to vector<16xf32>
    %scan3A = arith.constant 0 : i32
    %scan3A_4 = arith.constant 0 : i32
    %scan3A_5 = arith.constant 80 : i32
    %scan3A_6 = arith.addi %scan3A_4, %scan3A_5 : i32
    %scan3A_7 = arith.constant 1 : i32
    scf.for %scan3A_130 = %scan3A_4 to %scan3A_6 step %scan3A_7  : i32 {
      %swap3A = arith.constant 1 : i32
      %swap3A_131 = arith.index_cast %swap3A : i32 to index
      %swap3A_132 = arith.index_cast %scan3A_130 : i32 to index
      %swap3A_133 = arith.constant 0 : index
      %swap3A_134 = tpu.vector_load %arg9[%swap3A_131, %swap3A_132, %swap3A_133] {strides = array<i32>} : memref<2x80x128xf32, #tpu.memory_space<vmem>>, vector<1x1x16xf32>,
      %swap3A_135 = vector.shape_cast %swap3A_134 : vector<1x1x16xf32> to vector<16xf32>
      %swap3A_136 = vector.shape_cast %broadcast_in_dim3A_3 : vector<16xf32> to vector<1x1x16xf32>
      tpu.vector_store %arg9[%swap3A_131, %swap3A_132, %swap3A_133], %swap3A_136 {strides = array<i32>} : memref<2x80x128xf32, #tpu.memory_space<vmem>>, vector<1x1x16xf32>,
      %swap3A_137 = arith.constant 1 : i32
      %swap3A_138 = arith.index_cast %swap3A_137 : i32 to index
      %swap3A_139 = arith.index_cast %scan3A_130 : i32 to index
      %swap3A_140 = arith.constant 16 : index
      %swap3A_141 = tpu.vector_load %arg9[%swap3A_138, %swap3A_139, %swap3A_140] {strides = array<i32>} : memref<2x80x128xf32, #tpu.memory_space<vmem>>, vector<1x1x16xf32>,
      %swap3A_142 = vector.shape_cast %swap3A_141 : vector<1x1x16xf32> to vector<16xf32>
      %swap3A_143 = vector.shape_cast %broadcast_in_dim3A_3 : vector<16xf32> to vector<1x1x16xf32>
      tpu.vector_store %arg9[%swap3A_138, %swap3A_139, %swap3A_140], %swap3A_143 {strides = array<i32>} : memref<2x80x128xf32, #tpu.memory_space<vmem>>, vector<1x1x16xf32>,
      %swap3A_144 = arith.constant 1 : i32
      %swap3A_145 = arith.index_cast %swap3A_144 : i32 to index
      %swap3A_146 = arith.index_cast %scan3A_130 : i32 to index
      %swap3A_147 = arith.constant 32 : index
      %swap3A_148 = tpu.vector_load %arg9[%swap3A_145, %swap3A_146, %swap3A_147] {strides = array<i32>} : memref<2x80x128xf32, #tpu.memory_space<vmem>>, vector<1x1x16xf32>,
      %swap3A_149 = vector.shape_cast %swap3A_148 : vector<1x1x16xf32> to vector<16xf32>
      %swap3A_150 = vector.shape_cast %broadcast_in_dim3A_3 : vector<16xf32> to vector<1x1x16xf32>
      tpu.vector_store %arg9[%swap3A_145, %swap3A_146, %swap3A_147], %swap3A_150 {strides = array<i32>} : memref<2x80x128xf32, #tpu.memory_space<vmem>>, vector<1x1x16xf32>,
      %swap3A_151 = arith.constant 1 : i32
      %swap3A_152 = arith.index_cast %swap3A_151 : i32 to index
      %swap3A_153 = arith.index_cast %scan3A_130 : i32 to index
      %swap3A_154 = arith.constant 48 : index
      %swap3A_155 = tpu.vector_load %arg9[%swap3A_152, %swap3A_153, %swap3A_154] {strides = array<i32>} : memref<2x80x128xf32, #tpu.memory_space<vmem>>, vector<1x1x16xf32>,
      %swap3A_156 = vector.shape_cast %swap3A_155 : vector<1x1x16xf32> to vector<16xf32>
      %swap3A_157 = vector.shape_cast %broadcast_in_dim3A_3 : vector<16xf32> to vector<1x1x16xf32>
      tpu.vector_store %arg9[%swap3A_152, %swap3A_153, %swap3A_154], %swap3A_157 {strides = array<i32>} : memref<2x80x128xf32, #tpu.memory_space<vmem>>, vector<1x1x16xf32>,
      %swap3A_158 = arith.constant 1 : i32
      %swap3A_159 = arith.index_cast %swap3A_158 : i32 to index
      %swap3A_160 = arith.index_cast %scan3A_130 : i32 to index
      %swap3A_161 = arith.constant 64 : index
      %swap3A_162 = tpu.vector_load %arg9[%swap3A_159, %swap3A_160, %swap3A_161] {strides = array<i32>} : memref<2x80x128xf32, #tpu.memory_space<vmem>>, vector<1x1x16xf32>,
      %swap3A_163 = vector.shape_cast %swap3A_162 : vector<1x1x16xf32> to vector<16xf32>
      %swap3A_164 = vector.shape_cast %broadcast_in_dim3A_3 : vector<16xf32> to vector<1x1x16xf32>
      tpu.vector_store %arg9[%swap3A_159, %swap3A_160, %swap3A_161], %swap3A_164 {strides = array<i32>} : memref<2x80x128xf32, #tpu.memory_space<vmem>>, vector<1x1x16xf32>,
      %swap3A_165 = arith.constant 1 : i32
      %swap3A_166 = arith.index_cast %swap3A_165 : i32 to index
      %swap3A_167 = arith.index_cast %scan3A_130 : i32 to index
      %swap3A_168 = arith.constant 80 : index
      %swap3A_169 = tpu.vector_load %arg9[%swap3A_166, %swap3A_167, %swap3A_168] {strides = array<i32>} : memref<2x80x128xf32, #tpu.memory_space<vmem>>, vector<1x1x16xf32>,
      %swap3A_170 = vector.shape_cast %swap3A_169 : vector<1x1x16xf32> to vector<16xf32>
      %swap3A_171 = vector.shape_cast %broadcast_in_dim3A_3 : vector<16xf32> to vector<1x1x16xf32>
      tpu.vector_store %arg9[%swap3A_166, %swap3A_167, %swap3A_168], %swap3A_171 {strides = array<i32>} : memref<2x80x128xf32, #tpu.memory_space<vmem>>, vector<1x1x16xf32>,
      %swap3A_172 = arith.constant 1 : i32
      %swap3A_173 = arith.index_cast %swap3A_172 : i32 to index
      %swap3A_174 = arith.index_cast %scan3A_130 : i32 to index
      %swap3A_175 = arith.constant 96 : index
      %swap3A_176 = tpu.vector_load %arg9[%swap3A_173, %swap3A_174, %swap3A_175] {strides = array<i32>} : memref<2x80x128xf32, #tpu.memory_space<vmem>>, vector<1x1x16xf32>,
      %swap3A_177 = vector.shape_cast %swap3A_176 : vector<1x1x16xf32> to vector<16xf32>
      %swap3A_178 = vector.shape_cast %broadcast_in_dim3A_3 : vector<16xf32> to vector<1x1x16xf32>
      tpu.vector_store %arg9[%swap3A_173, %swap3A_174, %swap3A_175], %swap3A_178 {strides = array<i32>} : memref<2x80x128xf32, #tpu.memory_space<vmem>>, vector<1x1x16xf32>,
      %swap3A_179 = arith.constant 1 : i32
      %swap3A_180 = arith.index_cast %swap3A_179 : i32 to index
      %swap3A_181 = arith.index_cast %scan3A_130 : i32 to index
      %swap3A_182 = arith.constant 112 : index
      %swap3A_183 = tpu.vector_load %arg9[%swap3A_180, %swap3A_181, %swap3A_182] {strides = array<i32>} : memref<2x80x128xf32, #tpu.memory_space<vmem>>, vector<1x1x16xf32>,
      %swap3A_184 = vector.shape_cast %swap3A_183 : vector<1x1x16xf32> to vector<16xf32>
      %swap3A_185 = vector.shape_cast %broadcast_in_dim3A_3 : vector<16xf32> to vector<1x1x16xf32>
      tpu.vector_store %arg9[%swap3A_180, %swap3A_181, %swap3A_182], %swap3A_185 {strides = array<i32>} : memref<2x80x128xf32, #tpu.memory_space<vmem>>, vector<1x1x16xf32>,
    }
    %scan3A_8 = arith.constant 80 : i32
    %lt3A = arith.constant 13 : i32
    %lt3A_9 = arith.cmpi slt, %arg1, %lt3A : i32
    %jit3A = arith.constant 8 : i32
    %jit3A_10 = arith.constant 7 : i32
    %select_n3A = arith.select %lt3A_9, %jit3A, %jit3A_10 : i32
    %while3A = arith.constant 0 : i32
    %while3A_11 = arith.constant 0 : i32
    %while3A_12 = arith.subi %select_n3A, %while3A_11 : i32
    %while3A_13 = arith.addi %while3A_11, %while3A_12 : i32
    %while3A_14 = arith.constant 1 : i32
    %while3A_15 = arith.divsi %while3A_12, %while3A_14 : i32
    %while3A_16 = arith.muli %while3A_15, %while3A_14 : i32
    %while3A_17 = arith.addi %while3A_11, %while3A_16 : i32
    %while3A_18 = arith.constant 1 : i32
    scf.for %while3A_130 = %while3A_11 to %while3A_17 step %while3A_18  : i32 {
      %mul3A_131 = arith.constant 16 : i32
      %mul3A_132 = arith.muli %while3A_130, %mul3A_131 : i32
      %add3A_133 = arith.addi %arg1, %mul3A_132 : i32
      %mul3A_134 = arith.constant 80 : i32
      %mul3A_135 = arith.muli %add3A_133, %mul3A_134 : i32
      %run_scoped3A_136 = arith.constant 1 : i32
      "tpu.region"() ({
        %run_scoped3A_137 = tpu.sem_alloc : memref<!tpu.dma_semaphore, #tpu.memory_space<semaphore_mem>>
        %dma_start3A_138 = arith.constant 0 : i32
        %dma_start3A_139 = arith.constant 0 : i32
        %dma_start3A_140 = tpu.memref_slice %arg9[%run_scoped3A_136, %dma_start3A_138, %dma_start3A_139] : memref<2x80x128xf32, #tpu.memory_space<vmem>> -> memref<1x80x128xf32, #tpu.memory_space<vmem>>
        %dma_start3A_141 = tpu.memref_squeeze %dma_start3A_140 : memref<1x80x128xf32, #tpu.memory_space<vmem>> -> memref<80x128xf32, #tpu.memory_space<vmem>>
        %dma_start3A_142 = arith.constant 0 : i32
        %dma_start3A_143 = tpu.memref_slice %arg11[%mul3A_135, %dma_start3A_142] : memref<10000x128xf32, #tpu.memory_space<vmem_shared>> -> memref<80x128xf32, #tpu.memory_space<vmem_shared>>
        %dma_start3A_144 = arith.constant 0 : i32
        %dma_start3A_145 = tpu.memref_slice %arg11[%mul3A_135, %dma_start3A_144] : memref<10000x128xf32, #tpu.memory_space<vmem_shared>> -> memref<80x128xf32, #tpu.memory_space<vmem_shared>>
        %dma_start3A_146 = arith.constant 0 : i32
        %dma_start3A_147 = arith.constant 0 : i32
        %dma_start3A_148 = tpu.memref_slice %arg9[%run_scoped3A_136, %dma_start3A_146, %dma_start3A_147] : memref<2x80x128xf32, #tpu.memory_space<vmem>> -> memref<1x80x128xf32, #tpu.memory_space<vmem>>
        %dma_start3A_149 = tpu.memref_squeeze %dma_start3A_148 : memref<1x80x128xf32, #tpu.memory_space<vmem>> -> memref<80x128xf32, #tpu.memory_space<vmem>>
        tpu.enqueue_dma source(%dma_start3A_149 : memref<80x128xf32, #tpu.memory_space<vmem>>) target(%dma_start3A_145 : memref<80x128xf32, #tpu.memory_space<vmem_shared>>) target_semaphore(%run_scoped3A_137 : memref<!tpu.dma_semaphore, #tpu.memory_space<semaphore_mem>>)
        %dma_wait3A_150 = arith.constant 0 : i32
        %dma_wait3A_151 = arith.constant 0 : i32
        %dma_wait3A_152 = tpu.memref_slice %arg9[%run_scoped3A_136, %dma_wait3A_150, %dma_wait3A_151] : memref<2x80x128xf32, #tpu.memory_space<vmem>> -> memref<1x80x128xf32, #tpu.memory_space<vmem>>
        %dma_wait3A_153 = tpu.memref_squeeze %dma_wait3A_152 : memref<1x80x128xf32, #tpu.memory_space<vmem>> -> memref<80x128xf32, #tpu.memory_space<vmem>>
        %dma_wait3A_154 = arith.constant 0 : i32
        %dma_wait3A_155 = tpu.memref_slice %arg11[%mul3A_135, %dma_wait3A_154] : memref<10000x128xf32, #tpu.memory_space<vmem_shared>> -> memref<80x128xf32, #tpu.memory_space<vmem_shared>>
        %dma_wait3A_156 = arith.constant 0 : i32
        %dma_wait3A_157 = tpu.memref_slice %arg11[%mul3A_135, %dma_wait3A_156] : memref<10000x128xf32, #tpu.memory_space<vmem_shared>> -> memref<80x128xf32, #tpu.memory_space<vmem_shared>>
        %dma_wait3A_158 = arith.constant 0 : i32
        %dma_wait3A_159 = arith.constant 0 : i32
        %dma_wait3A_160 = tpu.memref_slice %arg9[%run_scoped3A_136, %dma_wait3A_158, %dma_wait3A_159] : memref<2x80x128xf32, #tpu.memory_space<vmem>> -> memref<1x80x128xf32, #tpu.memory_space<vmem>>
        %dma_wait3A_161 = tpu.memref_squeeze %dma_wait3A_160 : memref<1x80x128xf32, #tpu.memory_space<vmem>> -> memref<80x128xf32, #tpu.memory_space<vmem>>
        tpu.wait_dma2 semaphore(%run_scoped3A_137 : memref<!tpu.dma_semaphore, #tpu.memory_space<semaphore_mem>>) src(%dma_wait3A_161 : memref<80x128xf32, #tpu.memory_space<vmem>>) dst(%dma_wait3A_157 : memref<80x128xf32, #tpu.memory_space<vmem_shared>>)
        tpu.yield
      }) : () -> ()
    }
    %while3A_19 = arith.constant 1 : i32
    scf.for %while3A_130 = %while3A_17 to %while3A_13 step %while3A_19  : i32 {
      %mul3A_131 = arith.constant 16 : i32
      %mul3A_132 = arith.muli %while3A_130, %mul3A_131 : i32
      %add3A_133 = arith.addi %arg1, %mul3A_132 : i32
      %mul3A_134 = arith.constant 80 : i32
      %mul3A_135 = arith.muli %add3A_133, %mul3A_134 : i32
      %run_scoped3A_136 = arith.constant 1 : i32
      "tpu.region"() ({
        %run_scoped3A_137 = tpu.sem_alloc : memref<!tpu.dma_semaphore, #tpu.memory_space<semaphore_mem>>
        %dma_start3A_138 = arith.constant 0 : i32
        %dma_start3A_139 = arith.constant 0 : i32
        %dma_start3A_140 = tpu.memref_slice %arg9[%run_scoped3A_136, %dma_start3A_138, %dma_start3A_139] : memref<2x80x128xf32, #tpu.memory_space<vmem>> -> memref<1x80x128xf32, #tpu.memory_space<vmem>>
        %dma_start3A_141 = tpu.memref_squeeze %dma_start3A_140 : memref<1x80x128xf32, #tpu.memory_space<vmem>> -> memref<80x128xf32, #tpu.memory_space<vmem>>
        %dma_start3A_142 = arith.constant 0 : i32
        %dma_start3A_143 = tpu.memref_slice %arg11[%mul3A_135, %dma_start3A_142] : memref<10000x128xf32, #tpu.memory_space<vmem_shared>> -> memref<80x128xf32, #tpu.memory_space<vmem_shared>>
        %dma_start3A_144 = arith.constant 0 : i32
        %dma_start3A_145 = tpu.memref_slice %arg11[%mul3A_135, %dma_start3A_144] : memref<10000x128xf32, #tpu.memory_space<vmem_shared>> -> memref<80x128xf32, #tpu.memory_space<vmem_shared>>
        %dma_start3A_146 = arith.constant 0 : i32
        %dma_start3A_147 = arith.constant 0 : i32
        %dma_start3A_148 = tpu.memref_slice %arg9[%run_scoped3A_136, %dma_start3A_146, %dma_start3A_147] : memref<2x80x128xf32, #tpu.memory_space<vmem>> -> memref<1x80x128xf32, #tpu.memory_space<vmem>>
        %dma_start3A_149 = tpu.memref_squeeze %dma_start3A_148 : memref<1x80x128xf32, #tpu.memory_space<vmem>> -> memref<80x128xf32, #tpu.memory_space<vmem>>
        tpu.enqueue_dma source(%dma_start3A_149 : memref<80x128xf32, #tpu.memory_space<vmem>>) target(%dma_start3A_145 : memref<80x128xf32, #tpu.memory_space<vmem_shared>>) target_semaphore(%run_scoped3A_137 : memref<!tpu.dma_semaphore, #tpu.memory_space<semaphore_mem>>)
        %dma_wait3A_150 = arith.constant 0 : i32
        %dma_wait3A_151 = arith.constant 0 : i32
        %dma_wait3A_152 = tpu.memref_slice %arg9[%run_scoped3A_136, %dma_wait3A_150, %dma_wait3A_151] : memref<2x80x128xf32, #tpu.memory_space<vmem>> -> memref<1x80x128xf32, #tpu.memory_space<vmem>>
        %dma_wait3A_153 = tpu.memref_squeeze %dma_wait3A_152 : memref<1x80x128xf32, #tpu.memory_space<vmem>> -> memref<80x128xf32, #tpu.memory_space<vmem>>
        %dma_wait3A_154 = arith.constant 0 : i32
        %dma_wait3A_155 = tpu.memref_slice %arg11[%mul3A_135, %dma_wait3A_154] : memref<10000x128xf32, #tpu.memory_space<vmem_shared>> -> memref<80x128xf32, #tpu.memory_space<vmem_shared>>
        %dma_wait3A_156 = arith.constant 0 : i32
        %dma_wait3A_157 = tpu.memref_slice %arg11[%mul3A_135, %dma_wait3A_156] : memref<10000x128xf32, #tpu.memory_space<vmem_shared>> -> memref<80x128xf32, #tpu.memory_space<vmem_shared>>
        %dma_wait3A_158 = arith.constant 0 : i32
        %dma_wait3A_159 = arith.constant 0 : i32
        %dma_wait3A_160 = tpu.memref_slice %arg9[%run_scoped3A_136, %dma_wait3A_158, %dma_wait3A_159] : memref<2x80x128xf32, #tpu.memory_space<vmem>> -> memref<1x80x128xf32, #tpu.memory_space<vmem>>
        %dma_wait3A_161 = tpu.memref_squeeze %dma_wait3A_160 : memref<1x80x128xf32, #tpu.memory_space<vmem>> -> memref<80x128xf32, #tpu.memory_space<vmem>>
        tpu.wait_dma2 semaphore(%run_scoped3A_137 : memref<!tpu.dma_semaphore, #tpu.memory_space<semaphore_mem>>) src(%dma_wait3A_161 : memref<80x128xf32, #tpu.memory_space<vmem>>) dst(%dma_wait3A_157 : memref<80x128xf32, #tpu.memory_space<vmem_shared>>)
        tpu.yield
      }) : () -> ()
    }
    %add3A_20 = arith.constant 0 : i32
    %add3A_21 = arith.addi %mul3A_2, %add3A_20 : i32
    %dma_start3A = arith.constant 0 : i32
    %dma_start3A_22 = arith.constant 0 : i32
    %dma_start3A_23 = tpu.memref_slice %arg7[%dma_start3A, %dma_start3A_22] : memref<2x80xi32, #tpu.memory_space<vmem>> -> memref<1x80xi32, #tpu.memory_space<vmem>>
    %dma_start3A_24 = tpu.memref_squeeze %dma_start3A_23 : memref<1x80xi32, #tpu.memory_space<vmem>> -> memref<80xi32, #tpu.memory_space<vmem>>
    %dma_start3A_25 = tpu.memref_slice %arg3[%add3A_21] : memref<640000xi32, #tpu.memory_space<hbm>> -> memref<80xi32, #tpu.memory_space<hbm>>
    %dma_start3A_26 = arith.constant 0 : i32
    %dma_start3A_27 = tpu.memref_slice %arg7[%dma_start3A, %dma_start3A_26] : memref<2x80xi32, #tpu.memory_space<vmem>> -> memref<1x80xi32, #tpu.memory_space<vmem>>
    %dma_start3A_28 = tpu.memref_squeeze %dma_start3A_27 : memref<1x80xi32, #tpu.memory_space<vmem>> -> memref<80xi32, #tpu.memory_space<vmem>>
    %dma_start3A_29 = tpu.memref_slice %arg3[%add3A_21] : memref<640000xi32, #tpu.memory_space<hbm>> -> memref<80xi32, #tpu.memory_space<hbm>>
    tpu.enqueue_dma source(%dma_start3A_29 : memref<80xi32, #tpu.memory_space<hbm>>) target(%dma_start3A_28 : memref<80xi32, #tpu.memory_space<vmem>>) target_semaphore(%arg12 : memref<!tpu.dma_semaphore, #tpu.memory_space<semaphore_mem>>)
    %add3A_30 = arith.constant 0 : i32
    %add3A_31 = arith.addi %mul3A_2, %add3A_30 : i32
    %dma_wait3A = arith.constant 0 : i32
    %dma_wait3A_32 = arith.constant 0 : i32
    %dma_wait3A_33 = tpu.memref_slice %arg7[%dma_wait3A, %dma_wait3A_32] : memref<2x80xi32, #tpu.memory_space<vmem>> -> memref<1x80xi32, #tpu.memory_space<vmem>>
    %dma_wait3A_34 = tpu.memref_squeeze %dma_wait3A_33 : memref<1x80xi32, #tpu.memory_space<vmem>> -> memref<80xi32, #tpu.memory_space<vmem>>
    %dma_wait3A_35 = tpu.memref_slice %arg3[%add3A_31] : memref<640000xi32, #tpu.memory_space<hbm>> -> memref<80xi32, #tpu.memory_space<hbm>>
    %dma_wait3A_36 = arith.constant 0 : i32
    %dma_wait3A_37 = tpu.memref_slice %arg7[%dma_wait3A, %dma_wait3A_36] : memref<2x80xi32, #tpu.memory_space<vmem>> -> memref<1x80xi32, #tpu.memory_space<vmem>>
    %dma_wait3A_38 = tpu.memref_squeeze %dma_wait3A_37 : memref<1x80xi32, #tpu.memory_space<vmem>> -> memref<80xi32, #tpu.memory_space<vmem>>
    %dma_wait3A_39 = tpu.memref_slice %arg3[%add3A_31] : memref<640000xi32, #tpu.memory_space<hbm>> -> memref<80xi32, #tpu.memory_space<hbm>>
    tpu.wait_dma2 semaphore(%arg12 : memref<!tpu.dma_semaphore, #tpu.memory_space<semaphore_mem>>) src(%dma_wait3A_39 : memref<80xi32, #tpu.memory_space<hbm>>) dst(%dma_wait3A_38 : memref<80xi32, #tpu.memory_space<vmem>>)
    %dma_start3A_40 = arith.constant 0 : i32
    %dma_start3A_41 = arith.constant 0 : i32
    %dma_start3A_42 = arith.constant 0 : i32
    %dma_start3A_43 = arith.constant 0 : i32
    %dma_start3A_44 = tpu.memref_slice %arg9[%dma_start3A_41, %dma_start3A_42, %dma_start3A_43] : memref<2x80x128xf32, #tpu.memory_space<vmem>> -> memref<1x80x128xf32, #tpu.memory_space<vmem>>
    %dma_start3A_45 = tpu.memref_squeeze %dma_start3A_44 : memref<1x80x128xf32, #tpu.memory_space<vmem>> -> memref<80x128xf32, #tpu.memory_space<vmem>>
    %dma_start3A_46 = arith.constant 0 : i32
    %dma_start3A_47 = tpu.memref_slice %arg7[%dma_start3A_40, %dma_start3A_46] : memref<2x80xi32, #tpu.memory_space<vmem>> -> memref<1x80xi32, #tpu.memory_space<vmem>>
    %dma_start3A_48 = tpu.memref_squeeze %dma_start3A_47 : memref<1x80xi32, #tpu.memory_space<vmem>> -> memref<80xi32, #tpu.memory_space<vmem>>
    %dma_start3A_49 = arith.constant 0 : i32
    %dma_start3A_50 = arith.constant 0 : i32
    %dma_start3A_51 = tpu.memref_slice %arg2[%dma_start3A_49, %dma_start3A_50] : memref<20000x128xf32, #tpu.memory_space<hbm>> -> memref<20000x128xf32, #tpu.memory_space<hbm>>
    tpu.enqueue_indirect_dma source(%dma_start3A_51 : memref<20000x128xf32, #tpu.memory_space<hbm>>) target(%dma_start3A_45 : memref<80x128xf32, #tpu.memory_space<vmem>>) offsets(%dma_start3A_48 : memref<80xi32, #tpu.memory_space<vmem>>) semaphore(%arg14 : memref<!tpu.dma_semaphore, #tpu.memory_space<semaphore_mem>>)
    %add3A_52 = arith.constant 0 : i32
    %add3A_53 = arith.addi %mul3A_2, %add3A_52 : i32
    %dma_start3A_54 = arith.constant 0 : i32
    %dma_start3A_55 = arith.constant 0 : i32
    %dma_start3A_56 = arith.constant 0 : i32
    %dma_start3A_57 = tpu.memref_slice %arg10[%dma_start3A_54, %dma_start3A_55, %dma_start3A_56] : memref<2x80x128xf32, #tpu.memory_space<vmem>> -> memref<1x80x128xf32, #tpu.memory_space<vmem>>
    %dma_start3A_58 = tpu.memref_squeeze %dma_start3A_57 : memref<1x80x128xf32, #tpu.memory_space<vmem>> -> memref<80x128xf32, #tpu.memory_space<vmem>>
    %dma_start3A_59 = arith.constant 0 : i32
    %dma_start3A_60 = tpu.memref_slice %arg5[%add3A_53, %dma_start3A_59] : memref<640000x128xf32, #tpu.memory_space<hbm>> -> memref<80x128xf32, #tpu.memory_space<hbm>>
    %dma_start3A_61 = arith.constant 0 : i32
    %dma_start3A_62 = arith.constant 0 : i32
    %dma_start3A_63 = tpu.memref_slice %arg10[%dma_start3A_54, %dma_start3A_61, %dma_start3A_62] : memref<2x80x128xf32, #tpu.memory_space<vmem>> -> memref<1x80x128xf32, #tpu.memory_space<vmem>>
    %dma_start3A_64 = tpu.memref_squeeze %dma_start3A_63 : memref<1x80x128xf32, #tpu.memory_space<vmem>> -> memref<80x128xf32, #tpu.memory_space<vmem>>
    %dma_start3A_65 = arith.constant 0 : i32
    %dma_start3A_66 = tpu.memref_slice %arg5[%add3A_53, %dma_start3A_65] : memref<640000x128xf32, #tpu.memory_space<hbm>> -> memref<80x128xf32, #tpu.memory_space<hbm>>
    tpu.enqueue_dma source(%dma_start3A_66 : memref<80x128xf32, #tpu.memory_space<hbm>>) target(%dma_start3A_64 : memref<80x128xf32, #tpu.memory_space<vmem>>) target_semaphore(%arg16 : memref<!tpu.dma_semaphore, #tpu.memory_space<semaphore_mem>>)
    %add3A_67 = arith.constant 80 : i32
    %add3A_68 = arith.addi %mul3A_2, %add3A_67 : i32
    %dma_start3A_69 = arith.constant 1 : i32
    %dma_start3A_70 = arith.constant 0 : i32
    %dma_start3A_71 = tpu.memref_slice %arg7[%dma_start3A_69, %dma_start3A_70] : memref<2x80xi32, #tpu.memory_space<vmem>> -> memref<1x80xi32, #tpu.memory_space<vmem>>
    %dma_start3A_72 = tpu.memref_squeeze %dma_start3A_71 : memref<1x80xi32, #tpu.memory_space<vmem>> -> memref<80xi32, #tpu.memory_space<vmem>>
    %dma_start3A_73 = tpu.memref_slice %arg3[%add3A_68] : memref<640000xi32, #tpu.memory_space<hbm>> -> memref<80xi32, #tpu.memory_space<hbm>>
    %dma_start3A_74 = arith.constant 0 : i32
    %dma_start3A_75 = tpu.memref_slice %arg7[%dma_start3A_69, %dma_start3A_74] : memref<2x80xi32, #tpu.memory_space<vmem>> -> memref<1x80xi32, #tpu.memory_space<vmem>>
    %dma_start3A_76 = tpu.memref_squeeze %dma_start3A_75 : memref<1x80xi32, #tpu.memory_space<vmem>> -> memref<80xi32, #tpu.memory_space<vmem>>
    %dma_start3A_77 = tpu.memref_slice %arg3[%add3A_68] : memref<640000xi32, #tpu.memory_space<hbm>> -> memref<80xi32, #tpu.memory_space<hbm>>
    tpu.enqueue_dma source(%dma_start3A_77 : memref<80xi32, #tpu.memory_space<hbm>>) target(%dma_start3A_76 : memref<80xi32, #tpu.memory_space<vmem>>) target_semaphore(%arg12 : memref<!tpu.dma_semaphore, #tpu.memory_space<semaphore_mem>>)
    %run_scoped3A = arith.constant 0 : i32
    "tpu.region"() ({
      %run_scoped3A_130 = tpu.sem_alloc : memref<!tpu.dma_semaphore, #tpu.memory_space<semaphore_mem>>
      %dma_start3A_131 = arith.constant 0 : i32
      %dma_start3A_132 = tpu.memref_slice %arg8[%run_scoped3A, %dma_start3A_131] : memref<2x80xi32, #tpu.memory_space<vmem>> -> memref<1x80xi32, #tpu.memory_space<vmem>>
      %dma_start3A_133 = tpu.memref_squeeze %dma_start3A_132 : memref<1x80xi32, #tpu.memory_space<vmem>> -> memref<80xi32, #tpu.memory_space<vmem>>
      %dma_start3A_134 = tpu.memref_slice %arg4[%mul3A_2] : memref<640000xi32, #tpu.memory_space<hbm>> -> memref<80xi32, #tpu.memory_space<hbm>>
      %dma_start3A_135 = arith.constant 0 : i32
      %dma_start3A_136 = tpu.memref_slice %arg8[%run_scoped3A, %dma_start3A_135] : memref<2x80xi32, #tpu.memory_space<vmem>> -> memref<1x80xi32, #tpu.memory_space<vmem>>
      %dma_start3A_137 = tpu.memref_squeeze %dma_start3A_136 : memref<1x80xi32, #tpu.memory_space<vmem>> -> memref<80xi32, #tpu.memory_space<vmem>>
      %dma_start3A_138 = tpu.memref_slice %arg4[%mul3A_2] : memref<640000xi32, #tpu.memory_space<hbm>> -> memref<80xi32, #tpu.memory_space<hbm>>
      tpu.enqueue_dma source(%dma_start3A_138 : memref<80xi32, #tpu.memory_space<hbm>>) target(%dma_start3A_137 : memref<80xi32, #tpu.memory_space<vmem>>) target_semaphore(%run_scoped3A_130 : memref<!tpu.dma_semaphore, #tpu.memory_space<semaphore_mem>>)
      %dma_wait3A_139 = arith.constant 0 : i32
      %dma_wait3A_140 = tpu.memref_slice %arg8[%run_scoped3A, %dma_wait3A_139] : memref<2x80xi32, #tpu.memory_space<vmem>> -> memref<1x80xi32, #tpu.memory_space<vmem>>
      %dma_wait3A_141 = tpu.memref_squeeze %dma_wait3A_140 : memref<1x80xi32, #tpu.memory_space<vmem>> -> memref<80xi32, #tpu.memory_space<vmem>>
      %dma_wait3A_142 = tpu.memref_slice %arg4[%mul3A_2] : memref<640000xi32, #tpu.memory_space<hbm>> -> memref<80xi32, #tpu.memory_space<hbm>>
      %dma_wait3A_143 = arith.constant 0 : i32
      %dma_wait3A_144 = tpu.memref_slice %arg8[%run_scoped3A, %dma_wait3A_143] : memref<2x80xi32, #tpu.memory_space<vmem>> -> memref<1x80xi32, #tpu.memory_space<vmem>>
      %dma_wait3A_145 = tpu.memref_squeeze %dma_wait3A_144 : memref<1x80xi32, #tpu.memory_space<vmem>> -> memref<80xi32, #tpu.memory_space<vmem>>
      %dma_wait3A_146 = tpu.memref_slice %arg4[%mul3A_2] : memref<640000xi32, #tpu.memory_space<hbm>> -> memref<80xi32, #tpu.memory_space<hbm>>
      tpu.wait_dma2 semaphore(%run_scoped3A_130 : memref<!tpu.dma_semaphore, #tpu.memory_space<semaphore_mem>>) src(%dma_wait3A_146 : memref<80xi32, #tpu.memory_space<hbm>>) dst(%dma_wait3A_145 : memref<80xi32, #tpu.memory_space<vmem>>)
      tpu.yield
    }) : () -> ()
    %dma_start3A_78 = arith.constant 1 : i32
    %dma_start3A_79 = arith.constant 0 : i32
    %dma_start3A_80 = arith.constant 0 : i32
    %dma_start3A_81 = arith.constant 0 : i32
    %dma_start3A_82 = tpu.memref_slice %arg9[%dma_start3A_78, %dma_start3A_80, %dma_start3A_81] : memref<2x80x128xf32, #tpu.memory_space<vmem>> -> memref<1x80x128xf32, #tpu.memory_space<vmem>>
    %dma_start3A_83 = tpu.memref_squeeze %dma_start3A_82 : memref<1x80x128xf32, #tpu.memory_space<vmem>> -> memref<80x128xf32, #tpu.memory_space<vmem>>
    %dma_start3A_84 = arith.constant 0 : i32
    %dma_start3A_85 = tpu.memref_slice %arg8[%dma_start3A_79, %dma_start3A_84] : memref<2x80xi32, #tpu.memory_space<vmem>> -> memref<1x80xi32, #tpu.memory_space<vmem>>
    %dma_start3A_86 = tpu.memref_squeeze %dma_start3A_85 : memref<1x80xi32, #tpu.memory_space<vmem>> -> memref<80xi32, #tpu.memory_space<vmem>>
    %dma_start3A_87 = arith.constant 0 : i32
    %dma_start3A_88 = arith.constant 0 : i32
    %dma_start3A_89 = tpu.memref_slice %arg11[%dma_start3A_87, %dma_start3A_88] : memref<10000x128xf32, #tpu.memory_space<vmem_shared>> -> memref<10000x128xf32, #tpu.memory_space<vmem_shared>>
    tpu.enqueue_indirect_dma source(%dma_start3A_83 : memref<80x128xf32, #tpu.memory_space<vmem>>) target(%dma_start3A_89 : memref<10000x128xf32, #tpu.memory_space<vmem_shared>>) offsets(%dma_start3A_86 : memref<80xi32, #tpu.memory_space<vmem>>) semaphore(%arg19 : memref<!tpu.dma_semaphore, #tpu.memory_space<semaphore_mem>>) {add = true}
    %add3A_90 = arith.constant 0 : i32
    %add3A_91 = arith.addi %mul3A_2, %add3A_90 : i32
    %dma_start3A_92 = arith.constant 0 : i32
    %dma_start3A_93 = arith.constant 0 : i32
    %dma_start3A_94 = tpu.memref_slice %arg8[%dma_start3A_92, %dma_start3A_93] : memref<2x80xi32, #tpu.memory_space<vmem>> -> memref<1x80xi32, #tpu.memory_space<vmem>>
    %dma_start3A_95 = tpu.memref_squeeze %dma_start3A_94 : memref<1x80xi32, #tpu.memory_space<vmem>> -> memref<80xi32, #tpu.memory_space<vmem>>
    %dma_start3A_96 = tpu.memref_slice %arg4[%add3A_91] : memref<640000xi32, #tpu.memory_space<hbm>> -> memref<80xi32, #tpu.memory_space<hbm>>
    %dma_start3A_97 = arith.constant 0 : i32
    %dma_start3A_98 = tpu.memref_slice %arg8[%dma_start3A_92, %dma_start3A_97] : memref<2x80xi32, #tpu.memory_space<vmem>> -> memref<1x80xi32, #tpu.memory_space<vmem>>
    %dma_start3A_99 = tpu.memref_squeeze %dma_start3A_98 : memref<1x80xi32, #tpu.memory_space<vmem>> -> memref<80xi32, #tpu.memory_space<vmem>>
    %dma_start3A_100 = tpu.memref_slice %arg4[%add3A_91] : memref<640000xi32, #tpu.memory_space<hbm>> -> memref<80xi32, #tpu.memory_space<hbm>>
    tpu.enqueue_dma source(%dma_start3A_100 : memref<80xi32, #tpu.memory_space<hbm>>) target(%dma_start3A_99 : memref<80xi32, #tpu.memory_space<vmem>>) target_semaphore(%arg13 : memref<!tpu.dma_semaphore, #tpu.memory_space<semaphore_mem>>)
    %barrier3A = arith.constant 0 : index
    tpu.barrier barrier_id(%barrier3A)
    %scan3A_101 = arith.constant 0 : i32
    %scan3A_102 = arith.constant 0 : i32
    %scan3A_103 = arith.constant 125 : i32
    %scan3A_104 = arith.addi %scan3A_102, %scan3A_103 : i32
    %scan3A_105 = arith.constant 1 : i32
    scf.for %scan3A_130 = %scan3A_102 to %scan3A_104 step %scan3A_105  : i32 {
      %lt3A_131 = arith.constant 124 : i32
      %lt3A_132 = arith.cmpi slt, %scan3A_130, %lt3A_131 : i32
      %lt3A_133 = arith.constant 124 : i32
      %lt3A_134 = arith.cmpi slt, %scan3A_130, %lt3A_133 : i32
      %mul3A_135 = arith.constant 2 : i32
      %mul3A_136 = arith.muli %mul3A_135, %scan3A_130 : i32
      %dma_wait3A_137 = arith.constant 1 : i32
      %dma_wait3A_138 = arith.constant 1 : i32
      %dma_wait3A_139 = arith.constant 0 : i32
      %dma_wait3A_140 = arith.constant 0 : i32
      %dma_wait3A_141 = tpu.memref_slice %arg9[%dma_wait3A_137, %dma_wait3A_139, %dma_wait3A_140] : memref<2x80x128xf32, #tpu.memory_space<vmem>> -> memref<1x80x128xf32, #tpu.memory_space<vmem>>
      %dma_wait3A_142 = tpu.memref_squeeze %dma_wait3A_141 : memref<1x80x128xf32, #tpu.memory_space<vmem>> -> memref<80x128xf32, #tpu.memory_space<vmem>>
      %dma_wait3A_143 = arith.constant 0 : i32
      %dma_wait3A_144 = tpu.memref_slice %arg8[%dma_wait3A_138, %dma_wait3A_143] : memref<2x80xi32, #tpu.memory_space<vmem>> -> memref<1x80xi32, #tpu.memory_space<vmem>>
      %dma_wait3A_145 = tpu.memref_squeeze %dma_wait3A_144 : memref<1x80xi32, #tpu.memory_space<vmem>> -> memref<80xi32, #tpu.memory_space<vmem>>
      %dma_wait3A_146 = arith.constant 0 : i32
      %dma_wait3A_147 = arith.constant 0 : i32
      %dma_wait3A_148 = tpu.memref_slice %arg11[%dma_wait3A_146, %dma_wait3A_147] : memref<10000x128xf32, #tpu.memory_space<vmem_shared>> -> memref<10000x128xf32, #tpu.memory_space<vmem_shared>>
      tpu.wait_indirect_dma semaphore(%arg19 : memref<!tpu.dma_semaphore, #tpu.memory_space<semaphore_mem>>) src(%dma_wait3A_142 : memref<80x128xf32, #tpu.memory_space<vmem>>) dst(%dma_wait3A_148 : memref<10000x128xf32, #tpu.memory_space<vmem_shared>>)
      %cond3A = arith.constant 1 : i32
      %add3A_149 = arith.constant 1 : i32
      %add3A_150 = arith.addi %mul3A_136, %add3A_149 : i32
      %mul3A_151 = arith.constant 80 : i32
      %mul3A_152 = arith.muli %add3A_150, %mul3A_151 : i32
      %add3A_153 = arith.addi %mul3A_2, %mul3A_152 : i32
      %dma_wait3A_154 = arith.constant 1 : i32
      %dma_wait3A_155 = arith.constant 0 : i32
      %dma_wait3A_156 = tpu.memref_slice %arg7[%dma_wait3A_154, %dma_wait3A_155] : memref<2x80xi32, #tpu.memory_space<vmem>> -> memref<1x80xi32, #tpu.memory_space<vmem>>
      %dma_wait3A_157 = tpu.memref_squeeze %dma_wait3A_156 : memref<1x80xi32, #tpu.memory_space<vmem>> -> memref<80xi32, #tpu.memory_space<vmem>>
      %dma_wait3A_158 = tpu.memref_slice %arg3[%add3A_153] : memref<640000xi32, #tpu.memory_space<hbm>> -> memref<80xi32, #tpu.memory_space<hbm>>
      %dma_wait3A_159 = arith.constant 0 : i32
      %dma_wait3A_160 = tpu.memref_slice %arg7[%dma_wait3A_154, %dma_wait3A_159] : memref<2x80xi32, #tpu.memory_space<vmem>> -> memref<1x80xi32, #tpu.memory_space<vmem>>
      %dma_wait3A_161 = tpu.memref_squeeze %dma_wait3A_160 : memref<1x80xi32, #tpu.memory_space<vmem>> -> memref<80xi32, #tpu.memory_space<vmem>>
      %dma_wait3A_162 = tpu.memref_slice %arg3[%add3A_153] : memref<640000xi32, #tpu.memory_space<hbm>> -> memref<80xi32, #tpu.memory_space<hbm>>
      tpu.wait_dma2 semaphore(%arg12 : memref<!tpu.dma_semaphore, #tpu.memory_space<semaphore_mem>>) src(%dma_wait3A_162 : memref<80xi32, #tpu.memory_space<hbm>>) dst(%dma_wait3A_161 : memref<80xi32, #tpu.memory_space<vmem>>)
      %add3A_163 = arith.constant 1 : i32
      %add3A_164 = arith.addi %mul3A_136, %add3A_163 : i32
      %dma_start3A_165 = arith.constant 1 : i32
      %dma_start3A_166 = arith.constant 1 : i32
      %dma_start3A_167 = arith.constant 0 : i32
      %dma_start3A_168 = arith.constant 0 : i32
      %dma_start3A_169 = tpu.memref_slice %arg9[%dma_start3A_166, %dma_start3A_167, %dma_start3A_168] : memref<2x80x128xf32, #tpu.memory_space<vmem>> -> memref<1x80x128xf32, #tpu.memory_space<vmem>>
      %dma_start3A_170 = tpu.memref_squeeze %dma_start3A_169 : memref<1x80x128xf32, #tpu.memory_space<vmem>> -> memref<80x128xf32, #tpu.memory_space<vmem>>
      %dma_start3A_171 = arith.constant 0 : i32
      %dma_start3A_172 = tpu.memref_slice %arg7[%dma_start3A_165, %dma_start3A_171] : memref<2x80xi32, #tpu.memory_space<vmem>> -> memref<1x80xi32, #tpu.memory_space<vmem>>
      %dma_start3A_173 = tpu.memref_squeeze %dma_start3A_172 : memref<1x80xi32, #tpu.memory_space<vmem>> -> memref<80xi32, #tpu.memory_space<vmem>>
      %dma_start3A_174 = arith.constant 0 : i32
      %dma_start3A_175 = arith.constant 0 : i32
      %dma_start3A_176 = tpu.memref_slice %arg2[%dma_start3A_174, %dma_start3A_175] : memref<20000x128xf32, #tpu.memory_space<hbm>> -> memref<20000x128xf32, #tpu.memory_space<hbm>>
      tpu.enqueue_indirect_dma source(%dma_start3A_176 : memref<20000x128xf32, #tpu.memory_space<hbm>>) target(%dma_start3A_170 : memref<80x128xf32, #tpu.memory_space<vmem>>) offsets(%dma_start3A_173 : memref<80xi32, #tpu.memory_space<vmem>>) semaphore(%arg15 : memref<!tpu.dma_semaphore, #tpu.memory_space<semaphore_mem>>)
      %mul3A_177 = arith.constant 80 : i32
      %mul3A_178 = arith.muli %add3A_164, %mul3A_177 : i32
      %add3A_179 = arith.addi %mul3A_2, %mul3A_178 : i32
      %dma_start3A_180 = arith.constant 1 : i32
      %dma_start3A_181 = arith.constant 0 : i32
      %dma_start3A_182 = arith.constant 0 : i32
      %dma_start3A_183 = tpu.memref_slice %arg10[%dma_start3A_180, %dma_start3A_181, %dma_start3A_182] : memref<2x80x128xf32, #tpu.memory_space<vmem>> -> memref<1x80x128xf32, #tpu.memory_space<vmem>>
      %dma_start3A_184 = tpu.memref_squeeze %dma_start3A_183 : memref<1x80x128xf32, #tpu.memory_space<vmem>> -> memref<80x128xf32, #tpu.memory_space<vmem>>
      %dma_start3A_185 = arith.constant 0 : i32
      %dma_start3A_186 = tpu.memref_slice %arg5[%add3A_179, %dma_start3A_185] : memref<640000x128xf32, #tpu.memory_space<hbm>> -> memref<80x128xf32, #tpu.memory_space<hbm>>
      %dma_start3A_187 = arith.constant 0 : i32
      %dma_start3A_188 = arith.constant 0 : i32
      %dma_start3A_189 = tpu.memref_slice %arg10[%dma_start3A_180, %dma_start3A_187, %dma_start3A_188] : memref<2x80x128xf32, #tpu.memory_space<vmem>> -> memref<1x80x128xf32, #tpu.memory_space<vmem>>
      %dma_start3A_190 = tpu.memref_squeeze %dma_start3A_189 : memref<1x80x128xf32, #tpu.memory_space<vmem>> -> memref<80x128xf32, #tpu.memory_space<vmem>>
      %dma_start3A_191 = arith.constant 0 : i32
      %dma_start3A_192 = tpu.memref_slice %arg5[%add3A_179, %dma_start3A_191] : memref<640000x128xf32, #tpu.memory_space<hbm>> -> memref<80x128xf32, #tpu.memory_space<hbm>>
      tpu.enqueue_dma source(%dma_start3A_192 : memref<80x128xf32, #tpu.memory_space<hbm>>) target(%dma_start3A_190 : memref<80x128xf32, #tpu.memory_space<vmem>>) target_semaphore(%arg17 : memref<!tpu.dma_semaphore, #tpu.memory_space<semaphore_mem>>)
      %dma_wait3A_193 = arith.constant 0 : i32
      %dma_wait3A_194 = arith.constant 0 : i32
      %dma_wait3A_195 = arith.constant 0 : i32
      %dma_wait3A_196 = arith.constant 0 : i32
      %dma_wait3A_197 = tpu.memref_slice %arg9[%dma_wait3A_194, %dma_wait3A_195, %dma_wait3A_196] : memref<2x80x128xf32, #tpu.memory_space<vmem>> -> memref<1x80x128xf32, #tpu.memory_space<vmem>>
      %dma_wait3A_198 = tpu.memref_squeeze %dma_wait3A_197 : memref<1x80x128xf32, #tpu.memory_space<vmem>> -> memref<80x128xf32, #tpu.memory_space<vmem>>
      %dma_wait3A_199 = arith.constant 0 : i32
      %dma_wait3A_200 = tpu.memref_slice %arg7[%dma_wait3A_193, %dma_wait3A_199] : memref<2x80xi32, #tpu.memory_space<vmem>> -> memref<1x80xi32, #tpu.memory_space<vmem>>
      %dma_wait3A_201 = tpu.memref_squeeze %dma_wait3A_200 : memref<1x80xi32, #tpu.memory_space<vmem>> -> memref<80xi32, #tpu.memory_space<vmem>>
      %dma_wait3A_202 = arith.constant 0 : i32
      %dma_wait3A_203 = arith.constant 0 : i32
      %dma_wait3A_204 = tpu.memref_slice %arg2[%dma_wait3A_202, %dma_wait3A_203] : memref<20000x128xf32, #tpu.memory_space<hbm>> -> memref<20000x128xf32, #tpu.memory_space<hbm>>
      tpu.wait_indirect_dma semaphore(%arg14 : memref<!tpu.dma_semaphore, #tpu.memory_space<semaphore_mem>>) src(%dma_wait3A_204 : memref<20000x128xf32, #tpu.memory_space<hbm>>) dst(%dma_wait3A_198 : memref<80x128xf32, #tpu.memory_space<vmem>>)
      %mul3A_205 = arith.constant 80 : i32
      %mul3A_206 = arith.muli %mul3A_136, %mul3A_205 : i32
      %add3A_207 = arith.addi %mul3A_2, %mul3A_206 : i32
      %dma_wait3A_208 = arith.constant 0 : i32
      %dma_wait3A_209 = arith.constant 0 : i32
      %dma_wait3A_210 = arith.constant 0 : i32
      %dma_wait3A_211 = tpu.memref_slice %arg10[%dma_wait3A_208, %dma_wait3A_209, %dma_wait3A_210] : memref<2x80x128xf32, #tpu.memory_space<vmem>> -> memref<1x80x128xf32, #tpu.memory_space<vmem>>
      %dma_wait3A_212 = tpu.memref_squeeze %dma_wait3A_211 : memref<1x80x128xf32, #tpu.memory_space<vmem>> -> memref<80x128xf32, #tpu.memory_space<vmem>>
      %dma_wait3A_213 = arith.constant 0 : i32
      %dma_wait3A_214 = tpu.memref_slice %arg5[%add3A_207, %dma_wait3A_213] : memref<640000x128xf32, #tpu.memory_space<hbm>> -> memref<80x128xf32, #tpu.memory_space<hbm>>
      %dma_wait3A_215 = arith.constant 0 : i32
      %dma_wait3A_216 = arith.constant 0 : i32
      %dma_wait3A_217 = tpu.memref_slice %arg10[%dma_wait3A_208, %dma_wait3A_215, %dma_wait3A_216] : memref<2x80x128xf32, #tpu.memory_space<vmem>> -> memref<1x80x128xf32, #tpu.memory_space<vmem>>
      %dma_wait3A_218 = tpu.memref_squeeze %dma_wait3A_217 : memref<1x80x128xf32, #tpu.memory_space<vmem>> -> memref<80x128xf32, #tpu.memory_space<vmem>>
      %dma_wait3A_219 = arith.constant 0 : i32
      %dma_wait3A_220 = tpu.memref_slice %arg5[%add3A_207, %dma_wait3A_219] : memref<640000x128xf32, #tpu.memory_space<hbm>> -> memref<80x128xf32, #tpu.memory_space<hbm>>
      tpu.wait_dma2 semaphore(%arg16 : memref<!tpu.dma_semaphore, #tpu.memory_space<semaphore_mem>>) src(%dma_wait3A_220 : memref<80x128xf32, #tpu.memory_space<hbm>>) dst(%dma_wait3A_218 : memref<80x128xf32, #tpu.memory_space<vmem>>)
      %convert_element_type3A = arith.extui %lt3A_132 : i1 to i32
      %cond3A_221 = arith.constant 0 : i32
      %cond3A_222 = arith.cmpi ne, %convert_element_type3A, %cond3A_221 : i32
      scf.if %cond3A_222 {
        %add3A_351 = arith.constant 2 : i32
        %add3A_352 = arith.addi %mul3A_136, %add3A_351 : i32
        %mul3A_353 = arith.constant 80 : i32
        %mul3A_354 = arith.muli %add3A_352, %mul3A_353 : i32
        %add3A_355 = arith.addi %mul3A_2, %mul3A_354 : i32
        %dma_start3A_356 = arith.constant 0 : i32
        %dma_start3A_357 = arith.constant 0 : i32
        %dma_start3A_358 = tpu.memref_slice %arg7[%dma_start3A_356, %dma_start3A_357] : memref<2x80xi32, #tpu.memory_space<vmem>> -> memref<1x80xi32, #tpu.memory_space<vmem>>
        %dma_start3A_359 = tpu.memref_squeeze %dma_start3A_358 : memref<1x80xi32, #tpu.memory_space<vmem>> -> memref<80xi32, #tpu.memory_space<vmem>>
        %dma_start3A_360 = tpu.memref_slice %arg3[%add3A_355] : memref<640000xi32, #tpu.memory_space<hbm>> -> memref<80xi32, #tpu.memory_space<hbm>>
        %dma_start3A_361 = arith.constant 0 : i32
        %dma_start3A_362 = tpu.memref_slice %arg7[%dma_start3A_356, %dma_start3A_361] : memref<2x80xi32, #tpu.memory_space<vmem>> -> memref<1x80xi32, #tpu.memory_space<vmem>>
        %dma_start3A_363 = tpu.memref_squeeze %dma_start3A_362 : memref<1x80xi32, #tpu.memory_space<vmem>> -> memref<80xi32, #tpu.memory_space<vmem>>
        %dma_start3A_364 = tpu.memref_slice %arg3[%add3A_355] : memref<640000xi32, #tpu.memory_space<hbm>> -> memref<80xi32, #tpu.memory_space<hbm>>
        tpu.enqueue_dma source(%dma_start3A_364 : memref<80xi32, #tpu.memory_space<hbm>>) target(%dma_start3A_363 : memref<80xi32, #tpu.memory_space<vmem>>) target_semaphore(%arg12 : memref<!tpu.dma_semaphore, #tpu.memory_space<semaphore_mem>>)
      } else {
      }
      %cond3A_223 = arith.constant 1 : i32
      %add3A_224 = arith.constant 1 : i32
      %add3A_225 = arith.addi %mul3A_136, %add3A_224 : i32
      %mul3A_226 = arith.constant 80 : i32
      %mul3A_227 = arith.muli %add3A_225, %mul3A_226 : i32
      %add3A_228 = arith.addi %mul3A_2, %mul3A_227 : i32
      %dma_start3A_229 = arith.constant 1 : i32
      %dma_start3A_230 = arith.constant 0 : i32
      %dma_start3A_231 = tpu.memref_slice %arg8[%dma_start3A_229, %dma_start3A_230] : memref<2x80xi32, #tpu.memory_space<vmem>> -> memref<1x80xi32, #tpu.memory_space<vmem>>
      %dma_start3A_232 = tpu.memref_squeeze %dma_start3A_231 : memref<1x80xi32, #tpu.memory_space<vmem>> -> memref<80xi32, #tpu.memory_space<vmem>>
      %dma_start3A_233 = tpu.memref_slice %arg4[%add3A_228] : memref<640000xi32, #tpu.memory_space<hbm>> -> memref<80xi32, #tpu.memory_space<hbm>>
      %dma_start3A_234 = arith.constant 0 : i32
      %dma_start3A_235 = tpu.memref_slice %arg8[%dma_start3A_229, %dma_start3A_234] : memref<2x80xi32, #tpu.memory_space<vmem>> -> memref<1x80xi32, #tpu.memory_space<vmem>>
      %dma_start3A_236 = tpu.memref_squeeze %dma_start3A_235 : memref<1x80xi32, #tpu.memory_space<vmem>> -> memref<80xi32, #tpu.memory_space<vmem>>
      %dma_start3A_237 = tpu.memref_slice %arg4[%add3A_228] : memref<640000xi32, #tpu.memory_space<hbm>> -> memref<80xi32, #tpu.memory_space<hbm>>
      tpu.enqueue_dma source(%dma_start3A_237 : memref<80xi32, #tpu.memory_space<hbm>>) target(%dma_start3A_236 : memref<80xi32, #tpu.memory_space<vmem>>) target_semaphore(%arg13 : memref<!tpu.dma_semaphore, #tpu.memory_space<semaphore_mem>>)
      %scan3A_238 = arith.constant 0 : i32
      %scan3A_239 = arith.constant 0 : i32
      %scan3A_240 = arith.constant 80 : i32
      %scan3A_241 = arith.addi %scan3A_239, %scan3A_240 : i32
      %scan3A_242 = arith.constant 1 : i32
      scf.for %scan3A_351 = %scan3A_239 to %scan3A_241 step %scan3A_242  : i32 {
        %get3A = arith.constant 0 : i32
        %get3A_352 = arith.index_cast %get3A : i32 to index
        %get3A_353 = arith.index_cast %scan3A_351 : i32 to index
        %get3A_354 = arith.constant 0 : index
        %get3A_355 = tpu.vector_load %arg9[%get3A_352, %get3A_353, %get3A_354] {strides = array<i32>} : memref<2x80x128xf32, #tpu.memory_space<vmem>>, vector<1x1x16xf32>,
        %get3A_356 = vector.shape_cast %get3A_355 : vector<1x1x16xf32> to vector<16xf32>
        %get3A_357 = arith.constant 0 : i32
        %get3A_358 = arith.index_cast %get3A_357 : i32 to index
        %get3A_359 = arith.index_cast %scan3A_351 : i32 to index
        %get3A_360 = arith.constant 0 : index
        %get3A_361 = tpu.vector_load %arg10[%get3A_358, %get3A_359, %get3A_360] {strides = array<i32>} : memref<2x80x128xf32, #tpu.memory_space<vmem>>, vector<1x1x16xf32>,
        %get3A_362 = vector.shape_cast %get3A_361 : vector<1x1x16xf32> to vector<16xf32>
        %add3A_363 = arith.addf %get3A_356, %get3A_362 : vector<16xf32>
        %max3A = arith.constant 0.000000e+00 : f32
        %max3A_364 = vector.broadcast %max3A : f32 to vector<16xf32>
        %max3A_365 = arith.maximumf %add3A_363, %max3A_364 : vector<16xf32>
        %swap3A = arith.constant 0 : i32
        %swap3A_366 = arith.index_cast %swap3A : i32 to index
        %swap3A_367 = arith.index_cast %scan3A_351 : i32 to index
        %swap3A_368 = arith.constant 0 : index
        %swap3A_369 = tpu.vector_load %arg9[%swap3A_366, %swap3A_367, %swap3A_368] {strides = array<i32>} : memref<2x80x128xf32, #tpu.memory_space<vmem>>, vector<1x1x16xf32>,
        %swap3A_370 = vector.shape_cast %swap3A_369 : vector<1x1x16xf32> to vector<16xf32>
        %swap3A_371 = vector.shape_cast %max3A_365 : vector<16xf32> to vector<1x1x16xf32>
        tpu.vector_store %arg9[%swap3A_366, %swap3A_367, %swap3A_368], %swap3A_371 {strides = array<i32>} : memref<2x80x128xf32, #tpu.memory_space<vmem>>, vector<1x1x16xf32>,
        %get3A_372 = arith.constant 0 : i32
        %get3A_373 = arith.index_cast %get3A_372 : i32 to index
        %get3A_374 = arith.index_cast %scan3A_351 : i32 to index
        %get3A_375 = arith.constant 16 : index
        %get3A_376 = tpu.vector_load %arg9[%get3A_373, %get3A_374, %get3A_375] {strides = array<i32>} : memref<2x80x128xf32, #tpu.memory_space<vmem>>, vector<1x1x16xf32>,
        %get3A_377 = vector.shape_cast %get3A_376 : vector<1x1x16xf32> to vector<16xf32>
        %get3A_378 = arith.constant 0 : i32
        %get3A_379 = arith.index_cast %get3A_378 : i32 to index
        %get3A_380 = arith.index_cast %scan3A_351 : i32 to index
        %get3A_381 = arith.constant 16 : index
        %get3A_382 = tpu.vector_load %arg10[%get3A_379, %get3A_380, %get3A_381] {strides = array<i32>} : memref<2x80x128xf32, #tpu.memory_space<vmem>>, vector<1x1x16xf32>,
        %get3A_383 = vector.shape_cast %get3A_382 : vector<1x1x16xf32> to vector<16xf32>
        %add3A_384 = arith.addf %get3A_377, %get3A_383 : vector<16xf32>
        %max3A_385 = arith.constant 0.000000e+00 : f32
        %max3A_386 = vector.broadcast %max3A_385 : f32 to vector<16xf32>
        %max3A_387 = arith.maximumf %add3A_384, %max3A_386 : vector<16xf32>
        %swap3A_388 = arith.constant 0 : i32
        %swap3A_389 = arith.index_cast %swap3A_388 : i32 to index
        %swap3A_390 = arith.index_cast %scan3A_351 : i32 to index
        %swap3A_391 = arith.constant 16 : index
        %swap3A_392 = tpu.vector_load %arg9[%swap3A_389, %swap3A_390, %swap3A_391] {strides = array<i32>} : memref<2x80x128xf32, #tpu.memory_space<vmem>>, vector<1x1x16xf32>,
        %swap3A_393 = vector.shape_cast %swap3A_392 : vector<1x1x16xf32> to vector<16xf32>
        %swap3A_394 = vector.shape_cast %max3A_387 : vector<16xf32> to vector<1x1x16xf32>
        tpu.vector_store %arg9[%swap3A_389, %swap3A_390, %swap3A_391], %swap3A_394 {strides = array<i32>} : memref<2x80x128xf32, #tpu.memory_space<vmem>>, vector<1x1x16xf32>,
        %get3A_395 = arith.constant 0 : i32
        %get3A_396 = arith.index_cast %get3A_395 : i32 to index
        %get3A_397 = arith.index_cast %scan3A_351 : i32 to index
        %get3A_398 = arith.constant 32 : index
        %get3A_399 = tpu.vector_load %arg9[%get3A_396, %get3A_397, %get3A_398] {strides = array<i32>} : memref<2x80x128xf32, #tpu.memory_space<vmem>>, vector<1x1x16xf32>,
        %get3A_400 = vector.shape_cast %get3A_399 : vector<1x1x16xf32> to vector<16xf32>
        %get3A_401 = arith.constant 0 : i32
        %get3A_402 = arith.index_cast %get3A_401 : i32 to index
        %get3A_403 = arith.index_cast %scan3A_351 : i32 to index
        %get3A_404 = arith.constant 32 : index
        %get3A_405 = tpu.vector_load %arg10[%get3A_402, %get3A_403, %get3A_404] {strides = array<i32>} : memref<2x80x128xf32, #tpu.memory_space<vmem>>, vector<1x1x16xf32>,
        %get3A_406 = vector.shape_cast %get3A_405 : vector<1x1x16xf32> to vector<16xf32>
        %add3A_407 = arith.addf %get3A_400, %get3A_406 : vector<16xf32>
        %max3A_408 = arith.constant 0.000000e+00 : f32
        %max3A_409 = vector.broadcast %max3A_408 : f32 to vector<16xf32>
        %max3A_410 = arith.maximumf %add3A_407, %max3A_409 : vector<16xf32>
        %swap3A_411 = arith.constant 0 : i32
        %swap3A_412 = arith.index_cast %swap3A_411 : i32 to index
        %swap3A_413 = arith.index_cast %scan3A_351 : i32 to index
        %swap3A_414 = arith.constant 32 : index
        %swap3A_415 = tpu.vector_load %arg9[%swap3A_412, %swap3A_413, %swap3A_414] {strides = array<i32>} : memref<2x80x128xf32, #tpu.memory_space<vmem>>, vector<1x1x16xf32>,
        %swap3A_416 = vector.shape_cast %swap3A_415 : vector<1x1x16xf32> to vector<16xf32>
        %swap3A_417 = vector.shape_cast %max3A_410 : vector<16xf32> to vector<1x1x16xf32>
        tpu.vector_store %arg9[%swap3A_412, %swap3A_413, %swap3A_414], %swap3A_417 {strides = array<i32>} : memref<2x80x128xf32, #tpu.memory_space<vmem>>, vector<1x1x16xf32>,
        %get3A_418 = arith.constant 0 : i32
        %get3A_419 = arith.index_cast %get3A_418 : i32 to index
        %get3A_420 = arith.index_cast %scan3A_351 : i32 to index
        %get3A_421 = arith.constant 48 : index
        %get3A_422 = tpu.vector_load %arg9[%get3A_419, %get3A_420, %get3A_421] {strides = array<i32>} : memref<2x80x128xf32, #tpu.memory_space<vmem>>, vector<1x1x16xf32>,
        %get3A_423 = vector.shape_cast %get3A_422 : vector<1x1x16xf32> to vector<16xf32>
        %get3A_424 = arith.constant 0 : i32
        %get3A_425 = arith.index_cast %get3A_424 : i32 to index
        %get3A_426 = arith.index_cast %scan3A_351 : i32 to index
        %get3A_427 = arith.constant 48 : index
        %get3A_428 = tpu.vector_load %arg10[%get3A_425, %get3A_426, %get3A_427] {strides = array<i32>} : memref<2x80x128xf32, #tpu.memory_space<vmem>>, vector<1x1x16xf32>,
        %get3A_429 = vector.shape_cast %get3A_428 : vector<1x1x16xf32> to vector<16xf32>
        %add3A_430 = arith.addf %get3A_423, %get3A_429 : vector<16xf32>
        %max3A_431 = arith.constant 0.000000e+00 : f32
        %max3A_432 = vector.broadcast %max3A_431 : f32 to vector<16xf32>
        %max3A_433 = arith.maximumf %add3A_430, %max3A_432 : vector<16xf32>
        %swap3A_434 = arith.constant 0 : i32
        %swap3A_435 = arith.index_cast %swap3A_434 : i32 to index
        %swap3A_436 = arith.index_cast %scan3A_351 : i32 to index
        %swap3A_437 = arith.constant 48 : index
        %swap3A_438 = tpu.vector_load %arg9[%swap3A_435, %swap3A_436, %swap3A_437] {strides = array<i32>} : memref<2x80x128xf32, #tpu.memory_space<vmem>>, vector<1x1x16xf32>,
        %swap3A_439 = vector.shape_cast %swap3A_438 : vector<1x1x16xf32> to vector<16xf32>
        %swap3A_440 = vector.shape_cast %max3A_433 : vector<16xf32> to vector<1x1x16xf32>
        tpu.vector_store %arg9[%swap3A_435, %swap3A_436, %swap3A_437], %swap3A_440 {strides = array<i32>} : memref<2x80x128xf32, #tpu.memory_space<vmem>>, vector<1x1x16xf32>,
        %get3A_441 = arith.constant 0 : i32
        %get3A_442 = arith.index_cast %get3A_441 : i32 to index
        %get3A_443 = arith.index_cast %scan3A_351 : i32 to index
        %get3A_444 = arith.constant 64 : index
        %get3A_445 = tpu.vector_load %arg9[%get3A_442, %get3A_443, %get3A_444] {strides = array<i32>} : memref<2x80x128xf32, #tpu.memory_space<vmem>>, vector<1x1x16xf32>,
        %get3A_446 = vector.shape_cast %get3A_445 : vector<1x1x16xf32> to vector<16xf32>
        %get3A_447 = arith.constant 0 : i32
        %get3A_448 = arith.index_cast %get3A_447 : i32 to index
        %get3A_449 = arith.index_cast %scan3A_351 : i32 to index
        %get3A_450 = arith.constant 64 : index
        %get3A_451 = tpu.vector_load %arg10[%get3A_448, %get3A_449, %get3A_450] {strides = array<i32>} : memref<2x80x128xf32, #tpu.memory_space<vmem>>, vector<1x1x16xf32>,
        %get3A_452 = vector.shape_cast %get3A_451 : vector<1x1x16xf32> to vector<16xf32>
        %add3A_453 = arith.addf %get3A_446, %get3A_452 : vector<16xf32>
        %max3A_454 = arith.constant 0.000000e+00 : f32
        %max3A_455 = vector.broadcast %max3A_454 : f32 to vector<16xf32>
        %max3A_456 = arith.maximumf %add3A_453, %max3A_455 : vector<16xf32>
        %swap3A_457 = arith.constant 0 : i32
        %swap3A_458 = arith.index_cast %swap3A_457 : i32 to index
        %swap3A_459 = arith.index_cast %scan3A_351 : i32 to index
        %swap3A_460 = arith.constant 64 : index
        %swap3A_461 = tpu.vector_load %arg9[%swap3A_458, %swap3A_459, %swap3A_460] {strides = array<i32>} : memref<2x80x128xf32, #tpu.memory_space<vmem>>, vector<1x1x16xf32>,
        %swap3A_462 = vector.shape_cast %swap3A_461 : vector<1x1x16xf32> to vector<16xf32>
        %swap3A_463 = vector.shape_cast %max3A_456 : vector<16xf32> to vector<1x1x16xf32>
        tpu.vector_store %arg9[%swap3A_458, %swap3A_459, %swap3A_460], %swap3A_463 {strides = array<i32>} : memref<2x80x128xf32, #tpu.memory_space<vmem>>, vector<1x1x16xf32>,
        %get3A_464 = arith.constant 0 : i32
        %get3A_465 = arith.index_cast %get3A_464 : i32 to index
        %get3A_466 = arith.index_cast %scan3A_351 : i32 to index
        %get3A_467 = arith.constant 80 : index
        %get3A_468 = tpu.vector_load %arg9[%get3A_465, %get3A_466, %get3A_467] {strides = array<i32>} : memref<2x80x128xf32, #tpu.memory_space<vmem>>, vector<1x1x16xf32>,
        %get3A_469 = vector.shape_cast %get3A_468 : vector<1x1x16xf32> to vector<16xf32>
        %get3A_470 = arith.constant 0 : i32
        %get3A_471 = arith.index_cast %get3A_470 : i32 to index
        %get3A_472 = arith.index_cast %scan3A_351 : i32 to index
        %get3A_473 = arith.constant 80 : index
        %get3A_474 = tpu.vector_load %arg10[%get3A_471, %get3A_472, %get3A_473] {strides = array<i32>} : memref<2x80x128xf32, #tpu.memory_space<vmem>>, vector<1x1x16xf32>,
        %get3A_475 = vector.shape_cast %get3A_474 : vector<1x1x16xf32> to vector<16xf32>
        %add3A_476 = arith.addf %get3A_469, %get3A_475 : vector<16xf32>
        %max3A_477 = arith.constant 0.000000e+00 : f32
        %max3A_478 = vector.broadcast %max3A_477 : f32 to vector<16xf32>
        %max3A_479 = arith.maximumf %add3A_476, %max3A_478 : vector<16xf32>
        %swap3A_480 = arith.constant 0 : i32
        %swap3A_481 = arith.index_cast %swap3A_480 : i32 to index
        %swap3A_482 = arith.index_cast %scan3A_351 : i32 to index
        %swap3A_483 = arith.constant 80 : index
        %swap3A_484 = tpu.vector_load %arg9[%swap3A_481, %swap3A_482, %swap3A_483] {strides = array<i32>} : memref<2x80x128xf32, #tpu.memory_space<vmem>>, vector<1x1x16xf32>,
        %swap3A_485 = vector.shape_cast %swap3A_484 : vector<1x1x16xf32> to vector<16xf32>
        %swap3A_486 = vector.shape_cast %max3A_479 : vector<16xf32> to vector<1x1x16xf32>
        tpu.vector_store %arg9[%swap3A_481, %swap3A_482, %swap3A_483], %swap3A_486 {strides = array<i32>} : memref<2x80x128xf32, #tpu.memory_space<vmem>>, vector<1x1x16xf32>,
        %get3A_487 = arith.constant 0 : i32
        %get3A_488 = arith.index_cast %get3A_487 : i32 to index
        %get3A_489 = arith.index_cast %scan3A_351 : i32 to index
        %get3A_490 = arith.constant 96 : index
        %get3A_491 = tpu.vector_load %arg9[%get3A_488, %get3A_489, %get3A_490] {strides = array<i32>} : memref<2x80x128xf32, #tpu.memory_space<vmem>>, vector<1x1x16xf32>,
        %get3A_492 = vector.shape_cast %get3A_491 : vector<1x1x16xf32> to vector<16xf32>
        %get3A_493 = arith.constant 0 : i32
        %get3A_494 = arith.index_cast %get3A_493 : i32 to index
        %get3A_495 = arith.index_cast %scan3A_351 : i32 to index
        %get3A_496 = arith.constant 96 : index
        %get3A_497 = tpu.vector_load %arg10[%get3A_494, %get3A_495, %get3A_496] {strides = array<i32>} : memref<2x80x128xf32, #tpu.memory_space<vmem>>, vector<1x1x16xf32>,
        %get3A_498 = vector.shape_cast %get3A_497 : vector<1x1x16xf32> to vector<16xf32>
        %add3A_499 = arith.addf %get3A_492, %get3A_498 : vector<16xf32>
        %max3A_500 = arith.constant 0.000000e+00 : f32
        %max3A_501 = vector.broadcast %max3A_500 : f32 to vector<16xf32>
        %max3A_502 = arith.maximumf %add3A_499, %max3A_501 : vector<16xf32>
        %swap3A_503 = arith.constant 0 : i32
        %swap3A_504 = arith.index_cast %swap3A_503 : i32 to index
        %swap3A_505 = arith.index_cast %scan3A_351 : i32 to index
        %swap3A_506 = arith.constant 96 : index
        %swap3A_507 = tpu.vector_load %arg9[%swap3A_504, %swap3A_505, %swap3A_506] {strides = array<i32>} : memref<2x80x128xf32, #tpu.memory_space<vmem>>, vector<1x1x16xf32>,
        %swap3A_508 = vector.shape_cast %swap3A_507 : vector<1x1x16xf32> to vector<16xf32>
        %swap3A_509 = vector.shape_cast %max3A_502 : vector<16xf32> to vector<1x1x16xf32>
        tpu.vector_store %arg9[%swap3A_504, %swap3A_505, %swap3A_506], %swap3A_509 {strides = array<i32>} : memref<2x80x128xf32, #tpu.memory_space<vmem>>, vector<1x1x16xf32>,
        %get3A_510 = arith.constant 0 : i32
        %get3A_511 = arith.index_cast %get3A_510 : i32 to index
        %get3A_512 = arith.index_cast %scan3A_351 : i32 to index
        %get3A_513 = arith.constant 112 : index
        %get3A_514 = tpu.vector_load %arg9[%get3A_511, %get3A_512, %get3A_513] {strides = array<i32>} : memref<2x80x128xf32, #tpu.memory_space<vmem>>, vector<1x1x16xf32>,
        %get3A_515 = vector.shape_cast %get3A_514 : vector<1x1x16xf32> to vector<16xf32>
        %get3A_516 = arith.constant 0 : i32
        %get3A_517 = arith.index_cast %get3A_516 : i32 to index
        %get3A_518 = arith.index_cast %scan3A_351 : i32 to index
        %get3A_519 = arith.constant 112 : index
        %get3A_520 = tpu.vector_load %arg10[%get3A_517, %get3A_518, %get3A_519] {strides = array<i32>} : memref<2x80x128xf32, #tpu.memory_space<vmem>>, vector<1x1x16xf32>,
        %get3A_521 = vector.shape_cast %get3A_520 : vector<1x1x16xf32> to vector<16xf32>
        %add3A_522 = arith.addf %get3A_515, %get3A_521 : vector<16xf32>
        %max3A_523 = arith.constant 0.000000e+00 : f32
        %max3A_524 = vector.broadcast %max3A_523 : f32 to vector<16xf32>
        %max3A_525 = arith.maximumf %add3A_522, %max3A_524 : vector<16xf32>
        %swap3A_526 = arith.constant 0 : i32
        %swap3A_527 = arith.index_cast %swap3A_526 : i32 to index
        %swap3A_528 = arith.index_cast %scan3A_351 : i32 to index
        %swap3A_529 = arith.constant 112 : index
        %swap3A_530 = tpu.vector_load %arg9[%swap3A_527, %swap3A_528, %swap3A_529] {strides = array<i32>} : memref<2x80x128xf32, #tpu.memory_space<vmem>>, vector<1x1x16xf32>,
        %swap3A_531 = vector.shape_cast %swap3A_530 : vector<1x1x16xf32> to vector<16xf32>
        %swap3A_532 = vector.shape_cast %max3A_525 : vector<16xf32> to vector<1x1x16xf32>
        tpu.vector_store %arg9[%swap3A_527, %swap3A_528, %swap3A_529], %swap3A_532 {strides = array<i32>} : memref<2x80x128xf32, #tpu.memory_space<vmem>>, vector<1x1x16xf32>,
      }
      %scan3A_243 = arith.constant 80 : i32
      %mul3A_244 = arith.constant 80 : i32
      %mul3A_245 = arith.muli %mul3A_136, %mul3A_244 : i32
      %add3A_246 = arith.addi %mul3A_2, %mul3A_245 : i32
      %dma_wait3A_247 = arith.constant 0 : i32
      %dma_wait3A_248 = arith.constant 0 : i32
      %dma_wait3A_249 = tpu.memref_slice %arg8[%dma_wait3A_247, %dma_wait3A_248] : memref<2x80xi32, #tpu.memory_space<vmem>> -> memref<1x80xi32, #tpu.memory_space<vmem>>
      %dma_wait3A_250 = tpu.memref_squeeze %dma_wait3A_249 : memref<1x80xi32, #tpu.memory_space<vmem>> -> memref<80xi32, #tpu.memory_space<vmem>>
      %dma_wait3A_251 = tpu.memref_slice %arg4[%add3A_246] : memref<640000xi32, #tpu.memory_space<hbm>> -> memref<80xi32, #tpu.memory_space<hbm>>
      %dma_wait3A_252 = arith.constant 0 : i32
      %dma_wait3A_253 = tpu.memref_slice %arg8[%dma_wait3A_247, %dma_wait3A_252] : memref<2x80xi32, #tpu.memory_space<vmem>> -> memref<1x80xi32, #tpu.memory_space<vmem>>
      %dma_wait3A_254 = tpu.memref_squeeze %dma_wait3A_253 : memref<1x80xi32, #tpu.memory_space<vmem>> -> memref<80xi32, #tpu.memory_space<vmem>>
      %dma_wait3A_255 = tpu.memref_slice %arg4[%add3A_246] : memref<640000xi32, #tpu.memory_space<hbm>> -> memref<80xi32, #tpu.memory_space<hbm>>
      tpu.wait_dma2 semaphore(%arg13 : memref<!tpu.dma_semaphore, #tpu.memory_space<semaphore_mem>>) src(%dma_wait3A_255 : memref<80xi32, #tpu.memory_space<hbm>>) dst(%dma_wait3A_254 : memref<80xi32, #tpu.memory_space<vmem>>)
      %dma_start3A_256 = arith.constant 0 : i32
      %dma_start3A_257 = arith.constant 0 : i32
      %dma_start3A_258 = arith.constant 0 : i32
      %dma_start3A_259 = arith.constant 0 : i32
      %dma_start3A_260 = tpu.memref_slice %arg9[%dma_start3A_256, %dma_start3A_258, %dma_start3A_259] : memref<2x80x128xf32, #tpu.memory_space<vmem>> -> memref<1x80x128xf32, #tpu.memory_space<vmem>>
      %dma_start3A_261 = tpu.memref_squeeze %dma_start3A_260 : memref<1x80x128xf32, #tpu.memory_space<vmem>> -> memref<80x128xf32, #tpu.memory_space<vmem>>
      %dma_start3A_262 = arith.constant 0 : i32
      %dma_start3A_263 = tpu.memref_slice %arg8[%dma_start3A_257, %dma_start3A_262] : memref<2x80xi32, #tpu.memory_space<vmem>> -> memref<1x80xi32, #tpu.memory_space<vmem>>
      %dma_start3A_264 = tpu.memref_squeeze %dma_start3A_263 : memref<1x80xi32, #tpu.memory_space<vmem>> -> memref<80xi32, #tpu.memory_space<vmem>>
      %dma_start3A_265 = arith.constant 0 : i32
      %dma_start3A_266 = arith.constant 0 : i32
      %dma_start3A_267 = tpu.memref_slice %arg11[%dma_start3A_265, %dma_start3A_266] : memref<10000x128xf32, #tpu.memory_space<vmem_shared>> -> memref<10000x128xf32, #tpu.memory_space<vmem_shared>>
      tpu.enqueue_indirect_dma source(%dma_start3A_261 : memref<80x128xf32, #tpu.memory_space<vmem>>) target(%dma_start3A_267 : memref<10000x128xf32, #tpu.memory_space<vmem_shared>>) offsets(%dma_start3A_264 : memref<80xi32, #tpu.memory_space<vmem>>) semaphore(%arg18 : memref<!tpu.dma_semaphore, #tpu.memory_space<semaphore_mem>>) {add = true}
      %mul3A_268 = arith.constant 2 : i32
      %mul3A_269 = arith.muli %mul3A_268, %scan3A_130 : i32
      %add3A_270 = arith.constant 1 : i32
      %add3A_271 = arith.addi %mul3A_269, %add3A_270 : i32
      %dma_wait3A_272 = arith.constant 0 : i32
      %dma_wait3A_273 = arith.constant 0 : i32
      %dma_wait3A_274 = arith.constant 0 : i32
      %dma_wait3A_275 = arith.constant 0 : i32
      %dma_wait3A_276 = tpu.memref_slice %arg9[%dma_wait3A_272, %dma_wait3A_274, %dma_wait3A_275] : memref<2x80x128xf32, #tpu.memory_space<vmem>> -> memref<1x80x128xf32, #tpu.memory_space<vmem>>
      %dma_wait3A_277 = tpu.memref_squeeze %dma_wait3A_276 : memref<1x80x128xf32, #tpu.memory_space<vmem>> -> memref<80x128xf32, #tpu.memory_space<vmem>>
      %dma_wait3A_278 = arith.constant 0 : i32
      %dma_wait3A_279 = tpu.memref_slice %arg8[%dma_wait3A_273, %dma_wait3A_278] : memref<2x80xi32, #tpu.memory_space<vmem>> -> memref<1x80xi32, #tpu.memory_space<vmem>>
      %dma_wait3A_280 = tpu.memref_squeeze %dma_wait3A_279 : memref<1x80xi32, #tpu.memory_space<vmem>> -> memref<80xi32, #tpu.memory_space<vmem>>
      %dma_wait3A_281 = arith.constant 0 : i32
      %dma_wait3A_282 = arith.constant 0 : i32
      %dma_wait3A_283 = tpu.memref_slice %arg11[%dma_wait3A_281, %dma_wait3A_282] : memref<10000x128xf32, #tpu.memory_space<vmem_shared>> -> memref<10000x128xf32, #tpu.memory_space<vmem_shared>>
      tpu.wait_indirect_dma semaphore(%arg18 : memref<!tpu.dma_semaphore, #tpu.memory_space<semaphore_mem>>) src(%dma_wait3A_277 : memref<80x128xf32, #tpu.memory_space<vmem>>) dst(%dma_wait3A_283 : memref<10000x128xf32, #tpu.memory_space<vmem_shared>>)
      %convert_element_type3A_284 = arith.extui %lt3A_134 : i1 to i32
      %cond3A_285 = arith.constant 0 : i32
      %cond3A_286 = arith.cmpi ne, %convert_element_type3A_284, %cond3A_285 : i32
      scf.if %cond3A_286 {
        %add3A_351 = arith.constant 1 : i32
        %add3A_352 = arith.addi %add3A_271, %add3A_351 : i32
        %mul3A_353 = arith.constant 80 : i32
        %mul3A_354 = arith.muli %add3A_352, %mul3A_353 : i32
        %add3A_355 = arith.addi %mul3A_2, %mul3A_354 : i32
        %dma_wait3A_356 = arith.constant 0 : i32
        %dma_wait3A_357 = arith.constant 0 : i32
        %dma_wait3A_358 = tpu.memref_slice %arg7[%dma_wait3A_356, %dma_wait3A_357] : memref<2x80xi32, #tpu.memory_space<vmem>> -> memref<1x80xi32, #tpu.memory_space<vmem>>
        %dma_wait3A_359 = tpu.memref_squeeze %dma_wait3A_358 : memref<1x80xi32, #tpu.memory_space<vmem>> -> memref<80xi32, #tpu.memory_space<vmem>>
        %dma_wait3A_360 = tpu.memref_slice %arg3[%add3A_355] : memref<640000xi32, #tpu.memory_space<hbm>> -> memref<80xi32, #tpu.memory_space<hbm>>
        %dma_wait3A_361 = arith.constant 0 : i32
        %dma_wait3A_362 = tpu.memref_slice %arg7[%dma_wait3A_356, %dma_wait3A_361] : memref<2x80xi32, #tpu.memory_space<vmem>> -> memref<1x80xi32, #tpu.memory_space<vmem>>
        %dma_wait3A_363 = tpu.memref_squeeze %dma_wait3A_362 : memref<1x80xi32, #tpu.memory_space<vmem>> -> memref<80xi32, #tpu.memory_space<vmem>>
        %dma_wait3A_364 = tpu.memref_slice %arg3[%add3A_355] : memref<640000xi32, #tpu.memory_space<hbm>> -> memref<80xi32, #tpu.memory_space<hbm>>
        tpu.wait_dma2 semaphore(%arg12 : memref<!tpu.dma_semaphore, #tpu.memory_space<semaphore_mem>>) src(%dma_wait3A_364 : memref<80xi32, #tpu.memory_space<hbm>>) dst(%dma_wait3A_363 : memref<80xi32, #tpu.memory_space<vmem>>)
        %add3A_365 = arith.constant 1 : i32
        %add3A_366 = arith.addi %add3A_271, %add3A_365 : i32
        %dma_start3A_367 = arith.constant 0 : i32
        %dma_start3A_368 = arith.constant 0 : i32
        %dma_start3A_369 = arith.constant 0 : i32
        %dma_start3A_370 = arith.constant 0 : i32
        %dma_start3A_371 = tpu.memref_slice %arg9[%dma_start3A_368, %dma_start3A_369, %dma_start3A_370] : memref<2x80x128xf32, #tpu.memory_space<vmem>> -> memref<1x80x128xf32, #tpu.memory_space<vmem>>
        %dma_start3A_372 = tpu.memref_squeeze %dma_start3A_371 : memref<1x80x128xf32, #tpu.memory_space<vmem>> -> memref<80x128xf32, #tpu.memory_space<vmem>>
        %dma_start3A_373 = arith.constant 0 : i32
        %dma_start3A_374 = tpu.memref_slice %arg7[%dma_start3A_367, %dma_start3A_373] : memref<2x80xi32, #tpu.memory_space<vmem>> -> memref<1x80xi32, #tpu.memory_space<vmem>>
        %dma_start3A_375 = tpu.memref_squeeze %dma_start3A_374 : memref<1x80xi32, #tpu.memory_space<vmem>> -> memref<80xi32, #tpu.memory_space<vmem>>
        %dma_start3A_376 = arith.constant 0 : i32
        %dma_start3A_377 = arith.constant 0 : i32
        %dma_start3A_378 = tpu.memref_slice %arg2[%dma_start3A_376, %dma_start3A_377] : memref<20000x128xf32, #tpu.memory_space<hbm>> -> memref<20000x128xf32, #tpu.memory_space<hbm>>
        tpu.enqueue_indirect_dma source(%dma_start3A_378 : memref<20000x128xf32, #tpu.memory_space<hbm>>) target(%dma_start3A_372 : memref<80x128xf32, #tpu.memory_space<vmem>>) offsets(%dma_start3A_375 : memref<80xi32, #tpu.memory_space<vmem>>) semaphore(%arg14 : memref<!tpu.dma_semaphore, #tpu.memory_space<semaphore_mem>>)
        %mul3A_379 = arith.constant 80 : i32
        %mul3A_380 = arith.muli %add3A_366, %mul3A_379 : i32
        %add3A_381 = arith.addi %mul3A_2, %mul3A_380 : i32
        %dma_start3A_382 = arith.constant 0 : i32
        %dma_start3A_383 = arith.constant 0 : i32
        %dma_start3A_384 = arith.constant 0 : i32
        %dma_start3A_385 = tpu.memref_slice %arg10[%dma_start3A_382, %dma_start3A_383, %dma_start3A_384] : memref<2x80x128xf32, #tpu.memory_space<vmem>> -> memref<1x80x128xf32, #tpu.memory_space<vmem>>
        %dma_start3A_386 = tpu.memref_squeeze %dma_start3A_385 : memref<1x80x128xf32, #tpu.memory_space<vmem>> -> memref<80x128xf32, #tpu.memory_space<vmem>>
        %dma_start3A_387 = arith.constant 0 : i32
        %dma_start3A_388 = tpu.memref_slice %arg5[%add3A_381, %dma_start3A_387] : memref<640000x128xf32, #tpu.memory_space<hbm>> -> memref<80x128xf32, #tpu.memory_space<hbm>>
        %dma_start3A_389 = arith.constant 0 : i32
        %dma_start3A_390 = arith.constant 0 : i32
        %dma_start3A_391 = tpu.memref_slice %arg10[%dma_start3A_382, %dma_start3A_389, %dma_start3A_390] : memref<2x80x128xf32, #tpu.memory_space<vmem>> -> memref<1x80x128xf32, #tpu.memory_space<vmem>>
        %dma_start3A_392 = tpu.memref_squeeze %dma_start3A_391 : memref<1x80x128xf32, #tpu.memory_space<vmem>> -> memref<80x128xf32, #tpu.memory_space<vmem>>
        %dma_start3A_393 = arith.constant 0 : i32
        %dma_start3A_394 = tpu.memref_slice %arg5[%add3A_381, %dma_start3A_393] : memref<640000x128xf32, #tpu.memory_space<hbm>> -> memref<80x128xf32, #tpu.memory_space<hbm>>
        tpu.enqueue_dma source(%dma_start3A_394 : memref<80x128xf32, #tpu.memory_space<hbm>>) target(%dma_start3A_392 : memref<80x128xf32, #tpu.memory_space<vmem>>) target_semaphore(%arg16 : memref<!tpu.dma_semaphore, #tpu.memory_space<semaphore_mem>>)
      } else {
      }
      %dma_wait3A_287 = arith.constant 1 : i32
      %dma_wait3A_288 = arith.constant 1 : i32
      %dma_wait3A_289 = arith.constant 0 : i32
      %dma_wait3A_290 = arith.constant 0 : i32
      %dma_wait3A_291 = tpu.memref_slice %arg9[%dma_wait3A_288, %dma_wait3A_289, %dma_wait3A_290] : memref<2x80x128xf32, #tpu.memory_space<vmem>> -> memref<1x80x128xf32, #tpu.memory_space<vmem>>
      %dma_wait3A_292 = tpu.memref_squeeze %dma_wait3A_291 : memref<1x80x128xf32, #tpu.memory_space<vmem>> -> memref<80x128xf32, #tpu.memory_space<vmem>>
      %dma_wait3A_293 = arith.constant 0 : i32
      %dma_wait3A_294 = tpu.memref_slice %arg7[%dma_wait3A_287, %dma_wait3A_293] : memref<2x80xi32, #tpu.memory_space<vmem>> -> memref<1x80xi32, #tpu.memory_space<vmem>>
      %dma_wait3A_295 = tpu.memref_squeeze %dma_wait3A_294 : memref<1x80xi32, #tpu.memory_space<vmem>> -> memref<80xi32, #tpu.memory_space<vmem>>
      %dma_wait3A_296 = arith.constant 0 : i32
      %dma_wait3A_297 = arith.constant 0 : i32
      %dma_wait3A_298 = tpu.memref_slice %arg2[%dma_wait3A_296, %dma_wait3A_297] : memref<20000x128xf32, #tpu.memory_space<hbm>> -> memref<20000x128xf32, #tpu.memory_space<hbm>>
      tpu.wait_indirect_dma semaphore(%arg15 : memref<!tpu.dma_semaphore, #tpu.memory_space<semaphore_mem>>) src(%dma_wait3A_298 : memref<20000x128xf32, #tpu.memory_space<hbm>>) dst(%dma_wait3A_292 : memref<80x128xf32, #tpu.memory_space<vmem>>)
      %mul3A_299 = arith.constant 80 : i32
      %mul3A_300 = arith.muli %add3A_271, %mul3A_299 : i32
      %add3A_301 = arith.addi %mul3A_2, %mul3A_300 : i32
      %dma_wait3A_302 = arith.constant 1 : i32
      %dma_wait3A_303 = arith.constant 0 : i32
      %dma_wait3A_304 = arith.constant 0 : i32
      %dma_wait3A_305 = tpu.memref_slice %arg10[%dma_wait3A_302, %dma_wait3A_303, %dma_wait3A_304] : memref<2x80x128xf32, #tpu.memory_space<vmem>> -> memref<1x80x128xf32, #tpu.memory_space<vmem>>
      %dma_wait3A_306 = tpu.memref_squeeze %dma_wait3A_305 : memref<1x80x128xf32, #tpu.memory_space<vmem>> -> memref<80x128xf32, #tpu.memory_space<vmem>>
      %dma_wait3A_307 = arith.constant 0 : i32
      %dma_wait3A_308 = tpu.memref_slice %arg5[%add3A_301, %dma_wait3A_307] : memref<640000x128xf32, #tpu.memory_space<hbm>> -> memref<80x128xf32, #tpu.memory_space<hbm>>
      %dma_wait3A_309 = arith.constant 0 : i32
      %dma_wait3A_310 = arith.constant 0 : i32
      %dma_wait3A_311 = tpu.memref_slice %arg10[%dma_wait3A_302, %dma_wait3A_309, %dma_wait3A_310] : memref<2x80x128xf32, #tpu.memory_space<vmem>> -> memref<1x80x128xf32, #tpu.memory_space<vmem>>
      %dma_wait3A_312 = tpu.memref_squeeze %dma_wait3A_311 : memref<1x80x128xf32, #tpu.memory_space<vmem>> -> memref<80x128xf32, #tpu.memory_space<vmem>>
      %dma_wait3A_313 = arith.constant 0 : i32
      %dma_wait3A_314 = tpu.memref_slice %arg5[%add3A_301, %dma_wait3A_313] : memref<640000x128xf32, #tpu.memory_space<hbm>> -> memref<80x128xf32, #tpu.memory_space<hbm>>
      tpu.wait_dma2 semaphore(%arg17 : memref<!tpu.dma_semaphore, #tpu.memory_space<semaphore_mem>>) src(%dma_wait3A_314 : memref<80x128xf32, #tpu.memory_space<hbm>>) dst(%dma_wait3A_312 : memref<80x128xf32, #tpu.memory_space<vmem>>)
      %convert_element_type3A_315 = arith.extui %lt3A_134 : i1 to i32
      %cond3A_316 = arith.constant 0 : i32
      %cond3A_317 = arith.cmpi ne, %convert_element_type3A_315, %cond3A_316 : i32
      scf.if %cond3A_317 {
        %add3A_351 = arith.constant 2 : i32
        %add3A_352 = arith.addi %add3A_271, %add3A_351 : i32
        %mul3A_353 = arith.constant 80 : i32
        %mul3A_354 = arith.muli %add3A_352, %mul3A_353 : i32
        %add3A_355 = arith.addi %mul3A_2, %mul3A_354 : i32
        %dma_start3A_356 = arith.constant 1 : i32
        %dma_start3A_357 = arith.constant 0 : i32
        %dma_start3A_358 = tpu.memref_slice %arg7[%dma_start3A_356, %dma_start3A_357] : memref<2x80xi32, #tpu.memory_space<vmem>> -> memref<1x80xi32, #tpu.memory_space<vmem>>
        %dma_start3A_359 = tpu.memref_squeeze %dma_start3A_358 : memref<1x80xi32, #tpu.memory_space<vmem>> -> memref<80xi32, #tpu.memory_space<vmem>>
        %dma_start3A_360 = tpu.memref_slice %arg3[%add3A_355] : memref<640000xi32, #tpu.memory_space<hbm>> -> memref<80xi32, #tpu.memory_space<hbm>>
        %dma_start3A_361 = arith.constant 0 : i32
        %dma_start3A_362 = tpu.memref_slice %arg7[%dma_start3A_356, %dma_start3A_361] : memref<2x80xi32, #tpu.memory_space<vmem>> -> memref<1x80xi32, #tpu.memory_space<vmem>>
        %dma_start3A_363 = tpu.memref_squeeze %dma_start3A_362 : memref<1x80xi32, #tpu.memory_space<vmem>> -> memref<80xi32, #tpu.memory_space<vmem>>
        %dma_start3A_364 = tpu.memref_slice %arg3[%add3A_355] : memref<640000xi32, #tpu.memory_space<hbm>> -> memref<80xi32, #tpu.memory_space<hbm>>
        tpu.enqueue_dma source(%dma_start3A_364 : memref<80xi32, #tpu.memory_space<hbm>>) target(%dma_start3A_363 : memref<80xi32, #tpu.memory_space<vmem>>) target_semaphore(%arg12 : memref<!tpu.dma_semaphore, #tpu.memory_space<semaphore_mem>>)
      } else {
      }
      %convert_element_type3A_318 = arith.extui %lt3A_134 : i1 to i32
      %cond3A_319 = arith.constant 0 : i32
      %cond3A_320 = arith.cmpi ne, %convert_element_type3A_318, %cond3A_319 : i32
      scf.if %cond3A_320 {
        %add3A_351 = arith.constant 1 : i32
        %add3A_352 = arith.addi %add3A_271, %add3A_351 : i32
        %mul3A_353 = arith.constant 80 : i32
        %mul3A_354 = arith.muli %add3A_352, %mul3A_353 : i32
        %add3A_355 = arith.addi %mul3A_2, %mul3A_354 : i32
        %dma_start3A_356 = arith.constant 0 : i32
        %dma_start3A_357 = arith.constant 0 : i32
        %dma_start3A_358 = tpu.memref_slice %arg8[%dma_start3A_356, %dma_start3A_357] : memref<2x80xi32, #tpu.memory_space<vmem>> -> memref<1x80xi32, #tpu.memory_space<vmem>>
        %dma_start3A_359 = tpu.memref_squeeze %dma_start3A_358 : memref<1x80xi32, #tpu.memory_space<vmem>> -> memref<80xi32, #tpu.memory_space<vmem>>
        %dma_start3A_360 = tpu.memref_slice %arg4[%add3A_355] : memref<640000xi32, #tpu.memory_space<hbm>> -> memref<80xi32, #tpu.memory_space<hbm>>
        %dma_start3A_361 = arith.constant 0 : i32
        %dma_start3A_362 = tpu.memref_slice %arg8[%dma_start3A_356, %dma_start3A_361] : memref<2x80xi32, #tpu.memory_space<vmem>> -> memref<1x80xi32, #tpu.memory_space<vmem>>
        %dma_start3A_363 = tpu.memref_squeeze %dma_start3A_362 : memref<1x80xi32, #tpu.memory_space<vmem>> -> memref<80xi32, #tpu.memory_space<vmem>>
        %dma_start3A_364 = tpu.memref_slice %arg4[%add3A_355] : memref<640000xi32, #tpu.memory_space<hbm>> -> memref<80xi32, #tpu.memory_space<hbm>>
        tpu.enqueue_dma source(%dma_start3A_364 : memref<80xi32, #tpu.memory_space<hbm>>) target(%dma_start3A_363 : memref<80xi32, #tpu.memory_space<vmem>>) target_semaphore(%arg13 : memref<!tpu.dma_semaphore, #tpu.memory_space<semaphore_mem>>)
      } else {
      }
      %scan3A_321 = arith.constant 0 : i32
      %scan3A_322 = arith.constant 0 : i32
      %scan3A_323 = arith.constant 80 : i32
      %scan3A_324 = arith.addi %scan3A_322, %scan3A_323 : i32
      %scan3A_325 = arith.constant 1 : i32
      scf.for %scan3A_351 = %scan3A_322 to %scan3A_324 step %scan3A_325  : i32 {
        %get3A = arith.constant 1 : i32
        %get3A_352 = arith.index_cast %get3A : i32 to index
        %get3A_353 = arith.index_cast %scan3A_351 : i32 to index
        %get3A_354 = arith.constant 0 : index
        %get3A_355 = tpu.vector_load %arg9[%get3A_352, %get3A_353, %get3A_354] {strides = array<i32>} : memref<2x80x128xf32, #tpu.memory_space<vmem>>, vector<1x1x16xf32>,
        %get3A_356 = vector.shape_cast %get3A_355 : vector<1x1x16xf32> to vector<16xf32>
        %get3A_357 = arith.constant 1 : i32
        %get3A_358 = arith.index_cast %get3A_357 : i32 to index
        %get3A_359 = arith.index_cast %scan3A_351 : i32 to index
        %get3A_360 = arith.constant 0 : index
        %get3A_361 = tpu.vector_load %arg10[%get3A_358, %get3A_359, %get3A_360] {strides = array<i32>} : memref<2x80x128xf32, #tpu.memory_space<vmem>>, vector<1x1x16xf32>,
        %get3A_362 = vector.shape_cast %get3A_361 : vector<1x1x16xf32> to vector<16xf32>
        %add3A_363 = arith.addf %get3A_356, %get3A_362 : vector<16xf32>
        %max3A = arith.constant 0.000000e+00 : f32
        %max3A_364 = vector.broadcast %max3A : f32 to vector<16xf32>
        %max3A_365 = arith.maximumf %add3A_363, %max3A_364 : vector<16xf32>
        %swap3A = arith.constant 1 : i32
        %swap3A_366 = arith.index_cast %swap3A : i32 to index
        %swap3A_367 = arith.index_cast %scan3A_351 : i32 to index
        %swap3A_368 = arith.constant 0 : index
        %swap3A_369 = tpu.vector_load %arg9[%swap3A_366, %swap3A_367, %swap3A_368] {strides = array<i32>} : memref<2x80x128xf32, #tpu.memory_space<vmem>>, vector<1x1x16xf32>,
        %swap3A_370 = vector.shape_cast %swap3A_369 : vector<1x1x16xf32> to vector<16xf32>
        %swap3A_371 = vector.shape_cast %max3A_365 : vector<16xf32> to vector<1x1x16xf32>
        tpu.vector_store %arg9[%swap3A_366, %swap3A_367, %swap3A_368], %swap3A_371 {strides = array<i32>} : memref<2x80x128xf32, #tpu.memory_space<vmem>>, vector<1x1x16xf32>,
        %get3A_372 = arith.constant 1 : i32
        %get3A_373 = arith.index_cast %get3A_372 : i32 to index
        %get3A_374 = arith.index_cast %scan3A_351 : i32 to index
        %get3A_375 = arith.constant 16 : index
        %get3A_376 = tpu.vector_load %arg9[%get3A_373, %get3A_374, %get3A_375] {strides = array<i32>} : memref<2x80x128xf32, #tpu.memory_space<vmem>>, vector<1x1x16xf32>,
        %get3A_377 = vector.shape_cast %get3A_376 : vector<1x1x16xf32> to vector<16xf32>
        %get3A_378 = arith.constant 1 : i32
        %get3A_379 = arith.index_cast %get3A_378 : i32 to index
        %get3A_380 = arith.index_cast %scan3A_351 : i32 to index
        %get3A_381 = arith.constant 16 : index
        %get3A_382 = tpu.vector_load %arg10[%get3A_379, %get3A_380, %get3A_381] {strides = array<i32>} : memref<2x80x128xf32, #tpu.memory_space<vmem>>, vector<1x1x16xf32>,
        %get3A_383 = vector.shape_cast %get3A_382 : vector<1x1x16xf32> to vector<16xf32>
        %add3A_384 = arith.addf %get3A_377, %get3A_383 : vector<16xf32>
        %max3A_385 = arith.constant 0.000000e+00 : f32
        %max3A_386 = vector.broadcast %max3A_385 : f32 to vector<16xf32>
        %max3A_387 = arith.maximumf %add3A_384, %max3A_386 : vector<16xf32>
        %swap3A_388 = arith.constant 1 : i32
        %swap3A_389 = arith.index_cast %swap3A_388 : i32 to index
        %swap3A_390 = arith.index_cast %scan3A_351 : i32 to index
        %swap3A_391 = arith.constant 16 : index
        %swap3A_392 = tpu.vector_load %arg9[%swap3A_389, %swap3A_390, %swap3A_391] {strides = array<i32>} : memref<2x80x128xf32, #tpu.memory_space<vmem>>, vector<1x1x16xf32>,
        %swap3A_393 = vector.shape_cast %swap3A_392 : vector<1x1x16xf32> to vector<16xf32>
        %swap3A_394 = vector.shape_cast %max3A_387 : vector<16xf32> to vector<1x1x16xf32>
        tpu.vector_store %arg9[%swap3A_389, %swap3A_390, %swap3A_391], %swap3A_394 {strides = array<i32>} : memref<2x80x128xf32, #tpu.memory_space<vmem>>, vector<1x1x16xf32>,
        %get3A_395 = arith.constant 1 : i32
        %get3A_396 = arith.index_cast %get3A_395 : i32 to index
        %get3A_397 = arith.index_cast %scan3A_351 : i32 to index
        %get3A_398 = arith.constant 32 : index
        %get3A_399 = tpu.vector_load %arg9[%get3A_396, %get3A_397, %get3A_398] {strides = array<i32>} : memref<2x80x128xf32, #tpu.memory_space<vmem>>, vector<1x1x16xf32>,
        %get3A_400 = vector.shape_cast %get3A_399 : vector<1x1x16xf32> to vector<16xf32>
        %get3A_401 = arith.constant 1 : i32
        %get3A_402 = arith.index_cast %get3A_401 : i32 to index
        %get3A_403 = arith.index_cast %scan3A_351 : i32 to index
        %get3A_404 = arith.constant 32 : index
        %get3A_405 = tpu.vector_load %arg10[%get3A_402, %get3A_403, %get3A_404] {strides = array<i32>} : memref<2x80x128xf32, #tpu.memory_space<vmem>>, vector<1x1x16xf32>,
        %get3A_406 = vector.shape_cast %get3A_405 : vector<1x1x16xf32> to vector<16xf32>
        %add3A_407 = arith.addf %get3A_400, %get3A_406 : vector<16xf32>
        %max3A_408 = arith.constant 0.000000e+00 : f32
        %max3A_409 = vector.broadcast %max3A_408 : f32 to vector<16xf32>
        %max3A_410 = arith.maximumf %add3A_407, %max3A_409 : vector<16xf32>
        %swap3A_411 = arith.constant 1 : i32
        %swap3A_412 = arith.index_cast %swap3A_411 : i32 to index
        %swap3A_413 = arith.index_cast %scan3A_351 : i32 to index
        %swap3A_414 = arith.constant 32 : index
        %swap3A_415 = tpu.vector_load %arg9[%swap3A_412, %swap3A_413, %swap3A_414] {strides = array<i32>} : memref<2x80x128xf32, #tpu.memory_space<vmem>>, vector<1x1x16xf32>,
        %swap3A_416 = vector.shape_cast %swap3A_415 : vector<1x1x16xf32> to vector<16xf32>
        %swap3A_417 = vector.shape_cast %max3A_410 : vector<16xf32> to vector<1x1x16xf32>
        tpu.vector_store %arg9[%swap3A_412, %swap3A_413, %swap3A_414], %swap3A_417 {strides = array<i32>} : memref<2x80x128xf32, #tpu.memory_space<vmem>>, vector<1x1x16xf32>,
        %get3A_418 = arith.constant 1 : i32
        %get3A_419 = arith.index_cast %get3A_418 : i32 to index
        %get3A_420 = arith.index_cast %scan3A_351 : i32 to index
        %get3A_421 = arith.constant 48 : index
        %get3A_422 = tpu.vector_load %arg9[%get3A_419, %get3A_420, %get3A_421] {strides = array<i32>} : memref<2x80x128xf32, #tpu.memory_space<vmem>>, vector<1x1x16xf32>,
        %get3A_423 = vector.shape_cast %get3A_422 : vector<1x1x16xf32> to vector<16xf32>
        %get3A_424 = arith.constant 1 : i32
        %get3A_425 = arith.index_cast %get3A_424 : i32 to index
        %get3A_426 = arith.index_cast %scan3A_351 : i32 to index
        %get3A_427 = arith.constant 48 : index
        %get3A_428 = tpu.vector_load %arg10[%get3A_425, %get3A_426, %get3A_427] {strides = array<i32>} : memref<2x80x128xf32, #tpu.memory_space<vmem>>, vector<1x1x16xf32>,
        %get3A_429 = vector.shape_cast %get3A_428 : vector<1x1x16xf32> to vector<16xf32>
        %add3A_430 = arith.addf %get3A_423, %get3A_429 : vector<16xf32>
        %max3A_431 = arith.constant 0.000000e+00 : f32
        %max3A_432 = vector.broadcast %max3A_431 : f32 to vector<16xf32>
        %max3A_433 = arith.maximumf %add3A_430, %max3A_432 : vector<16xf32>
        %swap3A_434 = arith.constant 1 : i32
        %swap3A_435 = arith.index_cast %swap3A_434 : i32 to index
        %swap3A_436 = arith.index_cast %scan3A_351 : i32 to index
        %swap3A_437 = arith.constant 48 : index
        %swap3A_438 = tpu.vector_load %arg9[%swap3A_435, %swap3A_436, %swap3A_437] {strides = array<i32>} : memref<2x80x128xf32, #tpu.memory_space<vmem>>, vector<1x1x16xf32>,
        %swap3A_439 = vector.shape_cast %swap3A_438 : vector<1x1x16xf32> to vector<16xf32>
        %swap3A_440 = vector.shape_cast %max3A_433 : vector<16xf32> to vector<1x1x16xf32>
        tpu.vector_store %arg9[%swap3A_435, %swap3A_436, %swap3A_437], %swap3A_440 {strides = array<i32>} : memref<2x80x128xf32, #tpu.memory_space<vmem>>, vector<1x1x16xf32>,
        %get3A_441 = arith.constant 1 : i32
        %get3A_442 = arith.index_cast %get3A_441 : i32 to index
        %get3A_443 = arith.index_cast %scan3A_351 : i32 to index
        %get3A_444 = arith.constant 64 : index
        %get3A_445 = tpu.vector_load %arg9[%get3A_442, %get3A_443, %get3A_444] {strides = array<i32>} : memref<2x80x128xf32, #tpu.memory_space<vmem>>, vector<1x1x16xf32>,
        %get3A_446 = vector.shape_cast %get3A_445 : vector<1x1x16xf32> to vector<16xf32>
        %get3A_447 = arith.constant 1 : i32
        %get3A_448 = arith.index_cast %get3A_447 : i32 to index
        %get3A_449 = arith.index_cast %scan3A_351 : i32 to index
        %get3A_450 = arith.constant 64 : index
        %get3A_451 = tpu.vector_load %arg10[%get3A_448, %get3A_449, %get3A_450] {strides = array<i32>} : memref<2x80x128xf32, #tpu.memory_space<vmem>>, vector<1x1x16xf32>,
        %get3A_452 = vector.shape_cast %get3A_451 : vector<1x1x16xf32> to vector<16xf32>
        %add3A_453 = arith.addf %get3A_446, %get3A_452 : vector<16xf32>
        %max3A_454 = arith.constant 0.000000e+00 : f32
        %max3A_455 = vector.broadcast %max3A_454 : f32 to vector<16xf32>
        %max3A_456 = arith.maximumf %add3A_453, %max3A_455 : vector<16xf32>
        %swap3A_457 = arith.constant 1 : i32
        %swap3A_458 = arith.index_cast %swap3A_457 : i32 to index
        %swap3A_459 = arith.index_cast %scan3A_351 : i32 to index
        %swap3A_460 = arith.constant 64 : index
        %swap3A_461 = tpu.vector_load %arg9[%swap3A_458, %swap3A_459, %swap3A_460] {strides = array<i32>} : memref<2x80x128xf32, #tpu.memory_space<vmem>>, vector<1x1x16xf32>,
        %swap3A_462 = vector.shape_cast %swap3A_461 : vector<1x1x16xf32> to vector<16xf32>
        %swap3A_463 = vector.shape_cast %max3A_456 : vector<16xf32> to vector<1x1x16xf32>
        tpu.vector_store %arg9[%swap3A_458, %swap3A_459, %swap3A_460], %swap3A_463 {strides = array<i32>} : memref<2x80x128xf32, #tpu.memory_space<vmem>>, vector<1x1x16xf32>,
        %get3A_464 = arith.constant 1 : i32
        %get3A_465 = arith.index_cast %get3A_464 : i32 to index
        %get3A_466 = arith.index_cast %scan3A_351 : i32 to index
        %get3A_467 = arith.constant 80 : index
        %get3A_468 = tpu.vector_load %arg9[%get3A_465, %get3A_466, %get3A_467] {strides = array<i32>} : memref<2x80x128xf32, #tpu.memory_space<vmem>>, vector<1x1x16xf32>,
        %get3A_469 = vector.shape_cast %get3A_468 : vector<1x1x16xf32> to vector<16xf32>
        %get3A_470 = arith.constant 1 : i32
        %get3A_471 = arith.index_cast %get3A_470 : i32 to index
        %get3A_472 = arith.index_cast %scan3A_351 : i32 to index
        %get3A_473 = arith.constant 80 : index
        %get3A_474 = tpu.vector_load %arg10[%get3A_471, %get3A_472, %get3A_473] {strides = array<i32>} : memref<2x80x128xf32, #tpu.memory_space<vmem>>, vector<1x1x16xf32>,
        %get3A_475 = vector.shape_cast %get3A_474 : vector<1x1x16xf32> to vector<16xf32>
        %add3A_476 = arith.addf %get3A_469, %get3A_475 : vector<16xf32>
        %max3A_477 = arith.constant 0.000000e+00 : f32
        %max3A_478 = vector.broadcast %max3A_477 : f32 to vector<16xf32>
        %max3A_479 = arith.maximumf %add3A_476, %max3A_478 : vector<16xf32>
        %swap3A_480 = arith.constant 1 : i32
        %swap3A_481 = arith.index_cast %swap3A_480 : i32 to index
        %swap3A_482 = arith.index_cast %scan3A_351 : i32 to index
        %swap3A_483 = arith.constant 80 : index
        %swap3A_484 = tpu.vector_load %arg9[%swap3A_481, %swap3A_482, %swap3A_483] {strides = array<i32>} : memref<2x80x128xf32, #tpu.memory_space<vmem>>, vector<1x1x16xf32>,
        %swap3A_485 = vector.shape_cast %swap3A_484 : vector<1x1x16xf32> to vector<16xf32>
        %swap3A_486 = vector.shape_cast %max3A_479 : vector<16xf32> to vector<1x1x16xf32>
        tpu.vector_store %arg9[%swap3A_481, %swap3A_482, %swap3A_483], %swap3A_486 {strides = array<i32>} : memref<2x80x128xf32, #tpu.memory_space<vmem>>, vector<1x1x16xf32>,
        %get3A_487 = arith.constant 1 : i32
        %get3A_488 = arith.index_cast %get3A_487 : i32 to index
        %get3A_489 = arith.index_cast %scan3A_351 : i32 to index
        %get3A_490 = arith.constant 96 : index
        %get3A_491 = tpu.vector_load %arg9[%get3A_488, %get3A_489, %get3A_490] {strides = array<i32>} : memref<2x80x128xf32, #tpu.memory_space<vmem>>, vector<1x1x16xf32>,
        %get3A_492 = vector.shape_cast %get3A_491 : vector<1x1x16xf32> to vector<16xf32>
        %get3A_493 = arith.constant 1 : i32
        %get3A_494 = arith.index_cast %get3A_493 : i32 to index
        %get3A_495 = arith.index_cast %scan3A_351 : i32 to index
        %get3A_496 = arith.constant 96 : index
        %get3A_497 = tpu.vector_load %arg10[%get3A_494, %get3A_495, %get3A_496] {strides = array<i32>} : memref<2x80x128xf32, #tpu.memory_space<vmem>>, vector<1x1x16xf32>,
        %get3A_498 = vector.shape_cast %get3A_497 : vector<1x1x16xf32> to vector<16xf32>
        %add3A_499 = arith.addf %get3A_492, %get3A_498 : vector<16xf32>
        %max3A_500 = arith.constant 0.000000e+00 : f32
        %max3A_501 = vector.broadcast %max3A_500 : f32 to vector<16xf32>
        %max3A_502 = arith.maximumf %add3A_499, %max3A_501 : vector<16xf32>
        %swap3A_503 = arith.constant 1 : i32
        %swap3A_504 = arith.index_cast %swap3A_503 : i32 to index
        %swap3A_505 = arith.index_cast %scan3A_351 : i32 to index
        %swap3A_506 = arith.constant 96 : index
        %swap3A_507 = tpu.vector_load %arg9[%swap3A_504, %swap3A_505, %swap3A_506] {strides = array<i32>} : memref<2x80x128xf32, #tpu.memory_space<vmem>>, vector<1x1x16xf32>,
        %swap3A_508 = vector.shape_cast %swap3A_507 : vector<1x1x16xf32> to vector<16xf32>
        %swap3A_509 = vector.shape_cast %max3A_502 : vector<16xf32> to vector<1x1x16xf32>
        tpu.vector_store %arg9[%swap3A_504, %swap3A_505, %swap3A_506], %swap3A_509 {strides = array<i32>} : memref<2x80x128xf32, #tpu.memory_space<vmem>>, vector<1x1x16xf32>,
        %get3A_510 = arith.constant 1 : i32
        %get3A_511 = arith.index_cast %get3A_510 : i32 to index
        %get3A_512 = arith.index_cast %scan3A_351 : i32 to index
        %get3A_513 = arith.constant 112 : index
        %get3A_514 = tpu.vector_load %arg9[%get3A_511, %get3A_512, %get3A_513] {strides = array<i32>} : memref<2x80x128xf32, #tpu.memory_space<vmem>>, vector<1x1x16xf32>,
        %get3A_515 = vector.shape_cast %get3A_514 : vector<1x1x16xf32> to vector<16xf32>
        %get3A_516 = arith.constant 1 : i32
        %get3A_517 = arith.index_cast %get3A_516 : i32 to index
        %get3A_518 = arith.index_cast %scan3A_351 : i32 to index
        %get3A_519 = arith.constant 112 : index
        %get3A_520 = tpu.vector_load %arg10[%get3A_517, %get3A_518, %get3A_519] {strides = array<i32>} : memref<2x80x128xf32, #tpu.memory_space<vmem>>, vector<1x1x16xf32>,
        %get3A_521 = vector.shape_cast %get3A_520 : vector<1x1x16xf32> to vector<16xf32>
        %add3A_522 = arith.addf %get3A_515, %get3A_521 : vector<16xf32>
        %max3A_523 = arith.constant 0.000000e+00 : f32
        %max3A_524 = vector.broadcast %max3A_523 : f32 to vector<16xf32>
        %max3A_525 = arith.maximumf %add3A_522, %max3A_524 : vector<16xf32>
        %swap3A_526 = arith.constant 1 : i32
        %swap3A_527 = arith.index_cast %swap3A_526 : i32 to index
        %swap3A_528 = arith.index_cast %scan3A_351 : i32 to index
        %swap3A_529 = arith.constant 112 : index
        %swap3A_530 = tpu.vector_load %arg9[%swap3A_527, %swap3A_528, %swap3A_529] {strides = array<i32>} : memref<2x80x128xf32, #tpu.memory_space<vmem>>, vector<1x1x16xf32>,
        %swap3A_531 = vector.shape_cast %swap3A_530 : vector<1x1x16xf32> to vector<16xf32>
        %swap3A_532 = vector.shape_cast %max3A_525 : vector<16xf32> to vector<1x1x16xf32>
        tpu.vector_store %arg9[%swap3A_527, %swap3A_528, %swap3A_529], %swap3A_532 {strides = array<i32>} : memref<2x80x128xf32, #tpu.memory_space<vmem>>, vector<1x1x16xf32>,
      }
      %scan3A_326 = arith.constant 80 : i32
      %mul3A_327 = arith.constant 80 : i32
      %mul3A_328 = arith.muli %add3A_271, %mul3A_327 : i32
      %add3A_329 = arith.addi %mul3A_2, %mul3A_328 : i32
      %dma_wait3A_330 = arith.constant 1 : i32
      %dma_wait3A_331 = arith.constant 0 : i32
      %dma_wait3A_332 = tpu.memref_slice %arg8[%dma_wait3A_330, %dma_wait3A_331] : memref<2x80xi32, #tpu.memory_space<vmem>> -> memref<1x80xi32, #tpu.memory_space<vmem>>
      %dma_wait3A_333 = tpu.memref_squeeze %dma_wait3A_332 : memref<1x80xi32, #tpu.memory_space<vmem>> -> memref<80xi32, #tpu.memory_space<vmem>>
      %dma_wait3A_334 = tpu.memref_slice %arg4[%add3A_329] : memref<640000xi32, #tpu.memory_space<hbm>> -> memref<80xi32, #tpu.memory_space<hbm>>
      %dma_wait3A_335 = arith.constant 0 : i32
      %dma_wait3A_336 = tpu.memref_slice %arg8[%dma_wait3A_330, %dma_wait3A_335] : memref<2x80xi32, #tpu.memory_space<vmem>> -> memref<1x80xi32, #tpu.memory_space<vmem>>
      %dma_wait3A_337 = tpu.memref_squeeze %dma_wait3A_336 : memref<1x80xi32, #tpu.memory_space<vmem>> -> memref<80xi32, #tpu.memory_space<vmem>>
      %dma_wait3A_338 = tpu.memref_slice %arg4[%add3A_329] : memref<640000xi32, #tpu.memory_space<hbm>> -> memref<80xi32, #tpu.memory_space<hbm>>
      tpu.wait_dma2 semaphore(%arg13 : memref<!tpu.dma_semaphore, #tpu.memory_space<semaphore_mem>>) src(%dma_wait3A_338 : memref<80xi32, #tpu.memory_space<hbm>>) dst(%dma_wait3A_337 : memref<80xi32, #tpu.memory_space<vmem>>)
      %dma_start3A_339 = arith.constant 1 : i32
      %dma_start3A_340 = arith.constant 1 : i32
      %dma_start3A_341 = arith.constant 0 : i32
      %dma_start3A_342 = arith.constant 0 : i32
      %dma_start3A_343 = tpu.memref_slice %arg9[%dma_start3A_339, %dma_start3A_341, %dma_start3A_342] : memref<2x80x128xf32, #tpu.memory_space<vmem>> -> memref<1x80x128xf32, #tpu.memory_space<vmem>>
      %dma_start3A_344 = tpu.memref_squeeze %dma_start3A_343 : memref<1x80x128xf32, #tpu.memory_space<vmem>> -> memref<80x128xf32, #tpu.memory_space<vmem>>
      %dma_start3A_345 = arith.constant 0 : i32
      %dma_start3A_346 = tpu.memref_slice %arg8[%dma_start3A_340, %dma_start3A_345] : memref<2x80xi32, #tpu.memory_space<vmem>> -> memref<1x80xi32, #tpu.memory_space<vmem>>
      %dma_start3A_347 = tpu.memref_squeeze %dma_start3A_346 : memref<1x80xi32, #tpu.memory_space<vmem>> -> memref<80xi32, #tpu.memory_space<vmem>>
      %dma_start3A_348 = arith.constant 0 : i32
      %dma_start3A_349 = arith.constant 0 : i32
      %dma_start3A_350 = tpu.memref_slice %arg11[%dma_start3A_348, %dma_start3A_349] : memref<10000x128xf32, #tpu.memory_space<vmem_shared>> -> memref<10000x128xf32, #tpu.memory_space<vmem_shared>>
      tpu.enqueue_indirect_dma source(%dma_start3A_344 : memref<80x128xf32, #tpu.memory_space<vmem>>) target(%dma_start3A_350 : memref<10000x128xf32, #tpu.memory_space<vmem_shared>>) offsets(%dma_start3A_347 : memref<80xi32, #tpu.memory_space<vmem>>) semaphore(%arg19 : memref<!tpu.dma_semaphore, #tpu.memory_space<semaphore_mem>>) {add = true}
    }
    %scan3A_106 = arith.constant 125 : i32
    %dma_wait3A_107 = arith.constant 1 : i32
    %dma_wait3A_108 = arith.constant 1 : i32
    %dma_wait3A_109 = arith.constant 0 : i32
    %dma_wait3A_110 = arith.constant 0 : i32
    %dma_wait3A_111 = tpu.memref_slice %arg9[%dma_wait3A_107, %dma_wait3A_109, %dma_wait3A_110] : memref<2x80x128xf32, #tpu.memory_space<vmem>> -> memref<1x80x128xf32, #tpu.memory_space<vmem>>
    %dma_wait3A_112 = tpu.memref_squeeze %dma_wait3A_111 : memref<1x80x128xf32, #tpu.memory_space<vmem>> -> memref<80x128xf32, #tpu.memory_space<vmem>>
    %dma_wait3A_113 = arith.constant 0 : i32
    %dma_wait3A_114 = tpu.memref_slice %arg8[%dma_wait3A_108, %dma_wait3A_113] : memref<2x80xi32, #tpu.memory_space<vmem>> -> memref<1x80xi32, #tpu.memory_space<vmem>>
    %dma_wait3A_115 = tpu.memref_squeeze %dma_wait3A_114 : memref<1x80xi32, #tpu.memory_space<vmem>> -> memref<80xi32, #tpu.memory_space<vmem>>
    %dma_wait3A_116 = arith.constant 0 : i32
    %dma_wait3A_117 = arith.constant 0 : i32
    %dma_wait3A_118 = tpu.memref_slice %arg11[%dma_wait3A_116, %dma_wait3A_117] : memref<10000x128xf32, #tpu.memory_space<vmem_shared>> -> memref<10000x128xf32, #tpu.memory_space<vmem_shared>>
    tpu.wait_indirect_dma semaphore(%arg19 : memref<!tpu.dma_semaphore, #tpu.memory_space<semaphore_mem>>) src(%dma_wait3A_112 : memref<80x128xf32, #tpu.memory_space<vmem>>) dst(%dma_wait3A_118 : memref<10000x128xf32, #tpu.memory_space<vmem_shared>>)
    %barrier3A_119 = arith.constant 0 : index
    tpu.barrier barrier_id(%barrier3A_119)
    %while3A_120 = arith.constant 0 : i32
    %while3A_121 = arith.constant 0 : i32
    %while3A_122 = arith.subi %select_n3A, %while3A_121 : i32
    %while3A_123 = arith.addi %while3A_121, %while3A_122 : i32
    %while3A_124 = arith.constant 1 : i32
    %while3A_125 = arith.divsi %while3A_122, %while3A_124 : i32
    %while3A_126 = arith.muli %while3A_125, %while3A_124 : i32
    %while3A_127 = arith.addi %while3A_121, %while3A_126 : i32
    %while3A_128 = arith.constant 1 : i32
    scf.for %while3A_130 = %while3A_121 to %while3A_127 step %while3A_128  : i32 {
      %mul3A_131 = arith.constant 16 : i32
      %mul3A_132 = arith.muli %while3A_130, %mul3A_131 : i32
      %add3A_133 = arith.addi %arg1, %mul3A_132 : i32
      %mul3A_134 = arith.constant 80 : i32
      %mul3A_135 = arith.muli %add3A_133, %mul3A_134 : i32
      "tpu.region"() ({
        %run_scoped3A_136 = tpu.sem_alloc : memref<!tpu.dma_semaphore, #tpu.memory_space<semaphore_mem>>
        %dma_start3A_137 = arith.constant 0 : i32
        %dma_start3A_138 = tpu.memref_slice %arg6[%arg0, %mul3A_135, %dma_start3A_137] : memref<2x10000x128xf32, #tpu.memory_space<hbm>> -> memref<1x80x128xf32, #tpu.memory_space<hbm>>
        %dma_start3A_139 = tpu.memref_squeeze %dma_start3A_138 : memref<1x80x128xf32, #tpu.memory_space<hbm>> -> memref<80x128xf32, #tpu.memory_space<hbm>>
        %dma_start3A_140 = arith.constant 0 : i32
        %dma_start3A_141 = tpu.memref_slice %arg11[%mul3A_135, %dma_start3A_140] : memref<10000x128xf32, #tpu.memory_space<vmem_shared>> -> memref<80x128xf32, #tpu.memory_space<vmem_shared>>
        tpu.enqueue_dma source(%dma_start3A_141 : memref<80x128xf32, #tpu.memory_space<vmem_shared>>) target(%dma_start3A_139 : memref<80x128xf32, #tpu.memory_space<hbm>>) target_semaphore(%run_scoped3A_136 : memref<!tpu.dma_semaphore, #tpu.memory_space<semaphore_mem>>)
        %dma_wait3A_142 = arith.constant 0 : i32
        %dma_wait3A_143 = tpu.memref_slice %arg6[%arg0, %mul3A_135, %dma_wait3A_142] : memref<2x10000x128xf32, #tpu.memory_space<hbm>> -> memref<1x80x128xf32, #tpu.memory_space<hbm>>
        %dma_wait3A_144 = tpu.memref_squeeze %dma_wait3A_143 : memref<1x80x128xf32, #tpu.memory_space<hbm>> -> memref<80x128xf32, #tpu.memory_space<hbm>>
        %dma_wait3A_145 = arith.constant 0 : i32
        %dma_wait3A_146 = tpu.memref_slice %arg11[%mul3A_135, %dma_wait3A_145] : memref<10000x128xf32, #tpu.memory_space<vmem_shared>> -> memref<80x128xf32, #tpu.memory_space<vmem_shared>>
        tpu.wait_dma2 semaphore(%run_scoped3A_136 : memref<!tpu.dma_semaphore, #tpu.memory_space<semaphore_mem>>) src(%dma_wait3A_146 : memref<80x128xf32, #tpu.memory_space<vmem_shared>>) dst(%dma_wait3A_144 : memref<80x128xf32, #tpu.memory_space<hbm>>)
        tpu.yield
      }) : () -> ()
    }
    %while3A_129 = arith.constant 1 : i32
    scf.for %while3A_130 = %while3A_127 to %while3A_123 step %while3A_129  : i32 {
      %mul3A_131 = arith.constant 16 : i32
      %mul3A_132 = arith.muli %while3A_130, %mul3A_131 : i32
      %add3A_133 = arith.addi %arg1, %mul3A_132 : i32
      %mul3A_134 = arith.constant 80 : i32
      %mul3A_135 = arith.muli %add3A_133, %mul3A_134 : i32
      "tpu.region"() ({
        %run_scoped3A_136 = tpu.sem_alloc : memref<!tpu.dma_semaphore, #tpu.memory_space<semaphore_mem>>
        %dma_start3A_137 = arith.constant 0 : i32
        %dma_start3A_138 = tpu.memref_slice %arg6[%arg0, %mul3A_135, %dma_start3A_137] : memref<2x10000x128xf32, #tpu.memory_space<hbm>> -> memref<1x80x128xf32, #tpu.memory_space<hbm>>
        %dma_start3A_139 = tpu.memref_squeeze %dma_start3A_138 : memref<1x80x128xf32, #tpu.memory_space<hbm>> -> memref<80x128xf32, #tpu.memory_space<hbm>>
        %dma_start3A_140 = arith.constant 0 : i32
        %dma_start3A_141 = tpu.memref_slice %arg11[%mul3A_135, %dma_start3A_140] : memref<10000x128xf32, #tpu.memory_space<vmem_shared>> -> memref<80x128xf32, #tpu.memory_space<vmem_shared>>
        tpu.enqueue_dma source(%dma_start3A_141 : memref<80x128xf32, #tpu.memory_space<vmem_shared>>) target(%dma_start3A_139 : memref<80x128xf32, #tpu.memory_space<hbm>>) target_semaphore(%run_scoped3A_136 : memref<!tpu.dma_semaphore, #tpu.memory_space<semaphore_mem>>)
        %dma_wait3A_142 = arith.constant 0 : i32
        %dma_wait3A_143 = tpu.memref_slice %arg6[%arg0, %mul3A_135, %dma_wait3A_142] : memref<2x10000x128xf32, #tpu.memory_space<hbm>> -> memref<1x80x128xf32, #tpu.memory_space<hbm>>
        %dma_wait3A_144 = tpu.memref_squeeze %dma_wait3A_143 : memref<1x80x128xf32, #tpu.memory_space<hbm>> -> memref<80x128xf32, #tpu.memory_space<hbm>>
        %dma_wait3A_145 = arith.constant 0 : i32
        %dma_wait3A_146 = tpu.memref_slice %arg11[%mul3A_135, %dma_wait3A_145] : memref<10000x128xf32, #tpu.memory_space<vmem_shared>> -> memref<80x128xf32, #tpu.memory_space<vmem_shared>>
        tpu.wait_dma2 semaphore(%run_scoped3A_136 : memref<!tpu.dma_semaphore, #tpu.memory_space<semaphore_mem>>) src(%dma_wait3A_146 : memref<80x128xf32, #tpu.memory_space<vmem_shared>>) dst(%dma_wait3A_144 : memref<80x128xf32, #tpu.memory_space<hbm>>)
        tpu.yield
      }) : () -> ()
    }
    return
  }
}

#map = affine_map<(d0, d1) -> (0, 0)>
#map1 = affine_map<(d0, d1) -> (0)>
#map2 = affine_map<(d0, d1) -> (0, 0, 0)>
module attributes {stable_mosaic.version = 14 : i64} {
  func.func @k(%arg0: i32, %arg1: i32, %arg2: memref<20000x128xf32, #tpu.memory_space<hbm>>, %arg3: memref<640000xi32, #tpu.memory_space<hbm>>, %arg4: memref<640000xi32, #tpu.memory_space<hbm>>, %arg5: memref<640000x128xf32, #tpu.memory_space<hbm>>, %arg6: memref<2x10000x128xf32, #tpu.memory_space<hbm>>, %arg7: memref<2x80xi32, #tpu.memory_space<vmem>>, %arg8: memref<2x80xi32, #tpu.memory_space<vmem>>, %arg9: memref<2x80x128xf32, #tpu.memory_space<vmem>>, %arg10: memref<2x80x128xf32, #tpu.memory_space<vmem>>, %arg11: memref<10000x128xf32, #tpu.memory_space<vmem_shared>>, %arg12: memref<!tpu.dma_semaphore, #tpu.memory_space<semaphore_mem>>, %arg13: memref<!tpu.dma_semaphore, #tpu.memory_space<semaphore_mem>>, %arg14: memref<!tpu.dma_semaphore, #tpu.memory_space<semaphore_mem>>, %arg15: memref<!tpu.dma_semaphore, #tpu.memory_space<semaphore_mem>>, %arg16: memref<!tpu.dma_semaphore, #tpu.memory_space<semaphore_mem>>, %arg17: memref<!tpu.dma_semaphore, #tpu.memory_space<semaphore_mem>>, %arg18: memref<!tpu.dma_semaphore, #tpu.memory_space<semaphore_mem>>, %arg19: memref<!tpu.dma_semaphore, #tpu.memory_space<semaphore_mem>>) attributes {dimension_semantics = [#tpu.dimension_semantics<core_parallel>, #tpu.dimension_semantics<subcore_parallel>], iteration_bounds = array<i64: 2, 16>, scalar_prefetch = 0 : i64, scratch_operands = 13 : i64, tpu.core_type = #tpu.core_type<sc_vector_subcore>, window_params = [{transform_indices = #map}, {transform_indices = #map1}, {transform_indices = #map1}, {transform_indices = #map}, {transform_indices = #map2}]} {
    %mul3A = arith.constant 16 : i32
    %mul3A_0 = arith.muli %arg0, %mul3A : i32
    %add3A = arith.addi %mul3A_0, %arg1 : i32
    %mul3A_1 = arith.constant 20000 : i32
    %mul3A_2 = arith.muli %add3A, %mul3A_1 : i32
    %broadcast_in_dim3A = arith.constant 0.000000e+00 : f32
    %broadcast_in_dim3A_3 = vector.broadcast %broadcast_in_dim3A : f32 to vector<16xf32>
    %scan3A = arith.constant 0 : i32
    %scan3A_4 = arith.constant 0 : i32
    %scan3A_5 = arith.constant 80 : i32
    %scan3A_6 = arith.addi %scan3A_4, %scan3A_5 : i32
    %scan3A_7 = arith.constant 1 : i32
    scf.for %scan3A_130 = %scan3A_4 to %scan3A_6 step %scan3A_7  : i32 {
      %swap3A = arith.constant 1 : i32
      %swap3A_131 = arith.index_cast %swap3A : i32 to index
      %swap3A_132 = arith.index_cast %scan3A_130 : i32 to index
      %swap3A_133 = arith.constant 0 : index
      %swap3A_134 = tpu.vector_load %arg9[%swap3A_131, %swap3A_132, %swap3A_133] {strides = array<i32>} : memref<2x80x128xf32, #tpu.memory_space<vmem>>, vector<1x1x16xf32>,
      %swap3A_135 = vector.shape_cast %swap3A_134 : vector<1x1x16xf32> to vector<16xf32>
      %swap3A_136 = vector.shape_cast %broadcast_in_dim3A_3 : vector<16xf32> to vector<1x1x16xf32>
      tpu.vector_store %arg9[%swap3A_131, %swap3A_132, %swap3A_133], %swap3A_136 {strides = array<i32>} : memref<2x80x128xf32, #tpu.memory_space<vmem>>, vector<1x1x16xf32>,
      %swap3A_137 = arith.constant 1 : i32
      %swap3A_138 = arith.index_cast %swap3A_137 : i32 to index
      %swap3A_139 = arith.index_cast %scan3A_130 : i32 to index
      %swap3A_140 = arith.constant 16 : index
      %swap3A_141 = tpu.vector_load %arg9[%swap3A_138, %swap3A_139, %swap3A_140] {strides = array<i32>} : memref<2x80x128xf32, #tpu.memory_space<vmem>>, vector<1x1x16xf32>,
      %swap3A_142 = vector.shape_cast %swap3A_141 : vector<1x1x16xf32> to vector<16xf32>
      %swap3A_143 = vector.shape_cast %broadcast_in_dim3A_3 : vector<16xf32> to vector<1x1x16xf32>
      tpu.vector_store %arg9[%swap3A_138, %swap3A_139, %swap3A_140], %swap3A_143 {strides = array<i32>} : memref<2x80x128xf32, #tpu.memory_space<vmem>>, vector<1x1x16xf32>,
      %swap3A_144 = arith.constant 1 : i32
      %swap3A_145 = arith.index_cast %swap3A_144 : i32 to index
      %swap3A_146 = arith.index_cast %scan3A_130 : i32 to index
      %swap3A_147 = arith.constant 32 : index
      %swap3A_148 = tpu.vector_load %arg9[%swap3A_145, %swap3A_146, %swap3A_147] {strides = array<i32>} : memref<2x80x128xf32, #tpu.memory_space<vmem>>, vector<1x1x16xf32>,
      %swap3A_149 = vector.shape_cast %swap3A_148 : vector<1x1x16xf32> to vector<16xf32>
      %swap3A_150 = vector.shape_cast %broadcast_in_dim3A_3 : vector<16xf32> to vector<1x1x16xf32>
      tpu.vector_store %arg9[%swap3A_145, %swap3A_146, %swap3A_147], %swap3A_150 {strides = array<i32>} : memref<2x80x128xf32, #tpu.memory_space<vmem>>, vector<1x1x16xf32>,
      %swap3A_151 = arith.constant 1 : i32
      %swap3A_152 = arith.index_cast %swap3A_151 : i32 to index
      %swap3A_153 = arith.index_cast %scan3A_130 : i32 to index
      %swap3A_154 = arith.constant 48 : index
      %swap3A_155 = tpu.vector_load %arg9[%swap3A_152, %swap3A_153, %swap3A_154] {strides = array<i32>} : memref<2x80x128xf32, #tpu.memory_space<vmem>>, vector<1x1x16xf32>,
      %swap3A_156 = vector.shape_cast %swap3A_155 : vector<1x1x16xf32> to vector<16xf32>
      %swap3A_157 = vector.shape_cast %broadcast_in_dim3A_3 : vector<16xf32> to vector<1x1x16xf32>
      tpu.vector_store %arg9[%swap3A_152, %swap3A_153, %swap3A_154], %swap3A_157 {strides = array<i32>} : memref<2x80x128xf32, #tpu.memory_space<vmem>>, vector<1x1x16xf32>,
      %swap3A_158 = arith.constant 1 : i32
      %swap3A_159 = arith.index_cast %swap3A_158 : i32 to index
      %swap3A_160 = arith.index_cast %scan3A_130 : i32 to index
      %swap3A_161 = arith.constant 64 : index
      %swap3A_162 = tpu.vector_load %arg9[%swap3A_159, %swap3A_160, %swap3A_161] {strides = array<i32>} : memref<2x80x128xf32, #tpu.memory_space<vmem>>, vector<1x1x16xf32>,
      %swap3A_163 = vector.shape_cast %swap3A_162 : vector<1x1x16xf32> to vector<16xf32>
      %swap3A_164 = vector.shape_cast %broadcast_in_dim3A_3 : vector<16xf32> to vector<1x1x16xf32>
      tpu.vector_store %arg9[%swap3A_159, %swap3A_160, %swap3A_161], %swap3A_164 {strides = array<i32>} : memref<2x80x128xf32, #tpu.memory_space<vmem>>, vector<1x1x16xf32>,
      %swap3A_165 = arith.constant 1 : i32
      %swap3A_166 = arith.index_cast %swap3A_165 : i32 to index
      %swap3A_167 = arith.index_cast %scan3A_130 : i32 to index
      %swap3A_168 = arith.constant 80 : index
      %swap3A_169 = tpu.vector_load %arg9[%swap3A_166, %swap3A_167, %swap3A_168] {strides = array<i32>} : memref<2x80x128xf32, #tpu.memory_space<vmem>>, vector<1x1x16xf32>,
      %swap3A_170 = vector.shape_cast %swap3A_169 : vector<1x1x16xf32> to vector<16xf32>
      %swap3A_171 = vector.shape_cast %broadcast_in_dim3A_3 : vector<16xf32> to vector<1x1x16xf32>
      tpu.vector_store %arg9[%swap3A_166, %swap3A_167, %swap3A_168], %swap3A_171 {strides = array<i32>} : memref<2x80x128xf32, #tpu.memory_space<vmem>>, vector<1x1x16xf32>,
      %swap3A_172 = arith.constant 1 : i32
      %swap3A_173 = arith.index_cast %swap3A_172 : i32 to index
      %swap3A_174 = arith.index_cast %scan3A_130 : i32 to index
      %swap3A_175 = arith.constant 96 : index
      %swap3A_176 = tpu.vector_load %arg9[%swap3A_173, %swap3A_174, %swap3A_175] {strides = array<i32>} : memref<2x80x128xf32, #tpu.memory_space<vmem>>, vector<1x1x16xf32>,
      %swap3A_177 = vector.shape_cast %swap3A_176 : vector<1x1x16xf32> to vector<16xf32>
      %swap3A_178 = vector.shape_cast %broadcast_in_dim3A_3 : vector<16xf32> to vector<1x1x16xf32>
      tpu.vector_store %arg9[%swap3A_173, %swap3A_174, %swap3A_175], %swap3A_178 {strides = array<i32>} : memref<2x80x128xf32, #tpu.memory_space<vmem>>, vector<1x1x16xf32>,
      %swap3A_179 = arith.constant 1 : i32
      %swap3A_180 = arith.index_cast %swap3A_179 : i32 to index
      %swap3A_181 = arith.index_cast %scan3A_130 : i32 to index
      %swap3A_182 = arith.constant 112 : index
      %swap3A_183 = tpu.vector_load %arg9[%swap3A_180, %swap3A_181, %swap3A_182] {strides = array<i32>} : memref<2x80x128xf32, #tpu.memory_space<vmem>>, vector<1x1x16xf32>,
      %swap3A_184 = vector.shape_cast %swap3A_183 : vector<1x1x16xf32> to vector<16xf32>
      %swap3A_185 = vector.shape_cast %broadcast_in_dim3A_3 : vector<16xf32> to vector<1x1x16xf32>
      tpu.vector_store %arg9[%swap3A_180, %swap3A_181, %swap3A_182], %swap3A_185 {strides = array<i32>} : memref<2x80x128xf32, #tpu.memory_space<vmem>>, vector<1x1x16xf32>,
    }
    %scan3A_8 = arith.constant 80 : i32
    %lt3A = arith.constant 13 : i32
    %lt3A_9 = arith.cmpi slt, %arg1, %lt3A : i32
    %jit3A = arith.constant 8 : i32
    %jit3A_10 = arith.constant 7 : i32
    %select_n3A = arith.select %lt3A_9, %jit3A, %jit3A_10 : i32
    %while3A = arith.constant 0 : i32
    %while3A_11 = arith.constant 0 : i32
    %while3A_12 = arith.subi %select_n3A, %while3A_11 : i32
    %while3A_13 = arith.addi %while3A_11, %while3A_12 : i32
    %while3A_14 = arith.constant 1 : i32
    %while3A_15 = arith.divsi %while3A_12, %while3A_14 : i32
    %while3A_16 = arith.muli %while3A_15, %while3A_14 : i32
    %while3A_17 = arith.addi %while3A_11, %while3A_16 : i32
    %while3A_18 = arith.constant 1 : i32
    scf.for %while3A_130 = %while3A_11 to %while3A_17 step %while3A_18  : i32 {
      %mul3A_131 = arith.constant 16 : i32
      %mul3A_132 = arith.muli %while3A_130, %mul3A_131 : i32
      %add3A_133 = arith.addi %arg1, %mul3A_132 : i32
      %mul3A_134 = arith.constant 80 : i32
      %mul3A_135 = arith.muli %add3A_133, %mul3A_134 : i32
      %run_scoped3A_136 = arith.constant 1 : i32
      "tpu.region"() ({
        %run_scoped3A_137 = tpu.sem_alloc : memref<!tpu.dma_semaphore, #tpu.memory_space<semaphore_mem>>
        %dma_start3A_138 = arith.constant 0 : i32
        %dma_start3A_139 = arith.constant 0 : i32
        %dma_start3A_140 = tpu.memref_slice %arg9[%run_scoped3A_136, %dma_start3A_138, %dma_start3A_139] : memref<2x80x128xf32, #tpu.memory_space<vmem>> -> memref<1x80x128xf32, #tpu.memory_space<vmem>>
        %dma_start3A_141 = tpu.memref_squeeze %dma_start3A_140 : memref<1x80x128xf32, #tpu.memory_space<vmem>> -> memref<80x128xf32, #tpu.memory_space<vmem>>
        %dma_start3A_142 = arith.constant 0 : i32
        %dma_start3A_143 = tpu.memref_slice %arg11[%mul3A_135, %dma_start3A_142] : memref<10000x128xf32, #tpu.memory_space<vmem_shared>> -> memref<80x128xf32, #tpu.memory_space<vmem_shared>>
        %dma_start3A_144 = arith.constant 0 : i32
        %dma_start3A_145 = tpu.memref_slice %arg11[%mul3A_135, %dma_start3A_144] : memref<10000x128xf32, #tpu.memory_space<vmem_shared>> -> memref<80x128xf32, #tpu.memory_space<vmem_shared>>
        %dma_start3A_146 = arith.constant 0 : i32
        %dma_start3A_147 = arith.constant 0 : i32
        %dma_start3A_148 = tpu.memref_slice %arg9[%run_scoped3A_136, %dma_start3A_146, %dma_start3A_147] : memref<2x80x128xf32, #tpu.memory_space<vmem>> -> memref<1x80x128xf32, #tpu.memory_space<vmem>>
        %dma_start3A_149 = tpu.memref_squeeze %dma_start3A_148 : memref<1x80x128xf32, #tpu.memory_space<vmem>> -> memref<80x128xf32, #tpu.memory_space<vmem>>
        tpu.enqueue_dma source(%dma_start3A_149 : memref<80x128xf32, #tpu.memory_space<vmem>>) target(%dma_start3A_145 : memref<80x128xf32, #tpu.memory_space<vmem_shared>>) target_semaphore(%run_scoped3A_137 : memref<!tpu.dma_semaphore, #tpu.memory_space<semaphore_mem>>)
        %dma_wait3A_150 = arith.constant 0 : i32
        %dma_wait3A_151 = arith.constant 0 : i32
        %dma_wait3A_152 = tpu.memref_slice %arg9[%run_scoped3A_136, %dma_wait3A_150, %dma_wait3A_151] : memref<2x80x128xf32, #tpu.memory_space<vmem>> -> memref<1x80x128xf32, #tpu.memory_space<vmem>>
        %dma_wait3A_153 = tpu.memref_squeeze %dma_wait3A_152 : memref<1x80x128xf32, #tpu.memory_space<vmem>> -> memref<80x128xf32, #tpu.memory_space<vmem>>
        %dma_wait3A_154 = arith.constant 0 : i32
        %dma_wait3A_155 = tpu.memref_slice %arg11[%mul3A_135, %dma_wait3A_154] : memref<10000x128xf32, #tpu.memory_space<vmem_shared>> -> memref<80x128xf32, #tpu.memory_space<vmem_shared>>
        %dma_wait3A_156 = arith.constant 0 : i32
        %dma_wait3A_157 = tpu.memref_slice %arg11[%mul3A_135, %dma_wait3A_156] : memref<10000x128xf32, #tpu.memory_space<vmem_shared>> -> memref<80x128xf32, #tpu.memory_space<vmem_shared>>
        %dma_wait3A_158 = arith.constant 0 : i32
        %dma_wait3A_159 = arith.constant 0 : i32
        %dma_wait3A_160 = tpu.memref_slice %arg9[%run_scoped3A_136, %dma_wait3A_158, %dma_wait3A_159] : memref<2x80x128xf32, #tpu.memory_space<vmem>> -> memref<1x80x128xf32, #tpu.memory_space<vmem>>
        %dma_wait3A_161 = tpu.memref_squeeze %dma_wait3A_160 : memref<1x80x128xf32, #tpu.memory_space<vmem>> -> memref<80x128xf32, #tpu.memory_space<vmem>>
        tpu.wait_dma2 semaphore(%run_scoped3A_137 : memref<!tpu.dma_semaphore, #tpu.memory_space<semaphore_mem>>) src(%dma_wait3A_161 : memref<80x128xf32, #tpu.memory_space<vmem>>) dst(%dma_wait3A_157 : memref<80x128xf32, #tpu.memory_space<vmem_shared>>)
        tpu.yield
      }) : () -> ()
    }
    %while3A_19 = arith.constant 1 : i32
    scf.for %while3A_130 = %while3A_17 to %while3A_13 step %while3A_19  : i32 {
      %mul3A_131 = arith.constant 16 : i32
      %mul3A_132 = arith.muli %while3A_130, %mul3A_131 : i32
      %add3A_133 = arith.addi %arg1, %mul3A_132 : i32
      %mul3A_134 = arith.constant 80 : i32
      %mul3A_135 = arith.muli %add3A_133, %mul3A_134 : i32
      %run_scoped3A_136 = arith.constant 1 : i32
      "tpu.region"() ({
        %run_scoped3A_137 = tpu.sem_alloc : memref<!tpu.dma_semaphore, #tpu.memory_space<semaphore_mem>>
        %dma_start3A_138 = arith.constant 0 : i32
        %dma_start3A_139 = arith.constant 0 : i32
        %dma_start3A_140 = tpu.memref_slice %arg9[%run_scoped3A_136, %dma_start3A_138, %dma_start3A_139] : memref<2x80x128xf32, #tpu.memory_space<vmem>> -> memref<1x80x128xf32, #tpu.memory_space<vmem>>
        %dma_start3A_141 = tpu.memref_squeeze %dma_start3A_140 : memref<1x80x128xf32, #tpu.memory_space<vmem>> -> memref<80x128xf32, #tpu.memory_space<vmem>>
        %dma_start3A_142 = arith.constant 0 : i32
        %dma_start3A_143 = tpu.memref_slice %arg11[%mul3A_135, %dma_start3A_142] : memref<10000x128xf32, #tpu.memory_space<vmem_shared>> -> memref<80x128xf32, #tpu.memory_space<vmem_shared>>
        %dma_start3A_144 = arith.constant 0 : i32
        %dma_start3A_145 = tpu.memref_slice %arg11[%mul3A_135, %dma_start3A_144] : memref<10000x128xf32, #tpu.memory_space<vmem_shared>> -> memref<80x128xf32, #tpu.memory_space<vmem_shared>>
        %dma_start3A_146 = arith.constant 0 : i32
        %dma_start3A_147 = arith.constant 0 : i32
        %dma_start3A_148 = tpu.memref_slice %arg9[%run_scoped3A_136, %dma_start3A_146, %dma_start3A_147] : memref<2x80x128xf32, #tpu.memory_space<vmem>> -> memref<1x80x128xf32, #tpu.memory_space<vmem>>
        %dma_start3A_149 = tpu.memref_squeeze %dma_start3A_148 : memref<1x80x128xf32, #tpu.memory_space<vmem>> -> memref<80x128xf32, #tpu.memory_space<vmem>>
        tpu.enqueue_dma source(%dma_start3A_149 : memref<80x128xf32, #tpu.memory_space<vmem>>) target(%dma_start3A_145 : memref<80x128xf32, #tpu.memory_space<vmem_shared>>) target_semaphore(%run_scoped3A_137 : memref<!tpu.dma_semaphore, #tpu.memory_space<semaphore_mem>>)
        %dma_wait3A_150 = arith.constant 0 : i32
        %dma_wait3A_151 = arith.constant 0 : i32
        %dma_wait3A_152 = tpu.memref_slice %arg9[%run_scoped3A_136, %dma_wait3A_150, %dma_wait3A_151] : memref<2x80x128xf32, #tpu.memory_space<vmem>> -> memref<1x80x128xf32, #tpu.memory_space<vmem>>
        %dma_wait3A_153 = tpu.memref_squeeze %dma_wait3A_152 : memref<1x80x128xf32, #tpu.memory_space<vmem>> -> memref<80x128xf32, #tpu.memory_space<vmem>>
        %dma_wait3A_154 = arith.constant 0 : i32
        %dma_wait3A_155 = tpu.memref_slice %arg11[%mul3A_135, %dma_wait3A_154] : memref<10000x128xf32, #tpu.memory_space<vmem_shared>> -> memref<80x128xf32, #tpu.memory_space<vmem_shared>>
        %dma_wait3A_156 = arith.constant 0 : i32
        %dma_wait3A_157 = tpu.memref_slice %arg11[%mul3A_135, %dma_wait3A_156] : memref<10000x128xf32, #tpu.memory_space<vmem_shared>> -> memref<80x128xf32, #tpu.memory_space<vmem_shared>>
        %dma_wait3A_158 = arith.constant 0 : i32
        %dma_wait3A_159 = arith.constant 0 : i32
        %dma_wait3A_160 = tpu.memref_slice %arg9[%run_scoped3A_136, %dma_wait3A_158, %dma_wait3A_159] : memref<2x80x128xf32, #tpu.memory_space<vmem>> -> memref<1x80x128xf32, #tpu.memory_space<vmem>>
        %dma_wait3A_161 = tpu.memref_squeeze %dma_wait3A_160 : memref<1x80x128xf32, #tpu.memory_space<vmem>> -> memref<80x128xf32, #tpu.memory_space<vmem>>
        tpu.wait_dma2 semaphore(%run_scoped3A_137 : memref<!tpu.dma_semaphore, #tpu.memory_space<semaphore_mem>>) src(%dma_wait3A_161 : memref<80x128xf32, #tpu.memory_space<vmem>>) dst(%dma_wait3A_157 : memref<80x128xf32, #tpu.memory_space<vmem_shared>>)
        tpu.yield
      }) : () -> ()
    }
    %add3A_20 = arith.constant 0 : i32
    %add3A_21 = arith.addi %mul3A_2, %add3A_20 : i32
    %dma_start3A = arith.constant 0 : i32
    %dma_start3A_22 = arith.constant 0 : i32
    %dma_start3A_23 = tpu.memref_slice %arg7[%dma_start3A, %dma_start3A_22] : memref<2x80xi32, #tpu.memory_space<vmem>> -> memref<1x80xi32, #tpu.memory_space<vmem>>
    %dma_start3A_24 = tpu.memref_squeeze %dma_start3A_23 : memref<1x80xi32, #tpu.memory_space<vmem>> -> memref<80xi32, #tpu.memory_space<vmem>>
    %dma_start3A_25 = tpu.memref_slice %arg3[%add3A_21] : memref<640000xi32, #tpu.memory_space<hbm>> -> memref<80xi32, #tpu.memory_space<hbm>>
    %dma_start3A_26 = arith.constant 0 : i32
    %dma_start3A_27 = tpu.memref_slice %arg7[%dma_start3A, %dma_start3A_26] : memref<2x80xi32, #tpu.memory_space<vmem>> -> memref<1x80xi32, #tpu.memory_space<vmem>>
    %dma_start3A_28 = tpu.memref_squeeze %dma_start3A_27 : memref<1x80xi32, #tpu.memory_space<vmem>> -> memref<80xi32, #tpu.memory_space<vmem>>
    %dma_start3A_29 = tpu.memref_slice %arg3[%add3A_21] : memref<640000xi32, #tpu.memory_space<hbm>> -> memref<80xi32, #tpu.memory_space<hbm>>
    tpu.enqueue_dma source(%dma_start3A_29 : memref<80xi32, #tpu.memory_space<hbm>>) target(%dma_start3A_28 : memref<80xi32, #tpu.memory_space<vmem>>) target_semaphore(%arg12 : memref<!tpu.dma_semaphore, #tpu.memory_space<semaphore_mem>>)
    %add3A_30 = arith.constant 0 : i32
    %add3A_31 = arith.addi %mul3A_2, %add3A_30 : i32
    %dma_wait3A = arith.constant 0 : i32
    %dma_wait3A_32 = arith.constant 0 : i32
    %dma_wait3A_33 = tpu.memref_slice %arg7[%dma_wait3A, %dma_wait3A_32] : memref<2x80xi32, #tpu.memory_space<vmem>> -> memref<1x80xi32, #tpu.memory_space<vmem>>
    %dma_wait3A_34 = tpu.memref_squeeze %dma_wait3A_33 : memref<1x80xi32, #tpu.memory_space<vmem>> -> memref<80xi32, #tpu.memory_space<vmem>>
    %dma_wait3A_35 = tpu.memref_slice %arg3[%add3A_31] : memref<640000xi32, #tpu.memory_space<hbm>> -> memref<80xi32, #tpu.memory_space<hbm>>
    %dma_wait3A_36 = arith.constant 0 : i32
    %dma_wait3A_37 = tpu.memref_slice %arg7[%dma_wait3A, %dma_wait3A_36] : memref<2x80xi32, #tpu.memory_space<vmem>> -> memref<1x80xi32, #tpu.memory_space<vmem>>
    %dma_wait3A_38 = tpu.memref_squeeze %dma_wait3A_37 : memref<1x80xi32, #tpu.memory_space<vmem>> -> memref<80xi32, #tpu.memory_space<vmem>>
    %dma_wait3A_39 = tpu.memref_slice %arg3[%add3A_31] : memref<640000xi32, #tpu.memory_space<hbm>> -> memref<80xi32, #tpu.memory_space<hbm>>
    tpu.wait_dma2 semaphore(%arg12 : memref<!tpu.dma_semaphore, #tpu.memory_space<semaphore_mem>>) src(%dma_wait3A_39 : memref<80xi32, #tpu.memory_space<hbm>>) dst(%dma_wait3A_38 : memref<80xi32, #tpu.memory_space<vmem>>)
    %dma_start3A_40 = arith.constant 0 : i32
    %dma_start3A_41 = arith.constant 0 : i32
    %dma_start3A_42 = arith.constant 0 : i32
    %dma_start3A_43 = arith.constant 0 : i32
    %dma_start3A_44 = tpu.memref_slice %arg9[%dma_start3A_41, %dma_start3A_42, %dma_start3A_43] : memref<2x80x128xf32, #tpu.memory_space<vmem>> -> memref<1x80x128xf32, #tpu.memory_space<vmem>>
    %dma_start3A_45 = tpu.memref_squeeze %dma_start3A_44 : memref<1x80x128xf32, #tpu.memory_space<vmem>> -> memref<80x128xf32, #tpu.memory_space<vmem>>
    %dma_start3A_46 = arith.constant 0 : i32
    %dma_start3A_47 = tpu.memref_slice %arg7[%dma_start3A_40, %dma_start3A_46] : memref<2x80xi32, #tpu.memory_space<vmem>> -> memref<1x80xi32, #tpu.memory_space<vmem>>
    %dma_start3A_48 = tpu.memref_squeeze %dma_start3A_47 : memref<1x80xi32, #tpu.memory_space<vmem>> -> memref<80xi32, #tpu.memory_space<vmem>>
    %dma_start3A_49 = arith.constant 0 : i32
    %dma_start3A_50 = arith.constant 0 : i32
    %dma_start3A_51 = tpu.memref_slice %arg2[%dma_start3A_49, %dma_start3A_50] : memref<20000x128xf32, #tpu.memory_space<hbm>> -> memref<20000x128xf32, #tpu.memory_space<hbm>>
    tpu.enqueue_indirect_dma source(%dma_start3A_51 : memref<20000x128xf32, #tpu.memory_space<hbm>>) target(%dma_start3A_45 : memref<80x128xf32, #tpu.memory_space<vmem>>) offsets(%dma_start3A_48 : memref<80xi32, #tpu.memory_space<vmem>>) semaphore(%arg14 : memref<!tpu.dma_semaphore, #tpu.memory_space<semaphore_mem>>)
    %add3A_52 = arith.constant 0 : i32
    %add3A_53 = arith.addi %mul3A_2, %add3A_52 : i32
    %dma_start3A_54 = arith.constant 0 : i32
    %dma_start3A_55 = arith.constant 0 : i32
    %dma_start3A_56 = arith.constant 0 : i32
    %dma_start3A_57 = tpu.memref_slice %arg10[%dma_start3A_54, %dma_start3A_55, %dma_start3A_56] : memref<2x80x128xf32, #tpu.memory_space<vmem>> -> memref<1x80x128xf32, #tpu.memory_space<vmem>>
    %dma_start3A_58 = tpu.memref_squeeze %dma_start3A_57 : memref<1x80x128xf32, #tpu.memory_space<vmem>> -> memref<80x128xf32, #tpu.memory_space<vmem>>
    %dma_start3A_59 = arith.constant 0 : i32
    %dma_start3A_60 = tpu.memref_slice %arg5[%add3A_53, %dma_start3A_59] : memref<640000x128xf32, #tpu.memory_space<hbm>> -> memref<80x128xf32, #tpu.memory_space<hbm>>
    %dma_start3A_61 = arith.constant 0 : i32
    %dma_start3A_62 = arith.constant 0 : i32
    %dma_start3A_63 = tpu.memref_slice %arg10[%dma_start3A_54, %dma_start3A_61, %dma_start3A_62] : memref<2x80x128xf32, #tpu.memory_space<vmem>> -> memref<1x80x128xf32, #tpu.memory_space<vmem>>
    %dma_start3A_64 = tpu.memref_squeeze %dma_start3A_63 : memref<1x80x128xf32, #tpu.memory_space<vmem>> -> memref<80x128xf32, #tpu.memory_space<vmem>>
    %dma_start3A_65 = arith.constant 0 : i32
    %dma_start3A_66 = tpu.memref_slice %arg5[%add3A_53, %dma_start3A_65] : memref<640000x128xf32, #tpu.memory_space<hbm>> -> memref<80x128xf32, #tpu.memory_space<hbm>>
    tpu.enqueue_dma source(%dma_start3A_66 : memref<80x128xf32, #tpu.memory_space<hbm>>) target(%dma_start3A_64 : memref<80x128xf32, #tpu.memory_space<vmem>>) target_semaphore(%arg16 : memref<!tpu.dma_semaphore, #tpu.memory_space<semaphore_mem>>)
    %add3A_67 = arith.constant 80 : i32
    %add3A_68 = arith.addi %mul3A_2, %add3A_67 : i32
    %dma_start3A_69 = arith.constant 1 : i32
    %dma_start3A_70 = arith.constant 0 : i32
    %dma_start3A_71 = tpu.memref_slice %arg7[%dma_start3A_69, %dma_start3A_70] : memref<2x80xi32, #tpu.memory_space<vmem>> -> memref<1x80xi32, #tpu.memory_space<vmem>>
    %dma_start3A_72 = tpu.memref_squeeze %dma_start3A_71 : memref<1x80xi32, #tpu.memory_space<vmem>> -> memref<80xi32, #tpu.memory_space<vmem>>
    %dma_start3A_73 = tpu.memref_slice %arg3[%add3A_68] : memref<640000xi32, #tpu.memory_space<hbm>> -> memref<80xi32, #tpu.memory_space<hbm>>
    %dma_start3A_74 = arith.constant 0 : i32
    %dma_start3A_75 = tpu.memref_slice %arg7[%dma_start3A_69, %dma_start3A_74] : memref<2x80xi32, #tpu.memory_space<vmem>> -> memref<1x80xi32, #tpu.memory_space<vmem>>
    %dma_start3A_76 = tpu.memref_squeeze %dma_start3A_75 : memref<1x80xi32, #tpu.memory_space<vmem>> -> memref<80xi32, #tpu.memory_space<vmem>>
    %dma_start3A_77 = tpu.memref_slice %arg3[%add3A_68] : memref<640000xi32, #tpu.memory_space<hbm>> -> memref<80xi32, #tpu.memory_space<hbm>>
    tpu.enqueue_dma source(%dma_start3A_77 : memref<80xi32, #tpu.memory_space<hbm>>) target(%dma_start3A_76 : memref<80xi32, #tpu.memory_space<vmem>>) target_semaphore(%arg12 : memref<!tpu.dma_semaphore, #tpu.memory_space<semaphore_mem>>)
    %run_scoped3A = arith.constant 0 : i32
    "tpu.region"() ({
      %run_scoped3A_130 = tpu.sem_alloc : memref<!tpu.dma_semaphore, #tpu.memory_space<semaphore_mem>>
      %dma_start3A_131 = arith.constant 0 : i32
      %dma_start3A_132 = tpu.memref_slice %arg8[%run_scoped3A, %dma_start3A_131] : memref<2x80xi32, #tpu.memory_space<vmem>> -> memref<1x80xi32, #tpu.memory_space<vmem>>
      %dma_start3A_133 = tpu.memref_squeeze %dma_start3A_132 : memref<1x80xi32, #tpu.memory_space<vmem>> -> memref<80xi32, #tpu.memory_space<vmem>>
      %dma_start3A_134 = tpu.memref_slice %arg4[%mul3A_2] : memref<640000xi32, #tpu.memory_space<hbm>> -> memref<80xi32, #tpu.memory_space<hbm>>
      %dma_start3A_135 = arith.constant 0 : i32
      %dma_start3A_136 = tpu.memref_slice %arg8[%run_scoped3A, %dma_start3A_135] : memref<2x80xi32, #tpu.memory_space<vmem>> -> memref<1x80xi32, #tpu.memory_space<vmem>>
      %dma_start3A_137 = tpu.memref_squeeze %dma_start3A_136 : memref<1x80xi32, #tpu.memory_space<vmem>> -> memref<80xi32, #tpu.memory_space<vmem>>
      %dma_start3A_138 = tpu.memref_slice %arg4[%mul3A_2] : memref<640000xi32, #tpu.memory_space<hbm>> -> memref<80xi32, #tpu.memory_space<hbm>>
      tpu.enqueue_dma source(%dma_start3A_138 : memref<80xi32, #tpu.memory_space<hbm>>) target(%dma_start3A_137 : memref<80xi32, #tpu.memory_space<vmem>>) target_semaphore(%run_scoped3A_130 : memref<!tpu.dma_semaphore, #tpu.memory_space<semaphore_mem>>)
      %dma_wait3A_139 = arith.constant 0 : i32
      %dma_wait3A_140 = tpu.memref_slice %arg8[%run_scoped3A, %dma_wait3A_139] : memref<2x80xi32, #tpu.memory_space<vmem>> -> memref<1x80xi32, #tpu.memory_space<vmem>>
      %dma_wait3A_141 = tpu.memref_squeeze %dma_wait3A_140 : memref<1x80xi32, #tpu.memory_space<vmem>> -> memref<80xi32, #tpu.memory_space<vmem>>
      %dma_wait3A_142 = tpu.memref_slice %arg4[%mul3A_2] : memref<640000xi32, #tpu.memory_space<hbm>> -> memref<80xi32, #tpu.memory_space<hbm>>
      %dma_wait3A_143 = arith.constant 0 : i32
      %dma_wait3A_144 = tpu.memref_slice %arg8[%run_scoped3A, %dma_wait3A_143] : memref<2x80xi32, #tpu.memory_space<vmem>> -> memref<1x80xi32, #tpu.memory_space<vmem>>
      %dma_wait3A_145 = tpu.memref_squeeze %dma_wait3A_144 : memref<1x80xi32, #tpu.memory_space<vmem>> -> memref<80xi32, #tpu.memory_space<vmem>>
      %dma_wait3A_146 = tpu.memref_slice %arg4[%mul3A_2] : memref<640000xi32, #tpu.memory_space<hbm>> -> memref<80xi32, #tpu.memory_space<hbm>>
      tpu.wait_dma2 semaphore(%run_scoped3A_130 : memref<!tpu.dma_semaphore, #tpu.memory_space<semaphore_mem>>) src(%dma_wait3A_146 : memref<80xi32, #tpu.memory_space<hbm>>) dst(%dma_wait3A_145 : memref<80xi32, #tpu.memory_space<vmem>>)
      tpu.yield
    }) : () -> ()
    %dma_start3A_78 = arith.constant 1 : i32
    %dma_start3A_79 = arith.constant 0 : i32
    %dma_start3A_80 = arith.constant 0 : i32
    %dma_start3A_81 = arith.constant 0 : i32
    %dma_start3A_82 = tpu.memref_slice %arg9[%dma_start3A_78, %dma_start3A_80, %dma_start3A_81] : memref<2x80x128xf32, #tpu.memory_space<vmem>> -> memref<1x80x128xf32, #tpu.memory_space<vmem>>
    %dma_start3A_83 = tpu.memref_squeeze %dma_start3A_82 : memref<1x80x128xf32, #tpu.memory_space<vmem>> -> memref<80x128xf32, #tpu.memory_space<vmem>>
    %dma_start3A_84 = arith.constant 0 : i32
    %dma_start3A_85 = tpu.memref_slice %arg8[%dma_start3A_79, %dma_start3A_84] : memref<2x80xi32, #tpu.memory_space<vmem>> -> memref<1x80xi32, #tpu.memory_space<vmem>>
    %dma_start3A_86 = tpu.memref_squeeze %dma_start3A_85 : memref<1x80xi32, #tpu.memory_space<vmem>> -> memref<80xi32, #tpu.memory_space<vmem>>
    %dma_start3A_87 = arith.constant 0 : i32
    %dma_start3A_88 = arith.constant 0 : i32
    %dma_start3A_89 = tpu.memref_slice %arg11[%dma_start3A_87, %dma_start3A_88] : memref<10000x128xf32, #tpu.memory_space<vmem_shared>> -> memref<10000x128xf32, #tpu.memory_space<vmem_shared>>
    tpu.enqueue_indirect_dma source(%dma_start3A_83 : memref<80x128xf32, #tpu.memory_space<vmem>>) target(%dma_start3A_89 : memref<10000x128xf32, #tpu.memory_space<vmem_shared>>) offsets(%dma_start3A_86 : memref<80xi32, #tpu.memory_space<vmem>>) semaphore(%arg19 : memref<!tpu.dma_semaphore, #tpu.memory_space<semaphore_mem>>) {add = true}
    %add3A_90 = arith.constant 0 : i32
    %add3A_91 = arith.addi %mul3A_2, %add3A_90 : i32
    %dma_start3A_92 = arith.constant 0 : i32
    %dma_start3A_93 = arith.constant 0 : i32
    %dma_start3A_94 = tpu.memref_slice %arg8[%dma_start3A_92, %dma_start3A_93] : memref<2x80xi32, #tpu.memory_space<vmem>> -> memref<1x80xi32, #tpu.memory_space<vmem>>
    %dma_start3A_95 = tpu.memref_squeeze %dma_start3A_94 : memref<1x80xi32, #tpu.memory_space<vmem>> -> memref<80xi32, #tpu.memory_space<vmem>>
    %dma_start3A_96 = tpu.memref_slice %arg4[%add3A_91] : memref<640000xi32, #tpu.memory_space<hbm>> -> memref<80xi32, #tpu.memory_space<hbm>>
    %dma_start3A_97 = arith.constant 0 : i32
    %dma_start3A_98 = tpu.memref_slice %arg8[%dma_start3A_92, %dma_start3A_97] : memref<2x80xi32, #tpu.memory_space<vmem>> -> memref<1x80xi32, #tpu.memory_space<vmem>>
    %dma_start3A_99 = tpu.memref_squeeze %dma_start3A_98 : memref<1x80xi32, #tpu.memory_space<vmem>> -> memref<80xi32, #tpu.memory_space<vmem>>
    %dma_start3A_100 = tpu.memref_slice %arg4[%add3A_91] : memref<640000xi32, #tpu.memory_space<hbm>> -> memref<80xi32, #tpu.memory_space<hbm>>
    tpu.enqueue_dma source(%dma_start3A_100 : memref<80xi32, #tpu.memory_space<hbm>>) target(%dma_start3A_99 : memref<80xi32, #tpu.memory_space<vmem>>) target_semaphore(%arg13 : memref<!tpu.dma_semaphore, #tpu.memory_space<semaphore_mem>>)
    %barrier3A = arith.constant 0 : index
    tpu.barrier barrier_id(%barrier3A)
    %scan3A_101 = arith.constant 0 : i32
    %scan3A_102 = arith.constant 0 : i32
    %scan3A_103 = arith.constant 125 : i32
    %scan3A_104 = arith.addi %scan3A_102, %scan3A_103 : i32
    %scan3A_105 = arith.constant 1 : i32
    scf.for %scan3A_130 = %scan3A_102 to %scan3A_104 step %scan3A_105  : i32 {
      %lt3A_131 = arith.constant 124 : i32
      %lt3A_132 = arith.cmpi slt, %scan3A_130, %lt3A_131 : i32
      %lt3A_133 = arith.constant 124 : i32
      %lt3A_134 = arith.cmpi slt, %scan3A_130, %lt3A_133 : i32
      %mul3A_135 = arith.constant 2 : i32
      %mul3A_136 = arith.muli %mul3A_135, %scan3A_130 : i32
      %dma_wait3A_137 = arith.constant 1 : i32
      %dma_wait3A_138 = arith.constant 1 : i32
      %dma_wait3A_139 = arith.constant 0 : i32
      %dma_wait3A_140 = arith.constant 0 : i32
      %dma_wait3A_141 = tpu.memref_slice %arg9[%dma_wait3A_137, %dma_wait3A_139, %dma_wait3A_140] : memref<2x80x128xf32, #tpu.memory_space<vmem>> -> memref<1x80x128xf32, #tpu.memory_space<vmem>>
      %dma_wait3A_142 = tpu.memref_squeeze %dma_wait3A_141 : memref<1x80x128xf32, #tpu.memory_space<vmem>> -> memref<80x128xf32, #tpu.memory_space<vmem>>
      %dma_wait3A_143 = arith.constant 0 : i32
      %dma_wait3A_144 = tpu.memref_slice %arg8[%dma_wait3A_138, %dma_wait3A_143] : memref<2x80xi32, #tpu.memory_space<vmem>> -> memref<1x80xi32, #tpu.memory_space<vmem>>
      %dma_wait3A_145 = tpu.memref_squeeze %dma_wait3A_144 : memref<1x80xi32, #tpu.memory_space<vmem>> -> memref<80xi32, #tpu.memory_space<vmem>>
      %dma_wait3A_146 = arith.constant 0 : i32
      %dma_wait3A_147 = arith.constant 0 : i32
      %dma_wait3A_148 = tpu.memref_slice %arg11[%dma_wait3A_146, %dma_wait3A_147] : memref<10000x128xf32, #tpu.memory_space<vmem_shared>> -> memref<10000x128xf32, #tpu.memory_space<vmem_shared>>
      tpu.wait_indirect_dma semaphore(%arg19 : memref<!tpu.dma_semaphore, #tpu.memory_space<semaphore_mem>>) src(%dma_wait3A_142 : memref<80x128xf32, #tpu.memory_space<vmem>>) dst(%dma_wait3A_148 : memref<10000x128xf32, #tpu.memory_space<vmem_shared>>)
      %cond3A = arith.constant 1 : i32
      %add3A_149 = arith.constant 1 : i32
      %add3A_150 = arith.addi %mul3A_136, %add3A_149 : i32
      %mul3A_151 = arith.constant 80 : i32
      %mul3A_152 = arith.muli %add3A_150, %mul3A_151 : i32
      %add3A_153 = arith.addi %mul3A_2, %mul3A_152 : i32
      %dma_wait3A_154 = arith.constant 1 : i32
      %dma_wait3A_155 = arith.constant 0 : i32
      %dma_wait3A_156 = tpu.memref_slice %arg7[%dma_wait3A_154, %dma_wait3A_155] : memref<2x80xi32, #tpu.memory_space<vmem>> -> memref<1x80xi32, #tpu.memory_space<vmem>>
      %dma_wait3A_157 = tpu.memref_squeeze %dma_wait3A_156 : memref<1x80xi32, #tpu.memory_space<vmem>> -> memref<80xi32, #tpu.memory_space<vmem>>
      %dma_wait3A_158 = tpu.memref_slice %arg3[%add3A_153] : memref<640000xi32, #tpu.memory_space<hbm>> -> memref<80xi32, #tpu.memory_space<hbm>>
      %dma_wait3A_159 = arith.constant 0 : i32
      %dma_wait3A_160 = tpu.memref_slice %arg7[%dma_wait3A_154, %dma_wait3A_159] : memref<2x80xi32, #tpu.memory_space<vmem>> -> memref<1x80xi32, #tpu.memory_space<vmem>>
      %dma_wait3A_161 = tpu.memref_squeeze %dma_wait3A_160 : memref<1x80xi32, #tpu.memory_space<vmem>> -> memref<80xi32, #tpu.memory_space<vmem>>
      %dma_wait3A_162 = tpu.memref_slice %arg3[%add3A_153] : memref<640000xi32, #tpu.memory_space<hbm>> -> memref<80xi32, #tpu.memory_space<hbm>>
      tpu.wait_dma2 semaphore(%arg12 : memref<!tpu.dma_semaphore, #tpu.memory_space<semaphore_mem>>) src(%dma_wait3A_162 : memref<80xi32, #tpu.memory_space<hbm>>) dst(%dma_wait3A_161 : memref<80xi32, #tpu.memory_space<vmem>>)
      %add3A_163 = arith.constant 1 : i32
      %add3A_164 = arith.addi %mul3A_136, %add3A_163 : i32
      %dma_start3A_165 = arith.constant 1 : i32
      %dma_start3A_166 = arith.constant 1 : i32
      %dma_start3A_167 = arith.constant 0 : i32
      %dma_start3A_168 = arith.constant 0 : i32
      %dma_start3A_169 = tpu.memref_slice %arg9[%dma_start3A_166, %dma_start3A_167, %dma_start3A_168] : memref<2x80x128xf32, #tpu.memory_space<vmem>> -> memref<1x80x128xf32, #tpu.memory_space<vmem>>
      %dma_start3A_170 = tpu.memref_squeeze %dma_start3A_169 : memref<1x80x128xf32, #tpu.memory_space<vmem>> -> memref<80x128xf32, #tpu.memory_space<vmem>>
      %dma_start3A_171 = arith.constant 0 : i32
      %dma_start3A_172 = tpu.memref_slice %arg7[%dma_start3A_165, %dma_start3A_171] : memref<2x80xi32, #tpu.memory_space<vmem>> -> memref<1x80xi32, #tpu.memory_space<vmem>>
      %dma_start3A_173 = tpu.memref_squeeze %dma_start3A_172 : memref<1x80xi32, #tpu.memory_space<vmem>> -> memref<80xi32, #tpu.memory_space<vmem>>
      %dma_start3A_174 = arith.constant 0 : i32
      %dma_start3A_175 = arith.constant 0 : i32
      %dma_start3A_176 = tpu.memref_slice %arg2[%dma_start3A_174, %dma_start3A_175] : memref<20000x128xf32, #tpu.memory_space<hbm>> -> memref<20000x128xf32, #tpu.memory_space<hbm>>
      tpu.enqueue_indirect_dma source(%dma_start3A_176 : memref<20000x128xf32, #tpu.memory_space<hbm>>) target(%dma_start3A_170 : memref<80x128xf32, #tpu.memory_space<vmem>>) offsets(%dma_start3A_173 : memref<80xi32, #tpu.memory_space<vmem>>) semaphore(%arg15 : memref<!tpu.dma_semaphore, #tpu.memory_space<semaphore_mem>>)
      %mul3A_177 = arith.constant 80 : i32
      %mul3A_178 = arith.muli %add3A_164, %mul3A_177 : i32
      %add3A_179 = arith.addi %mul3A_2, %mul3A_178 : i32
      %dma_start3A_180 = arith.constant 1 : i32
      %dma_start3A_181 = arith.constant 0 : i32
      %dma_start3A_182 = arith.constant 0 : i32
      %dma_start3A_183 = tpu.memref_slice %arg10[%dma_start3A_180, %dma_start3A_181, %dma_start3A_182] : memref<2x80x128xf32, #tpu.memory_space<vmem>> -> memref<1x80x128xf32, #tpu.memory_space<vmem>>
      %dma_start3A_184 = tpu.memref_squeeze %dma_start3A_183 : memref<1x80x128xf32, #tpu.memory_space<vmem>> -> memref<80x128xf32, #tpu.memory_space<vmem>>
      %dma_start3A_185 = arith.constant 0 : i32
      %dma_start3A_186 = tpu.memref_slice %arg5[%add3A_179, %dma_start3A_185] : memref<640000x128xf32, #tpu.memory_space<hbm>> -> memref<80x128xf32, #tpu.memory_space<hbm>>
      %dma_start3A_187 = arith.constant 0 : i32
      %dma_start3A_188 = arith.constant 0 : i32
      %dma_start3A_189 = tpu.memref_slice %arg10[%dma_start3A_180, %dma_start3A_187, %dma_start3A_188] : memref<2x80x128xf32, #tpu.memory_space<vmem>> -> memref<1x80x128xf32, #tpu.memory_space<vmem>>
      %dma_start3A_190 = tpu.memref_squeeze %dma_start3A_189 : memref<1x80x128xf32, #tpu.memory_space<vmem>> -> memref<80x128xf32, #tpu.memory_space<vmem>>
      %dma_start3A_191 = arith.constant 0 : i32
      %dma_start3A_192 = tpu.memref_slice %arg5[%add3A_179, %dma_start3A_191] : memref<640000x128xf32, #tpu.memory_space<hbm>> -> memref<80x128xf32, #tpu.memory_space<hbm>>
      tpu.enqueue_dma source(%dma_start3A_192 : memref<80x128xf32, #tpu.memory_space<hbm>>) target(%dma_start3A_190 : memref<80x128xf32, #tpu.memory_space<vmem>>) target_semaphore(%arg17 : memref<!tpu.dma_semaphore, #tpu.memory_space<semaphore_mem>>)
      %dma_wait3A_193 = arith.constant 0 : i32
      %dma_wait3A_194 = arith.constant 0 : i32
      %dma_wait3A_195 = arith.constant 0 : i32
      %dma_wait3A_196 = arith.constant 0 : i32
      %dma_wait3A_197 = tpu.memref_slice %arg9[%dma_wait3A_194, %dma_wait3A_195, %dma_wait3A_196] : memref<2x80x128xf32, #tpu.memory_space<vmem>> -> memref<1x80x128xf32, #tpu.memory_space<vmem>>
      %dma_wait3A_198 = tpu.memref_squeeze %dma_wait3A_197 : memref<1x80x128xf32, #tpu.memory_space<vmem>> -> memref<80x128xf32, #tpu.memory_space<vmem>>
      %dma_wait3A_199 = arith.constant 0 : i32
      %dma_wait3A_200 = tpu.memref_slice %arg7[%dma_wait3A_193, %dma_wait3A_199] : memref<2x80xi32, #tpu.memory_space<vmem>> -> memref<1x80xi32, #tpu.memory_space<vmem>>
      %dma_wait3A_201 = tpu.memref_squeeze %dma_wait3A_200 : memref<1x80xi32, #tpu.memory_space<vmem>> -> memref<80xi32, #tpu.memory_space<vmem>>
      %dma_wait3A_202 = arith.constant 0 : i32
      %dma_wait3A_203 = arith.constant 0 : i32
      %dma_wait3A_204 = tpu.memref_slice %arg2[%dma_wait3A_202, %dma_wait3A_203] : memref<20000x128xf32, #tpu.memory_space<hbm>> -> memref<20000x128xf32, #tpu.memory_space<hbm>>
      tpu.wait_indirect_dma semaphore(%arg14 : memref<!tpu.dma_semaphore, #tpu.memory_space<semaphore_mem>>) src(%dma_wait3A_204 : memref<20000x128xf32, #tpu.memory_space<hbm>>) dst(%dma_wait3A_198 : memref<80x128xf32, #tpu.memory_space<vmem>>)
      %mul3A_205 = arith.constant 80 : i32
      %mul3A_206 = arith.muli %mul3A_136, %mul3A_205 : i32
      %add3A_207 = arith.addi %mul3A_2, %mul3A_206 : i32
      %dma_wait3A_208 = arith.constant 0 : i32
      %dma_wait3A_209 = arith.constant 0 : i32
      %dma_wait3A_210 = arith.constant 0 : i32
      %dma_wait3A_211 = tpu.memref_slice %arg10[%dma_wait3A_208, %dma_wait3A_209, %dma_wait3A_210] : memref<2x80x128xf32, #tpu.memory_space<vmem>> -> memref<1x80x128xf32, #tpu.memory_space<vmem>>
      %dma_wait3A_212 = tpu.memref_squeeze %dma_wait3A_211 : memref<1x80x128xf32, #tpu.memory_space<vmem>> -> memref<80x128xf32, #tpu.memory_space<vmem>>
      %dma_wait3A_213 = arith.constant 0 : i32
      %dma_wait3A_214 = tpu.memref_slice %arg5[%add3A_207, %dma_wait3A_213] : memref<640000x128xf32, #tpu.memory_space<hbm>> -> memref<80x128xf32, #tpu.memory_space<hbm>>
      %dma_wait3A_215 = arith.constant 0 : i32
      %dma_wait3A_216 = arith.constant 0 : i32
      %dma_wait3A_217 = tpu.memref_slice %arg10[%dma_wait3A_208, %dma_wait3A_215, %dma_wait3A_216] : memref<2x80x128xf32, #tpu.memory_space<vmem>> -> memref<1x80x128xf32, #tpu.memory_space<vmem>>
      %dma_wait3A_218 = tpu.memref_squeeze %dma_wait3A_217 : memref<1x80x128xf32, #tpu.memory_space<vmem>> -> memref<80x128xf32, #tpu.memory_space<vmem>>
      %dma_wait3A_219 = arith.constant 0 : i32
      %dma_wait3A_220 = tpu.memref_slice %arg5[%add3A_207, %dma_wait3A_219] : memref<640000x128xf32, #tpu.memory_space<hbm>> -> memref<80x128xf32, #tpu.memory_space<hbm>>
      tpu.wait_dma2 semaphore(%arg16 : memref<!tpu.dma_semaphore, #tpu.memory_space<semaphore_mem>>) src(%dma_wait3A_220 : memref<80x128xf32, #tpu.memory_space<hbm>>) dst(%dma_wait3A_218 : memref<80x128xf32, #tpu.memory_space<vmem>>)
      %convert_element_type3A = arith.extui %lt3A_132 : i1 to i32
      %cond3A_221 = arith.constant 0 : i32
      %cond3A_222 = arith.cmpi ne, %convert_element_type3A, %cond3A_221 : i32
      scf.if %cond3A_222 {
        %add3A_351 = arith.constant 2 : i32
        %add3A_352 = arith.addi %mul3A_136, %add3A_351 : i32
        %mul3A_353 = arith.constant 80 : i32
        %mul3A_354 = arith.muli %add3A_352, %mul3A_353 : i32
        %add3A_355 = arith.addi %mul3A_2, %mul3A_354 : i32
        %dma_start3A_356 = arith.constant 0 : i32
        %dma_start3A_357 = arith.constant 0 : i32
        %dma_start3A_358 = tpu.memref_slice %arg7[%dma_start3A_356, %dma_start3A_357] : memref<2x80xi32, #tpu.memory_space<vmem>> -> memref<1x80xi32, #tpu.memory_space<vmem>>
        %dma_start3A_359 = tpu.memref_squeeze %dma_start3A_358 : memref<1x80xi32, #tpu.memory_space<vmem>> -> memref<80xi32, #tpu.memory_space<vmem>>
        %dma_start3A_360 = tpu.memref_slice %arg3[%add3A_355] : memref<640000xi32, #tpu.memory_space<hbm>> -> memref<80xi32, #tpu.memory_space<hbm>>
        %dma_start3A_361 = arith.constant 0 : i32
        %dma_start3A_362 = tpu.memref_slice %arg7[%dma_start3A_356, %dma_start3A_361] : memref<2x80xi32, #tpu.memory_space<vmem>> -> memref<1x80xi32, #tpu.memory_space<vmem>>
        %dma_start3A_363 = tpu.memref_squeeze %dma_start3A_362 : memref<1x80xi32, #tpu.memory_space<vmem>> -> memref<80xi32, #tpu.memory_space<vmem>>
        %dma_start3A_364 = tpu.memref_slice %arg3[%add3A_355] : memref<640000xi32, #tpu.memory_space<hbm>> -> memref<80xi32, #tpu.memory_space<hbm>>
        tpu.enqueue_dma source(%dma_start3A_364 : memref<80xi32, #tpu.memory_space<hbm>>) target(%dma_start3A_363 : memref<80xi32, #tpu.memory_space<vmem>>) target_semaphore(%arg12 : memref<!tpu.dma_semaphore, #tpu.memory_space<semaphore_mem>>)
      } else {
      }
      %cond3A_223 = arith.constant 1 : i32
      %add3A_224 = arith.constant 1 : i32
      %add3A_225 = arith.addi %mul3A_136, %add3A_224 : i32
      %mul3A_226 = arith.constant 80 : i32
      %mul3A_227 = arith.muli %add3A_225, %mul3A_226 : i32
      %add3A_228 = arith.addi %mul3A_2, %mul3A_227 : i32
      %dma_start3A_229 = arith.constant 1 : i32
      %dma_start3A_230 = arith.constant 0 : i32
      %dma_start3A_231 = tpu.memref_slice %arg8[%dma_start3A_229, %dma_start3A_230] : memref<2x80xi32, #tpu.memory_space<vmem>> -> memref<1x80xi32, #tpu.memory_space<vmem>>
      %dma_start3A_232 = tpu.memref_squeeze %dma_start3A_231 : memref<1x80xi32, #tpu.memory_space<vmem>> -> memref<80xi32, #tpu.memory_space<vmem>>
      %dma_start3A_233 = tpu.memref_slice %arg4[%add3A_228] : memref<640000xi32, #tpu.memory_space<hbm>> -> memref<80xi32, #tpu.memory_space<hbm>>
      %dma_start3A_234 = arith.constant 0 : i32
      %dma_start3A_235 = tpu.memref_slice %arg8[%dma_start3A_229, %dma_start3A_234] : memref<2x80xi32, #tpu.memory_space<vmem>> -> memref<1x80xi32, #tpu.memory_space<vmem>>
      %dma_start3A_236 = tpu.memref_squeeze %dma_start3A_235 : memref<1x80xi32, #tpu.memory_space<vmem>> -> memref<80xi32, #tpu.memory_space<vmem>>
      %dma_start3A_237 = tpu.memref_slice %arg4[%add3A_228] : memref<640000xi32, #tpu.memory_space<hbm>> -> memref<80xi32, #tpu.memory_space<hbm>>
      tpu.enqueue_dma source(%dma_start3A_237 : memref<80xi32, #tpu.memory_space<hbm>>) target(%dma_start3A_236 : memref<80xi32, #tpu.memory_space<vmem>>) target_semaphore(%arg13 : memref<!tpu.dma_semaphore, #tpu.memory_space<semaphore_mem>>)
      %scan3A_238 = arith.constant 0 : i32
      %scan3A_239 = arith.constant 0 : i32
      %scan3A_240 = arith.constant 80 : i32
      %scan3A_241 = arith.addi %scan3A_239, %scan3A_240 : i32
      %scan3A_242 = arith.constant 1 : i32
      scf.for %scan3A_351 = %scan3A_239 to %scan3A_241 step %scan3A_242  : i32 {
        %get3A = arith.constant 0 : i32
        %get3A_352 = arith.index_cast %get3A : i32 to index
        %get3A_353 = arith.index_cast %scan3A_351 : i32 to index
        %get3A_354 = arith.constant 0 : index
        %get3A_355 = tpu.vector_load %arg9[%get3A_352, %get3A_353, %get3A_354] {strides = array<i32>} : memref<2x80x128xf32, #tpu.memory_space<vmem>>, vector<1x1x16xf32>,
        %get3A_356 = vector.shape_cast %get3A_355 : vector<1x1x16xf32> to vector<16xf32>
        %get3A_357 = arith.constant 0 : i32
        %get3A_358 = arith.index_cast %get3A_357 : i32 to index
        %get3A_359 = arith.index_cast %scan3A_351 : i32 to index
        %get3A_360 = arith.constant 0 : index
        %get3A_361 = tpu.vector_load %arg10[%get3A_358, %get3A_359, %get3A_360] {strides = array<i32>} : memref<2x80x128xf32, #tpu.memory_space<vmem>>, vector<1x1x16xf32>,
        %get3A_362 = vector.shape_cast %get3A_361 : vector<1x1x16xf32> to vector<16xf32>
        %add3A_363 = arith.addf %get3A_356, %get3A_362 : vector<16xf32>
        %max3A = arith.constant 0.000000e+00 : f32
        %max3A_364 = vector.broadcast %max3A : f32 to vector<16xf32>
        %max3A_365 = arith.maximumf %add3A_363, %max3A_364 : vector<16xf32>
        %swap3A = arith.constant 0 : i32
        %swap3A_366 = arith.index_cast %swap3A : i32 to index
        %swap3A_367 = arith.index_cast %scan3A_351 : i32 to index
        %swap3A_368 = arith.constant 0 : index
        %swap3A_369 = tpu.vector_load %arg9[%swap3A_366, %swap3A_367, %swap3A_368] {strides = array<i32>} : memref<2x80x128xf32, #tpu.memory_space<vmem>>, vector<1x1x16xf32>,
        %swap3A_370 = vector.shape_cast %swap3A_369 : vector<1x1x16xf32> to vector<16xf32>
        %swap3A_371 = vector.shape_cast %max3A_365 : vector<16xf32> to vector<1x1x16xf32>
        tpu.vector_store %arg9[%swap3A_366, %swap3A_367, %swap3A_368], %swap3A_371 {strides = array<i32>} : memref<2x80x128xf32, #tpu.memory_space<vmem>>, vector<1x1x16xf32>,
        %get3A_372 = arith.constant 0 : i32
        %get3A_373 = arith.index_cast %get3A_372 : i32 to index
        %get3A_374 = arith.index_cast %scan3A_351 : i32 to index
        %get3A_375 = arith.constant 16 : index
        %get3A_376 = tpu.vector_load %arg9[%get3A_373, %get3A_374, %get3A_375] {strides = array<i32>} : memref<2x80x128xf32, #tpu.memory_space<vmem>>, vector<1x1x16xf32>,
        %get3A_377 = vector.shape_cast %get3A_376 : vector<1x1x16xf32> to vector<16xf32>
        %get3A_378 = arith.constant 0 : i32
        %get3A_379 = arith.index_cast %get3A_378 : i32 to index
        %get3A_380 = arith.index_cast %scan3A_351 : i32 to index
        %get3A_381 = arith.constant 16 : index
        %get3A_382 = tpu.vector_load %arg10[%get3A_379, %get3A_380, %get3A_381] {strides = array<i32>} : memref<2x80x128xf32, #tpu.memory_space<vmem>>, vector<1x1x16xf32>,
        %get3A_383 = vector.shape_cast %get3A_382 : vector<1x1x16xf32> to vector<16xf32>
        %add3A_384 = arith.addf %get3A_377, %get3A_383 : vector<16xf32>
        %max3A_385 = arith.constant 0.000000e+00 : f32
        %max3A_386 = vector.broadcast %max3A_385 : f32 to vector<16xf32>
        %max3A_387 = arith.maximumf %add3A_384, %max3A_386 : vector<16xf32>
        %swap3A_388 = arith.constant 0 : i32
        %swap3A_389 = arith.index_cast %swap3A_388 : i32 to index
        %swap3A_390 = arith.index_cast %scan3A_351 : i32 to index
        %swap3A_391 = arith.constant 16 : index
        %swap3A_392 = tpu.vector_load %arg9[%swap3A_389, %swap3A_390, %swap3A_391] {strides = array<i32>} : memref<2x80x128xf32, #tpu.memory_space<vmem>>, vector<1x1x16xf32>,
        %swap3A_393 = vector.shape_cast %swap3A_392 : vector<1x1x16xf32> to vector<16xf32>
        %swap3A_394 = vector.shape_cast %max3A_387 : vector<16xf32> to vector<1x1x16xf32>
        tpu.vector_store %arg9[%swap3A_389, %swap3A_390, %swap3A_391], %swap3A_394 {strides = array<i32>} : memref<2x80x128xf32, #tpu.memory_space<vmem>>, vector<1x1x16xf32>,
        %get3A_395 = arith.constant 0 : i32
        %get3A_396 = arith.index_cast %get3A_395 : i32 to index
        %get3A_397 = arith.index_cast %scan3A_351 : i32 to index
        %get3A_398 = arith.constant 32 : index
        %get3A_399 = tpu.vector_load %arg9[%get3A_396, %get3A_397, %get3A_398] {strides = array<i32>} : memref<2x80x128xf32, #tpu.memory_space<vmem>>, vector<1x1x16xf32>,
        %get3A_400 = vector.shape_cast %get3A_399 : vector<1x1x16xf32> to vector<16xf32>
        %get3A_401 = arith.constant 0 : i32
        %get3A_402 = arith.index_cast %get3A_401 : i32 to index
        %get3A_403 = arith.index_cast %scan3A_351 : i32 to index
        %get3A_404 = arith.constant 32 : index
        %get3A_405 = tpu.vector_load %arg10[%get3A_402, %get3A_403, %get3A_404] {strides = array<i32>} : memref<2x80x128xf32, #tpu.memory_space<vmem>>, vector<1x1x16xf32>,
        %get3A_406 = vector.shape_cast %get3A_405 : vector<1x1x16xf32> to vector<16xf32>
        %add3A_407 = arith.addf %get3A_400, %get3A_406 : vector<16xf32>
        %max3A_408 = arith.constant 0.000000e+00 : f32
        %max3A_409 = vector.broadcast %max3A_408 : f32 to vector<16xf32>
        %max3A_410 = arith.maximumf %add3A_407, %max3A_409 : vector<16xf32>
        %swap3A_411 = arith.constant 0 : i32
        %swap3A_412 = arith.index_cast %swap3A_411 : i32 to index
        %swap3A_413 = arith.index_cast %scan3A_351 : i32 to index
        %swap3A_414 = arith.constant 32 : index
        %swap3A_415 = tpu.vector_load %arg9[%swap3A_412, %swap3A_413, %swap3A_414] {strides = array<i32>} : memref<2x80x128xf32, #tpu.memory_space<vmem>>, vector<1x1x16xf32>,
        %swap3A_416 = vector.shape_cast %swap3A_415 : vector<1x1x16xf32> to vector<16xf32>
        %swap3A_417 = vector.shape_cast %max3A_410 : vector<16xf32> to vector<1x1x16xf32>
        tpu.vector_store %arg9[%swap3A_412, %swap3A_413, %swap3A_414], %swap3A_417 {strides = array<i32>} : memref<2x80x128xf32, #tpu.memory_space<vmem>>, vector<1x1x16xf32>,
        %get3A_418 = arith.constant 0 : i32
        %get3A_419 = arith.index_cast %get3A_418 : i32 to index
        %get3A_420 = arith.index_cast %scan3A_351 : i32 to index
        %get3A_421 = arith.constant 48 : index
        %get3A_422 = tpu.vector_load %arg9[%get3A_419, %get3A_420, %get3A_421] {strides = array<i32>} : memref<2x80x128xf32, #tpu.memory_space<vmem>>, vector<1x1x16xf32>,
        %get3A_423 = vector.shape_cast %get3A_422 : vector<1x1x16xf32> to vector<16xf32>
        %get3A_424 = arith.constant 0 : i32
        %get3A_425 = arith.index_cast %get3A_424 : i32 to index
        %get3A_426 = arith.index_cast %scan3A_351 : i32 to index
        %get3A_427 = arith.constant 48 : index
        %get3A_428 = tpu.vector_load %arg10[%get3A_425, %get3A_426, %get3A_427] {strides = array<i32>} : memref<2x80x128xf32, #tpu.memory_space<vmem>>, vector<1x1x16xf32>,
        %get3A_429 = vector.shape_cast %get3A_428 : vector<1x1x16xf32> to vector<16xf32>
        %add3A_430 = arith.addf %get3A_423, %get3A_429 : vector<16xf32>
        %max3A_431 = arith.constant 0.000000e+00 : f32
        %max3A_432 = vector.broadcast %max3A_431 : f32 to vector<16xf32>
        %max3A_433 = arith.maximumf %add3A_430, %max3A_432 : vector<16xf32>
        %swap3A_434 = arith.constant 0 : i32
        %swap3A_435 = arith.index_cast %swap3A_434 : i32 to index
        %swap3A_436 = arith.index_cast %scan3A_351 : i32 to index
        %swap3A_437 = arith.constant 48 : index
        %swap3A_438 = tpu.vector_load %arg9[%swap3A_435, %swap3A_436, %swap3A_437] {strides = array<i32>} : memref<2x80x128xf32, #tpu.memory_space<vmem>>, vector<1x1x16xf32>,
        %swap3A_439 = vector.shape_cast %swap3A_438 : vector<1x1x16xf32> to vector<16xf32>
        %swap3A_440 = vector.shape_cast %max3A_433 : vector<16xf32> to vector<1x1x16xf32>
        tpu.vector_store %arg9[%swap3A_435, %swap3A_436, %swap3A_437], %swap3A_440 {strides = array<i32>} : memref<2x80x128xf32, #tpu.memory_space<vmem>>, vector<1x1x16xf32>,
        %get3A_441 = arith.constant 0 : i32
        %get3A_442 = arith.index_cast %get3A_441 : i32 to index
        %get3A_443 = arith.index_cast %scan3A_351 : i32 to index
        %get3A_444 = arith.constant 64 : index
        %get3A_445 = tpu.vector_load %arg9[%get3A_442, %get3A_443, %get3A_444] {strides = array<i32>} : memref<2x80x128xf32, #tpu.memory_space<vmem>>, vector<1x1x16xf32>,
        %get3A_446 = vector.shape_cast %get3A_445 : vector<1x1x16xf32> to vector<16xf32>
        %get3A_447 = arith.constant 0 : i32
        %get3A_448 = arith.index_cast %get3A_447 : i32 to index
        %get3A_449 = arith.index_cast %scan3A_351 : i32 to index
        %get3A_450 = arith.constant 64 : index
        %get3A_451 = tpu.vector_load %arg10[%get3A_448, %get3A_449, %get3A_450] {strides = array<i32>} : memref<2x80x128xf32, #tpu.memory_space<vmem>>, vector<1x1x16xf32>,
        %get3A_452 = vector.shape_cast %get3A_451 : vector<1x1x16xf32> to vector<16xf32>
        %add3A_453 = arith.addf %get3A_446, %get3A_452 : vector<16xf32>
        %max3A_454 = arith.constant 0.000000e+00 : f32
        %max3A_455 = vector.broadcast %max3A_454 : f32 to vector<16xf32>
        %max3A_456 = arith.maximumf %add3A_453, %max3A_455 : vector<16xf32>
        %swap3A_457 = arith.constant 0 : i32
        %swap3A_458 = arith.index_cast %swap3A_457 : i32 to index
        %swap3A_459 = arith.index_cast %scan3A_351 : i32 to index
        %swap3A_460 = arith.constant 64 : index
        %swap3A_461 = tpu.vector_load %arg9[%swap3A_458, %swap3A_459, %swap3A_460] {strides = array<i32>} : memref<2x80x128xf32, #tpu.memory_space<vmem>>, vector<1x1x16xf32>,
        %swap3A_462 = vector.shape_cast %swap3A_461 : vector<1x1x16xf32> to vector<16xf32>
        %swap3A_463 = vector.shape_cast %max3A_456 : vector<16xf32> to vector<1x1x16xf32>
        tpu.vector_store %arg9[%swap3A_458, %swap3A_459, %swap3A_460], %swap3A_463 {strides = array<i32>} : memref<2x80x128xf32, #tpu.memory_space<vmem>>, vector<1x1x16xf32>,
        %get3A_464 = arith.constant 0 : i32
        %get3A_465 = arith.index_cast %get3A_464 : i32 to index
        %get3A_466 = arith.index_cast %scan3A_351 : i32 to index
        %get3A_467 = arith.constant 80 : index
        %get3A_468 = tpu.vector_load %arg9[%get3A_465, %get3A_466, %get3A_467] {strides = array<i32>} : memref<2x80x128xf32, #tpu.memory_space<vmem>>, vector<1x1x16xf32>,
        %get3A_469 = vector.shape_cast %get3A_468 : vector<1x1x16xf32> to vector<16xf32>
        %get3A_470 = arith.constant 0 : i32
        %get3A_471 = arith.index_cast %get3A_470 : i32 to index
        %get3A_472 = arith.index_cast %scan3A_351 : i32 to index
        %get3A_473 = arith.constant 80 : index
        %get3A_474 = tpu.vector_load %arg10[%get3A_471, %get3A_472, %get3A_473] {strides = array<i32>} : memref<2x80x128xf32, #tpu.memory_space<vmem>>, vector<1x1x16xf32>,
        %get3A_475 = vector.shape_cast %get3A_474 : vector<1x1x16xf32> to vector<16xf32>
        %add3A_476 = arith.addf %get3A_469, %get3A_475 : vector<16xf32>
        %max3A_477 = arith.constant 0.000000e+00 : f32
        %max3A_478 = vector.broadcast %max3A_477 : f32 to vector<16xf32>
        %max3A_479 = arith.maximumf %add3A_476, %max3A_478 : vector<16xf32>
        %swap3A_480 = arith.constant 0 : i32
        %swap3A_481 = arith.index_cast %swap3A_480 : i32 to index
        %swap3A_482 = arith.index_cast %scan3A_351 : i32 to index
        %swap3A_483 = arith.constant 80 : index
        %swap3A_484 = tpu.vector_load %arg9[%swap3A_481, %swap3A_482, %swap3A_483] {strides = array<i32>} : memref<2x80x128xf32, #tpu.memory_space<vmem>>, vector<1x1x16xf32>,
        %swap3A_485 = vector.shape_cast %swap3A_484 : vector<1x1x16xf32> to vector<16xf32>
        %swap3A_486 = vector.shape_cast %max3A_479 : vector<16xf32> to vector<1x1x16xf32>
        tpu.vector_store %arg9[%swap3A_481, %swap3A_482, %swap3A_483], %swap3A_486 {strides = array<i32>} : memref<2x80x128xf32, #tpu.memory_space<vmem>>, vector<1x1x16xf32>,
        %get3A_487 = arith.constant 0 : i32
        %get3A_488 = arith.index_cast %get3A_487 : i32 to index
        %get3A_489 = arith.index_cast %scan3A_351 : i32 to index
        %get3A_490 = arith.constant 96 : index
        %get3A_491 = tpu.vector_load %arg9[%get3A_488, %get3A_489, %get3A_490] {strides = array<i32>} : memref<2x80x128xf32, #tpu.memory_space<vmem>>, vector<1x1x16xf32>,
        %get3A_492 = vector.shape_cast %get3A_491 : vector<1x1x16xf32> to vector<16xf32>
        %get3A_493 = arith.constant 0 : i32
        %get3A_494 = arith.index_cast %get3A_493 : i32 to index
        %get3A_495 = arith.index_cast %scan3A_351 : i32 to index
        %get3A_496 = arith.constant 96 : index
        %get3A_497 = tpu.vector_load %arg10[%get3A_494, %get3A_495, %get3A_496] {strides = array<i32>} : memref<2x80x128xf32, #tpu.memory_space<vmem>>, vector<1x1x16xf32>,
        %get3A_498 = vector.shape_cast %get3A_497 : vector<1x1x16xf32> to vector<16xf32>
        %add3A_499 = arith.addf %get3A_492, %get3A_498 : vector<16xf32>
        %max3A_500 = arith.constant 0.000000e+00 : f32
        %max3A_501 = vector.broadcast %max3A_500 : f32 to vector<16xf32>
        %max3A_502 = arith.maximumf %add3A_499, %max3A_501 : vector<16xf32>
        %swap3A_503 = arith.constant 0 : i32
        %swap3A_504 = arith.index_cast %swap3A_503 : i32 to index
        %swap3A_505 = arith.index_cast %scan3A_351 : i32 to index
        %swap3A_506 = arith.constant 96 : index
        %swap3A_507 = tpu.vector_load %arg9[%swap3A_504, %swap3A_505, %swap3A_506] {strides = array<i32>} : memref<2x80x128xf32, #tpu.memory_space<vmem>>, vector<1x1x16xf32>,
        %swap3A_508 = vector.shape_cast %swap3A_507 : vector<1x1x16xf32> to vector<16xf32>
        %swap3A_509 = vector.shape_cast %max3A_502 : vector<16xf32> to vector<1x1x16xf32>
        tpu.vector_store %arg9[%swap3A_504, %swap3A_505, %swap3A_506], %swap3A_509 {strides = array<i32>} : memref<2x80x128xf32, #tpu.memory_space<vmem>>, vector<1x1x16xf32>,
        %get3A_510 = arith.constant 0 : i32
        %get3A_511 = arith.index_cast %get3A_510 : i32 to index
        %get3A_512 = arith.index_cast %scan3A_351 : i32 to index
        %get3A_513 = arith.constant 112 : index
        %get3A_514 = tpu.vector_load %arg9[%get3A_511, %get3A_512, %get3A_513] {strides = array<i32>} : memref<2x80x128xf32, #tpu.memory_space<vmem>>, vector<1x1x16xf32>,
        %get3A_515 = vector.shape_cast %get3A_514 : vector<1x1x16xf32> to vector<16xf32>
        %get3A_516 = arith.constant 0 : i32
        %get3A_517 = arith.index_cast %get3A_516 : i32 to index
        %get3A_518 = arith.index_cast %scan3A_351 : i32 to index
        %get3A_519 = arith.constant 112 : index
        %get3A_520 = tpu.vector_load %arg10[%get3A_517, %get3A_518, %get3A_519] {strides = array<i32>} : memref<2x80x128xf32, #tpu.memory_space<vmem>>, vector<1x1x16xf32>,
        %get3A_521 = vector.shape_cast %get3A_520 : vector<1x1x16xf32> to vector<16xf32>
        %add3A_522 = arith.addf %get3A_515, %get3A_521 : vector<16xf32>
        %max3A_523 = arith.constant 0.000000e+00 : f32
        %max3A_524 = vector.broadcast %max3A_523 : f32 to vector<16xf32>
        %max3A_525 = arith.maximumf %add3A_522, %max3A_524 : vector<16xf32>
        %swap3A_526 = arith.constant 0 : i32
        %swap3A_527 = arith.index_cast %swap3A_526 : i32 to index
        %swap3A_528 = arith.index_cast %scan3A_351 : i32 to index
        %swap3A_529 = arith.constant 112 : index
        %swap3A_530 = tpu.vector_load %arg9[%swap3A_527, %swap3A_528, %swap3A_529] {strides = array<i32>} : memref<2x80x128xf32, #tpu.memory_space<vmem>>, vector<1x1x16xf32>,
        %swap3A_531 = vector.shape_cast %swap3A_530 : vector<1x1x16xf32> to vector<16xf32>
        %swap3A_532 = vector.shape_cast %max3A_525 : vector<16xf32> to vector<1x1x16xf32>
        tpu.vector_store %arg9[%swap3A_527, %swap3A_528, %swap3A_529], %swap3A_532 {strides = array<i32>} : memref<2x80x128xf32, #tpu.memory_space<vmem>>, vector<1x1x16xf32>,
      }
      %scan3A_243 = arith.constant 80 : i32
      %mul3A_244 = arith.constant 80 : i32
      %mul3A_245 = arith.muli %mul3A_136, %mul3A_244 : i32
      %add3A_246 = arith.addi %mul3A_2, %mul3A_245 : i32
      %dma_wait3A_247 = arith.constant 0 : i32
      %dma_wait3A_248 = arith.constant 0 : i32
      %dma_wait3A_249 = tpu.memref_slice %arg8[%dma_wait3A_247, %dma_wait3A_248] : memref<2x80xi32, #tpu.memory_space<vmem>> -> memref<1x80xi32, #tpu.memory_space<vmem>>
      %dma_wait3A_250 = tpu.memref_squeeze %dma_wait3A_249 : memref<1x80xi32, #tpu.memory_space<vmem>> -> memref<80xi32, #tpu.memory_space<vmem>>
      %dma_wait3A_251 = tpu.memref_slice %arg4[%add3A_246] : memref<640000xi32, #tpu.memory_space<hbm>> -> memref<80xi32, #tpu.memory_space<hbm>>
      %dma_wait3A_252 = arith.constant 0 : i32
      %dma_wait3A_253 = tpu.memref_slice %arg8[%dma_wait3A_247, %dma_wait3A_252] : memref<2x80xi32, #tpu.memory_space<vmem>> -> memref<1x80xi32, #tpu.memory_space<vmem>>
      %dma_wait3A_254 = tpu.memref_squeeze %dma_wait3A_253 : memref<1x80xi32, #tpu.memory_space<vmem>> -> memref<80xi32, #tpu.memory_space<vmem>>
      %dma_wait3A_255 = tpu.memref_slice %arg4[%add3A_246] : memref<640000xi32, #tpu.memory_space<hbm>> -> memref<80xi32, #tpu.memory_space<hbm>>
      tpu.wait_dma2 semaphore(%arg13 : memref<!tpu.dma_semaphore, #tpu.memory_space<semaphore_mem>>) src(%dma_wait3A_255 : memref<80xi32, #tpu.memory_space<hbm>>) dst(%dma_wait3A_254 : memref<80xi32, #tpu.memory_space<vmem>>)
      %dma_start3A_256 = arith.constant 0 : i32
      %dma_start3A_257 = arith.constant 0 : i32
      %dma_start3A_258 = arith.constant 0 : i32
      %dma_start3A_259 = arith.constant 0 : i32
      %dma_start3A_260 = tpu.memref_slice %arg9[%dma_start3A_256, %dma_start3A_258, %dma_start3A_259] : memref<2x80x128xf32, #tpu.memory_space<vmem>> -> memref<1x80x128xf32, #tpu.memory_space<vmem>>
      %dma_start3A_261 = tpu.memref_squeeze %dma_start3A_260 : memref<1x80x128xf32, #tpu.memory_space<vmem>> -> memref<80x128xf32, #tpu.memory_space<vmem>>
      %dma_start3A_262 = arith.constant 0 : i32
      %dma_start3A_263 = tpu.memref_slice %arg8[%dma_start3A_257, %dma_start3A_262] : memref<2x80xi32, #tpu.memory_space<vmem>> -> memref<1x80xi32, #tpu.memory_space<vmem>>
      %dma_start3A_264 = tpu.memref_squeeze %dma_start3A_263 : memref<1x80xi32, #tpu.memory_space<vmem>> -> memref<80xi32, #tpu.memory_space<vmem>>
      %dma_start3A_265 = arith.constant 0 : i32
      %dma_start3A_266 = arith.constant 0 : i32
      %dma_start3A_267 = tpu.memref_slice %arg11[%dma_start3A_265, %dma_start3A_266] : memref<10000x128xf32, #tpu.memory_space<vmem_shared>> -> memref<10000x128xf32, #tpu.memory_space<vmem_shared>>
      tpu.enqueue_indirect_dma source(%dma_start3A_261 : memref<80x128xf32, #tpu.memory_space<vmem>>) target(%dma_start3A_267 : memref<10000x128xf32, #tpu.memory_space<vmem_shared>>) offsets(%dma_start3A_264 : memref<80xi32, #tpu.memory_space<vmem>>) semaphore(%arg18 : memref<!tpu.dma_semaphore, #tpu.memory_space<semaphore_mem>>) {add = true}
      %mul3A_268 = arith.constant 2 : i32
      %mul3A_269 = arith.muli %mul3A_268, %scan3A_130 : i32
      %add3A_270 = arith.constant 1 : i32
      %add3A_271 = arith.addi %mul3A_269, %add3A_270 : i32
      %dma_wait3A_272 = arith.constant 0 : i32
      %dma_wait3A_273 = arith.constant 0 : i32
      %dma_wait3A_274 = arith.constant 0 : i32
      %dma_wait3A_275 = arith.constant 0 : i32
      %dma_wait3A_276 = tpu.memref_slice %arg9[%dma_wait3A_272, %dma_wait3A_274, %dma_wait3A_275] : memref<2x80x128xf32, #tpu.memory_space<vmem>> -> memref<1x80x128xf32, #tpu.memory_space<vmem>>
      %dma_wait3A_277 = tpu.memref_squeeze %dma_wait3A_276 : memref<1x80x128xf32, #tpu.memory_space<vmem>> -> memref<80x128xf32, #tpu.memory_space<vmem>>
      %dma_wait3A_278 = arith.constant 0 : i32
      %dma_wait3A_279 = tpu.memref_slice %arg8[%dma_wait3A_273, %dma_wait3A_278] : memref<2x80xi32, #tpu.memory_space<vmem>> -> memref<1x80xi32, #tpu.memory_space<vmem>>
      %dma_wait3A_280 = tpu.memref_squeeze %dma_wait3A_279 : memref<1x80xi32, #tpu.memory_space<vmem>> -> memref<80xi32, #tpu.memory_space<vmem>>
      %dma_wait3A_281 = arith.constant 0 : i32
      %dma_wait3A_282 = arith.constant 0 : i32
      %dma_wait3A_283 = tpu.memref_slice %arg11[%dma_wait3A_281, %dma_wait3A_282] : memref<10000x128xf32, #tpu.memory_space<vmem_shared>> -> memref<10000x128xf32, #tpu.memory_space<vmem_shared>>
      tpu.wait_indirect_dma semaphore(%arg18 : memref<!tpu.dma_semaphore, #tpu.memory_space<semaphore_mem>>) src(%dma_wait3A_277 : memref<80x128xf32, #tpu.memory_space<vmem>>) dst(%dma_wait3A_283 : memref<10000x128xf32, #tpu.memory_space<vmem_shared>>)
      %convert_element_type3A_284 = arith.extui %lt3A_134 : i1 to i32
      %cond3A_285 = arith.constant 0 : i32
      %cond3A_286 = arith.cmpi ne, %convert_element_type3A_284, %cond3A_285 : i32
      scf.if %cond3A_286 {
        %add3A_351 = arith.constant 1 : i32
        %add3A_352 = arith.addi %add3A_271, %add3A_351 : i32
        %mul3A_353 = arith.constant 80 : i32
        %mul3A_354 = arith.muli %add3A_352, %mul3A_353 : i32
        %add3A_355 = arith.addi %mul3A_2, %mul3A_354 : i32
        %dma_wait3A_356 = arith.constant 0 : i32
        %dma_wait3A_357 = arith.constant 0 : i32
        %dma_wait3A_358 = tpu.memref_slice %arg7[%dma_wait3A_356, %dma_wait3A_357] : memref<2x80xi32, #tpu.memory_space<vmem>> -> memref<1x80xi32, #tpu.memory_space<vmem>>
        %dma_wait3A_359 = tpu.memref_squeeze %dma_wait3A_358 : memref<1x80xi32, #tpu.memory_space<vmem>> -> memref<80xi32, #tpu.memory_space<vmem>>
        %dma_wait3A_360 = tpu.memref_slice %arg3[%add3A_355] : memref<640000xi32, #tpu.memory_space<hbm>> -> memref<80xi32, #tpu.memory_space<hbm>>
        %dma_wait3A_361 = arith.constant 0 : i32
        %dma_wait3A_362 = tpu.memref_slice %arg7[%dma_wait3A_356, %dma_wait3A_361] : memref<2x80xi32, #tpu.memory_space<vmem>> -> memref<1x80xi32, #tpu.memory_space<vmem>>
        %dma_wait3A_363 = tpu.memref_squeeze %dma_wait3A_362 : memref<1x80xi32, #tpu.memory_space<vmem>> -> memref<80xi32, #tpu.memory_space<vmem>>
        %dma_wait3A_364 = tpu.memref_slice %arg3[%add3A_355] : memref<640000xi32, #tpu.memory_space<hbm>> -> memref<80xi32, #tpu.memory_space<hbm>>
        tpu.wait_dma2 semaphore(%arg12 : memref<!tpu.dma_semaphore, #tpu.memory_space<semaphore_mem>>) src(%dma_wait3A_364 : memref<80xi32, #tpu.memory_space<hbm>>) dst(%dma_wait3A_363 : memref<80xi32, #tpu.memory_space<vmem>>)
        %add3A_365 = arith.constant 1 : i32
        %add3A_366 = arith.addi %add3A_271, %add3A_365 : i32
        %dma_start3A_367 = arith.constant 0 : i32
        %dma_start3A_368 = arith.constant 0 : i32
        %dma_start3A_369 = arith.constant 0 : i32
        %dma_start3A_370 = arith.constant 0 : i32
        %dma_start3A_371 = tpu.memref_slice %arg9[%dma_start3A_368, %dma_start3A_369, %dma_start3A_370] : memref<2x80x128xf32, #tpu.memory_space<vmem>> -> memref<1x80x128xf32, #tpu.memory_space<vmem>>
        %dma_start3A_372 = tpu.memref_squeeze %dma_start3A_371 : memref<1x80x128xf32, #tpu.memory_space<vmem>> -> memref<80x128xf32, #tpu.memory_space<vmem>>
        %dma_start3A_373 = arith.constant 0 : i32
        %dma_start3A_374 = tpu.memref_slice %arg7[%dma_start3A_367, %dma_start3A_373] : memref<2x80xi32, #tpu.memory_space<vmem>> -> memref<1x80xi32, #tpu.memory_space<vmem>>
        %dma_start3A_375 = tpu.memref_squeeze %dma_start3A_374 : memref<1x80xi32, #tpu.memory_space<vmem>> -> memref<80xi32, #tpu.memory_space<vmem>>
        %dma_start3A_376 = arith.constant 0 : i32
        %dma_start3A_377 = arith.constant 0 : i32
        %dma_start3A_378 = tpu.memref_slice %arg2[%dma_start3A_376, %dma_start3A_377] : memref<20000x128xf32, #tpu.memory_space<hbm>> -> memref<20000x128xf32, #tpu.memory_space<hbm>>
        tpu.enqueue_indirect_dma source(%dma_start3A_378 : memref<20000x128xf32, #tpu.memory_space<hbm>>) target(%dma_start3A_372 : memref<80x128xf32, #tpu.memory_space<vmem>>) offsets(%dma_start3A_375 : memref<80xi32, #tpu.memory_space<vmem>>) semaphore(%arg14 : memref<!tpu.dma_semaphore, #tpu.memory_space<semaphore_mem>>)
        %mul3A_379 = arith.constant 80 : i32
        %mul3A_380 = arith.muli %add3A_366, %mul3A_379 : i32
        %add3A_381 = arith.addi %mul3A_2, %mul3A_380 : i32
        %dma_start3A_382 = arith.constant 0 : i32
        %dma_start3A_383 = arith.constant 0 : i32
        %dma_start3A_384 = arith.constant 0 : i32
        %dma_start3A_385 = tpu.memref_slice %arg10[%dma_start3A_382, %dma_start3A_383, %dma_start3A_384] : memref<2x80x128xf32, #tpu.memory_space<vmem>> -> memref<1x80x128xf32, #tpu.memory_space<vmem>>
        %dma_start3A_386 = tpu.memref_squeeze %dma_start3A_385 : memref<1x80x128xf32, #tpu.memory_space<vmem>> -> memref<80x128xf32, #tpu.memory_space<vmem>>
        %dma_start3A_387 = arith.constant 0 : i32
        %dma_start3A_388 = tpu.memref_slice %arg5[%add3A_381, %dma_start3A_387] : memref<640000x128xf32, #tpu.memory_space<hbm>> -> memref<80x128xf32, #tpu.memory_space<hbm>>
        %dma_start3A_389 = arith.constant 0 : i32
        %dma_start3A_390 = arith.constant 0 : i32
        %dma_start3A_391 = tpu.memref_slice %arg10[%dma_start3A_382, %dma_start3A_389, %dma_start3A_390] : memref<2x80x128xf32, #tpu.memory_space<vmem>> -> memref<1x80x128xf32, #tpu.memory_space<vmem>>
        %dma_start3A_392 = tpu.memref_squeeze %dma_start3A_391 : memref<1x80x128xf32, #tpu.memory_space<vmem>> -> memref<80x128xf32, #tpu.memory_space<vmem>>
        %dma_start3A_393 = arith.constant 0 : i32
        %dma_start3A_394 = tpu.memref_slice %arg5[%add3A_381, %dma_start3A_393] : memref<640000x128xf32, #tpu.memory_space<hbm>> -> memref<80x128xf32, #tpu.memory_space<hbm>>
        tpu.enqueue_dma source(%dma_start3A_394 : memref<80x128xf32, #tpu.memory_space<hbm>>) target(%dma_start3A_392 : memref<80x128xf32, #tpu.memory_space<vmem>>) target_semaphore(%arg16 : memref<!tpu.dma_semaphore, #tpu.memory_space<semaphore_mem>>)
      } else {
      }
      %dma_wait3A_287 = arith.constant 1 : i32
      %dma_wait3A_288 = arith.constant 1 : i32
      %dma_wait3A_289 = arith.constant 0 : i32
      %dma_wait3A_290 = arith.constant 0 : i32
      %dma_wait3A_291 = tpu.memref_slice %arg9[%dma_wait3A_288, %dma_wait3A_289, %dma_wait3A_290] : memref<2x80x128xf32, #tpu.memory_space<vmem>> -> memref<1x80x128xf32, #tpu.memory_space<vmem>>
      %dma_wait3A_292 = tpu.memref_squeeze %dma_wait3A_291 : memref<1x80x128xf32, #tpu.memory_space<vmem>> -> memref<80x128xf32, #tpu.memory_space<vmem>>
      %dma_wait3A_293 = arith.constant 0 : i32
      %dma_wait3A_294 = tpu.memref_slice %arg7[%dma_wait3A_287, %dma_wait3A_293] : memref<2x80xi32, #tpu.memory_space<vmem>> -> memref<1x80xi32, #tpu.memory_space<vmem>>
      %dma_wait3A_295 = tpu.memref_squeeze %dma_wait3A_294 : memref<1x80xi32, #tpu.memory_space<vmem>> -> memref<80xi32, #tpu.memory_space<vmem>>
      %dma_wait3A_296 = arith.constant 0 : i32
      %dma_wait3A_297 = arith.constant 0 : i32
      %dma_wait3A_298 = tpu.memref_slice %arg2[%dma_wait3A_296, %dma_wait3A_297] : memref<20000x128xf32, #tpu.memory_space<hbm>> -> memref<20000x128xf32, #tpu.memory_space<hbm>>
      tpu.wait_indirect_dma semaphore(%arg15 : memref<!tpu.dma_semaphore, #tpu.memory_space<semaphore_mem>>) src(%dma_wait3A_298 : memref<20000x128xf32, #tpu.memory_space<hbm>>) dst(%dma_wait3A_292 : memref<80x128xf32, #tpu.memory_space<vmem>>)
      %mul3A_299 = arith.constant 80 : i32
      %mul3A_300 = arith.muli %add3A_271, %mul3A_299 : i32
      %add3A_301 = arith.addi %mul3A_2, %mul3A_300 : i32
      %dma_wait3A_302 = arith.constant 1 : i32
      %dma_wait3A_303 = arith.constant 0 : i32
      %dma_wait3A_304 = arith.constant 0 : i32
      %dma_wait3A_305 = tpu.memref_slice %arg10[%dma_wait3A_302, %dma_wait3A_303, %dma_wait3A_304] : memref<2x80x128xf32, #tpu.memory_space<vmem>> -> memref<1x80x128xf32, #tpu.memory_space<vmem>>
      %dma_wait3A_306 = tpu.memref_squeeze %dma_wait3A_305 : memref<1x80x128xf32, #tpu.memory_space<vmem>> -> memref<80x128xf32, #tpu.memory_space<vmem>>
      %dma_wait3A_307 = arith.constant 0 : i32
      %dma_wait3A_308 = tpu.memref_slice %arg5[%add3A_301, %dma_wait3A_307] : memref<640000x128xf32, #tpu.memory_space<hbm>> -> memref<80x128xf32, #tpu.memory_space<hbm>>
      %dma_wait3A_309 = arith.constant 0 : i32
      %dma_wait3A_310 = arith.constant 0 : i32
      %dma_wait3A_311 = tpu.memref_slice %arg10[%dma_wait3A_302, %dma_wait3A_309, %dma_wait3A_310] : memref<2x80x128xf32, #tpu.memory_space<vmem>> -> memref<1x80x128xf32, #tpu.memory_space<vmem>>
      %dma_wait3A_312 = tpu.memref_squeeze %dma_wait3A_311 : memref<1x80x128xf32, #tpu.memory_space<vmem>> -> memref<80x128xf32, #tpu.memory_space<vmem>>
      %dma_wait3A_313 = arith.constant 0 : i32
      %dma_wait3A_314 = tpu.memref_slice %arg5[%add3A_301, %dma_wait3A_313] : memref<640000x128xf32, #tpu.memory_space<hbm>> -> memref<80x128xf32, #tpu.memory_space<hbm>>
      tpu.wait_dma2 semaphore(%arg17 : memref<!tpu.dma_semaphore, #tpu.memory_space<semaphore_mem>>) src(%dma_wait3A_314 : memref<80x128xf32, #tpu.memory_space<hbm>>) dst(%dma_wait3A_312 : memref<80x128xf32, #tpu.memory_space<vmem>>)
      %convert_element_type3A_315 = arith.extui %lt3A_134 : i1 to i32
      %cond3A_316 = arith.constant 0 : i32
      %cond3A_317 = arith.cmpi ne, %convert_element_type3A_315, %cond3A_316 : i32
      scf.if %cond3A_317 {
        %add3A_351 = arith.constant 2 : i32
        %add3A_352 = arith.addi %add3A_271, %add3A_351 : i32
        %mul3A_353 = arith.constant 80 : i32
        %mul3A_354 = arith.muli %add3A_352, %mul3A_353 : i32
        %add3A_355 = arith.addi %mul3A_2, %mul3A_354 : i32
        %dma_start3A_356 = arith.constant 1 : i32
        %dma_start3A_357 = arith.constant 0 : i32
        %dma_start3A_358 = tpu.memref_slice %arg7[%dma_start3A_356, %dma_start3A_357] : memref<2x80xi32, #tpu.memory_space<vmem>> -> memref<1x80xi32, #tpu.memory_space<vmem>>
        %dma_start3A_359 = tpu.memref_squeeze %dma_start3A_358 : memref<1x80xi32, #tpu.memory_space<vmem>> -> memref<80xi32, #tpu.memory_space<vmem>>
        %dma_start3A_360 = tpu.memref_slice %arg3[%add3A_355] : memref<640000xi32, #tpu.memory_space<hbm>> -> memref<80xi32, #tpu.memory_space<hbm>>
        %dma_start3A_361 = arith.constant 0 : i32
        %dma_start3A_362 = tpu.memref_slice %arg7[%dma_start3A_356, %dma_start3A_361] : memref<2x80xi32, #tpu.memory_space<vmem>> -> memref<1x80xi32, #tpu.memory_space<vmem>>
        %dma_start3A_363 = tpu.memref_squeeze %dma_start3A_362 : memref<1x80xi32, #tpu.memory_space<vmem>> -> memref<80xi32, #tpu.memory_space<vmem>>
        %dma_start3A_364 = tpu.memref_slice %arg3[%add3A_355] : memref<640000xi32, #tpu.memory_space<hbm>> -> memref<80xi32, #tpu.memory_space<hbm>>
        tpu.enqueue_dma source(%dma_start3A_364 : memref<80xi32, #tpu.memory_space<hbm>>) target(%dma_start3A_363 : memref<80xi32, #tpu.memory_space<vmem>>) target_semaphore(%arg12 : memref<!tpu.dma_semaphore, #tpu.memory_space<semaphore_mem>>)
      } else {
      }
      %convert_element_type3A_318 = arith.extui %lt3A_134 : i1 to i32
      %cond3A_319 = arith.constant 0 : i32
      %cond3A_320 = arith.cmpi ne, %convert_element_type3A_318, %cond3A_319 : i32
      scf.if %cond3A_320 {
        %add3A_351 = arith.constant 1 : i32
        %add3A_352 = arith.addi %add3A_271, %add3A_351 : i32
        %mul3A_353 = arith.constant 80 : i32
        %mul3A_354 = arith.muli %add3A_352, %mul3A_353 : i32
        %add3A_355 = arith.addi %mul3A_2, %mul3A_354 : i32
        %dma_start3A_356 = arith.constant 0 : i32
        %dma_start3A_357 = arith.constant 0 : i32
        %dma_start3A_358 = tpu.memref_slice %arg8[%dma_start3A_356, %dma_start3A_357] : memref<2x80xi32, #tpu.memory_space<vmem>> -> memref<1x80xi32, #tpu.memory_space<vmem>>
        %dma_start3A_359 = tpu.memref_squeeze %dma_start3A_358 : memref<1x80xi32, #tpu.memory_space<vmem>> -> memref<80xi32, #tpu.memory_space<vmem>>
        %dma_start3A_360 = tpu.memref_slice %arg4[%add3A_355] : memref<640000xi32, #tpu.memory_space<hbm>> -> memref<80xi32, #tpu.memory_space<hbm>>
        %dma_start3A_361 = arith.constant 0 : i32
        %dma_start3A_362 = tpu.memref_slice %arg8[%dma_start3A_356, %dma_start3A_361] : memref<2x80xi32, #tpu.memory_space<vmem>> -> memref<1x80xi32, #tpu.memory_space<vmem>>
        %dma_start3A_363 = tpu.memref_squeeze %dma_start3A_362 : memref<1x80xi32, #tpu.memory_space<vmem>> -> memref<80xi32, #tpu.memory_space<vmem>>
        %dma_start3A_364 = tpu.memref_slice %arg4[%add3A_355] : memref<640000xi32, #tpu.memory_space<hbm>> -> memref<80xi32, #tpu.memory_space<hbm>>
        tpu.enqueue_dma source(%dma_start3A_364 : memref<80xi32, #tpu.memory_space<hbm>>) target(%dma_start3A_363 : memref<80xi32, #tpu.memory_space<vmem>>) target_semaphore(%arg13 : memref<!tpu.dma_semaphore, #tpu.memory_space<semaphore_mem>>)
      } else {
      }
      %scan3A_321 = arith.constant 0 : i32
      %scan3A_322 = arith.constant 0 : i32
      %scan3A_323 = arith.constant 80 : i32
      %scan3A_324 = arith.addi %scan3A_322, %scan3A_323 : i32
      %scan3A_325 = arith.constant 1 : i32
      scf.for %scan3A_351 = %scan3A_322 to %scan3A_324 step %scan3A_325  : i32 {
        %get3A = arith.constant 1 : i32
        %get3A_352 = arith.index_cast %get3A : i32 to index
        %get3A_353 = arith.index_cast %scan3A_351 : i32 to index
        %get3A_354 = arith.constant 0 : index
        %get3A_355 = tpu.vector_load %arg9[%get3A_352, %get3A_353, %get3A_354] {strides = array<i32>} : memref<2x80x128xf32, #tpu.memory_space<vmem>>, vector<1x1x16xf32>,
        %get3A_356 = vector.shape_cast %get3A_355 : vector<1x1x16xf32> to vector<16xf32>
        %get3A_357 = arith.constant 1 : i32
        %get3A_358 = arith.index_cast %get3A_357 : i32 to index
        %get3A_359 = arith.index_cast %scan3A_351 : i32 to index
        %get3A_360 = arith.constant 0 : index
        %get3A_361 = tpu.vector_load %arg10[%get3A_358, %get3A_359, %get3A_360] {strides = array<i32>} : memref<2x80x128xf32, #tpu.memory_space<vmem>>, vector<1x1x16xf32>,
        %get3A_362 = vector.shape_cast %get3A_361 : vector<1x1x16xf32> to vector<16xf32>
        %add3A_363 = arith.addf %get3A_356, %get3A_362 : vector<16xf32>
        %max3A = arith.constant 0.000000e+00 : f32
        %max3A_364 = vector.broadcast %max3A : f32 to vector<16xf32>
        %max3A_365 = arith.maximumf %add3A_363, %max3A_364 : vector<16xf32>
        %swap3A = arith.constant 1 : i32
        %swap3A_366 = arith.index_cast %swap3A : i32 to index
        %swap3A_367 = arith.index_cast %scan3A_351 : i32 to index
        %swap3A_368 = arith.constant 0 : index
        %swap3A_369 = tpu.vector_load %arg9[%swap3A_366, %swap3A_367, %swap3A_368] {strides = array<i32>} : memref<2x80x128xf32, #tpu.memory_space<vmem>>, vector<1x1x16xf32>,
        %swap3A_370 = vector.shape_cast %swap3A_369 : vector<1x1x16xf32> to vector<16xf32>
        %swap3A_371 = vector.shape_cast %max3A_365 : vector<16xf32> to vector<1x1x16xf32>
        tpu.vector_store %arg9[%swap3A_366, %swap3A_367, %swap3A_368], %swap3A_371 {strides = array<i32>} : memref<2x80x128xf32, #tpu.memory_space<vmem>>, vector<1x1x16xf32>,
        %get3A_372 = arith.constant 1 : i32
        %get3A_373 = arith.index_cast %get3A_372 : i32 to index
        %get3A_374 = arith.index_cast %scan3A_351 : i32 to index
        %get3A_375 = arith.constant 16 : index
        %get3A_376 = tpu.vector_load %arg9[%get3A_373, %get3A_374, %get3A_375] {strides = array<i32>} : memref<2x80x128xf32, #tpu.memory_space<vmem>>, vector<1x1x16xf32>,
        %get3A_377 = vector.shape_cast %get3A_376 : vector<1x1x16xf32> to vector<16xf32>
        %get3A_378 = arith.constant 1 : i32
        %get3A_379 = arith.index_cast %get3A_378 : i32 to index
        %get3A_380 = arith.index_cast %scan3A_351 : i32 to index
        %get3A_381 = arith.constant 16 : index
        %get3A_382 = tpu.vector_load %arg10[%get3A_379, %get3A_380, %get3A_381] {strides = array<i32>} : memref<2x80x128xf32, #tpu.memory_space<vmem>>, vector<1x1x16xf32>,
        %get3A_383 = vector.shape_cast %get3A_382 : vector<1x1x16xf32> to vector<16xf32>
        %add3A_384 = arith.addf %get3A_377, %get3A_383 : vector<16xf32>
        %max3A_385 = arith.constant 0.000000e+00 : f32
        %max3A_386 = vector.broadcast %max3A_385 : f32 to vector<16xf32>
        %max3A_387 = arith.maximumf %add3A_384, %max3A_386 : vector<16xf32>
        %swap3A_388 = arith.constant 1 : i32
        %swap3A_389 = arith.index_cast %swap3A_388 : i32 to index
        %swap3A_390 = arith.index_cast %scan3A_351 : i32 to index
        %swap3A_391 = arith.constant 16 : index
        %swap3A_392 = tpu.vector_load %arg9[%swap3A_389, %swap3A_390, %swap3A_391] {strides = array<i32>} : memref<2x80x128xf32, #tpu.memory_space<vmem>>, vector<1x1x16xf32>,
        %swap3A_393 = vector.shape_cast %swap3A_392 : vector<1x1x16xf32> to vector<16xf32>
        %swap3A_394 = vector.shape_cast %max3A_387 : vector<16xf32> to vector<1x1x16xf32>
        tpu.vector_store %arg9[%swap3A_389, %swap3A_390, %swap3A_391], %swap3A_394 {strides = array<i32>} : memref<2x80x128xf32, #tpu.memory_space<vmem>>, vector<1x1x16xf32>,
        %get3A_395 = arith.constant 1 : i32
        %get3A_396 = arith.index_cast %get3A_395 : i32 to index
        %get3A_397 = arith.index_cast %scan3A_351 : i32 to index
        %get3A_398 = arith.constant 32 : index
        %get3A_399 = tpu.vector_load %arg9[%get3A_396, %get3A_397, %get3A_398] {strides = array<i32>} : memref<2x80x128xf32, #tpu.memory_space<vmem>>, vector<1x1x16xf32>,
        %get3A_400 = vector.shape_cast %get3A_399 : vector<1x1x16xf32> to vector<16xf32>
        %get3A_401 = arith.constant 1 : i32
        %get3A_402 = arith.index_cast %get3A_401 : i32 to index
        %get3A_403 = arith.index_cast %scan3A_351 : i32 to index
        %get3A_404 = arith.constant 32 : index
        %get3A_405 = tpu.vector_load %arg10[%get3A_402, %get3A_403, %get3A_404] {strides = array<i32>} : memref<2x80x128xf32, #tpu.memory_space<vmem>>, vector<1x1x16xf32>,
        %get3A_406 = vector.shape_cast %get3A_405 : vector<1x1x16xf32> to vector<16xf32>
        %add3A_407 = arith.addf %get3A_400, %get3A_406 : vector<16xf32>
        %max3A_408 = arith.constant 0.000000e+00 : f32
        %max3A_409 = vector.broadcast %max3A_408 : f32 to vector<16xf32>
        %max3A_410 = arith.maximumf %add3A_407, %max3A_409 : vector<16xf32>
        %swap3A_411 = arith.constant 1 : i32
        %swap3A_412 = arith.index_cast %swap3A_411 : i32 to index
        %swap3A_413 = arith.index_cast %scan3A_351 : i32 to index
        %swap3A_414 = arith.constant 32 : index
        %swap3A_415 = tpu.vector_load %arg9[%swap3A_412, %swap3A_413, %swap3A_414] {strides = array<i32>} : memref<2x80x128xf32, #tpu.memory_space<vmem>>, vector<1x1x16xf32>,
        %swap3A_416 = vector.shape_cast %swap3A_415 : vector<1x1x16xf32> to vector<16xf32>
        %swap3A_417 = vector.shape_cast %max3A_410 : vector<16xf32> to vector<1x1x16xf32>
        tpu.vector_store %arg9[%swap3A_412, %swap3A_413, %swap3A_414], %swap3A_417 {strides = array<i32>} : memref<2x80x128xf32, #tpu.memory_space<vmem>>, vector<1x1x16xf32>,
        %get3A_418 = arith.constant 1 : i32
        %get3A_419 = arith.index_cast %get3A_418 : i32 to index
        %get3A_420 = arith.index_cast %scan3A_351 : i32 to index
        %get3A_421 = arith.constant 48 : index
        %get3A_422 = tpu.vector_load %arg9[%get3A_419, %get3A_420, %get3A_421] {strides = array<i32>} : memref<2x80x128xf32, #tpu.memory_space<vmem>>, vector<1x1x16xf32>,
        %get3A_423 = vector.shape_cast %get3A_422 : vector<1x1x16xf32> to vector<16xf32>
        %get3A_424 = arith.constant 1 : i32
        %get3A_425 = arith.index_cast %get3A_424 : i32 to index
        %get3A_426 = arith.index_cast %scan3A_351 : i32 to index
        %get3A_427 = arith.constant 48 : index
        %get3A_428 = tpu.vector_load %arg10[%get3A_425, %get3A_426, %get3A_427] {strides = array<i32>} : memref<2x80x128xf32, #tpu.memory_space<vmem>>, vector<1x1x16xf32>,
        %get3A_429 = vector.shape_cast %get3A_428 : vector<1x1x16xf32> to vector<16xf32>
        %add3A_430 = arith.addf %get3A_423, %get3A_429 : vector<16xf32>
        %max3A_431 = arith.constant 0.000000e+00 : f32
        %max3A_432 = vector.broadcast %max3A_431 : f32 to vector<16xf32>
        %max3A_433 = arith.maximumf %add3A_430, %max3A_432 : vector<16xf32>
        %swap3A_434 = arith.constant 1 : i32
        %swap3A_435 = arith.index_cast %swap3A_434 : i32 to index
        %swap3A_436 = arith.index_cast %scan3A_351 : i32 to index
        %swap3A_437 = arith.constant 48 : index
        %swap3A_438 = tpu.vector_load %arg9[%swap3A_435, %swap3A_436, %swap3A_437] {strides = array<i32>} : memref<2x80x128xf32, #tpu.memory_space<vmem>>, vector<1x1x16xf32>,
        %swap3A_439 = vector.shape_cast %swap3A_438 : vector<1x1x16xf32> to vector<16xf32>
        %swap3A_440 = vector.shape_cast %max3A_433 : vector<16xf32> to vector<1x1x16xf32>
        tpu.vector_store %arg9[%swap3A_435, %swap3A_436, %swap3A_437], %swap3A_440 {strides = array<i32>} : memref<2x80x128xf32, #tpu.memory_space<vmem>>, vector<1x1x16xf32>,
        %get3A_441 = arith.constant 1 : i32
        %get3A_442 = arith.index_cast %get3A_441 : i32 to index
        %get3A_443 = arith.index_cast %scan3A_351 : i32 to index
        %get3A_444 = arith.constant 64 : index
        %get3A_445 = tpu.vector_load %arg9[%get3A_442, %get3A_443, %get3A_444] {strides = array<i32>} : memref<2x80x128xf32, #tpu.memory_space<vmem>>, vector<1x1x16xf32>,
        %get3A_446 = vector.shape_cast %get3A_445 : vector<1x1x16xf32> to vector<16xf32>
        %get3A_447 = arith.constant 1 : i32
        %get3A_448 = arith.index_cast %get3A_447 : i32 to index
        %get3A_449 = arith.index_cast %scan3A_351 : i32 to index
        %get3A_450 = arith.constant 64 : index
        %get3A_451 = tpu.vector_load %arg10[%get3A_448, %get3A_449, %get3A_450] {strides = array<i32>} : memref<2x80x128xf32, #tpu.memory_space<vmem>>, vector<1x1x16xf32>,
        %get3A_452 = vector.shape_cast %get3A_451 : vector<1x1x16xf32> to vector<16xf32>
        %add3A_453 = arith.addf %get3A_446, %get3A_452 : vector<16xf32>
        %max3A_454 = arith.constant 0.000000e+00 : f32
        %max3A_455 = vector.broadcast %max3A_454 : f32 to vector<16xf32>
        %max3A_456 = arith.maximumf %add3A_453, %max3A_455 : vector<16xf32>
        %swap3A_457 = arith.constant 1 : i32
        %swap3A_458 = arith.index_cast %swap3A_457 : i32 to index
        %swap3A_459 = arith.index_cast %scan3A_351 : i32 to index
        %swap3A_460 = arith.constant 64 : index
        %swap3A_461 = tpu.vector_load %arg9[%swap3A_458, %swap3A_459, %swap3A_460] {strides = array<i32>} : memref<2x80x128xf32, #tpu.memory_space<vmem>>, vector<1x1x16xf32>,
        %swap3A_462 = vector.shape_cast %swap3A_461 : vector<1x1x16xf32> to vector<16xf32>
        %swap3A_463 = vector.shape_cast %max3A_456 : vector<16xf32> to vector<1x1x16xf32>
        tpu.vector_store %arg9[%swap3A_458, %swap3A_459, %swap3A_460], %swap3A_463 {strides = array<i32>} : memref<2x80x128xf32, #tpu.memory_space<vmem>>, vector<1x1x16xf32>,
        %get3A_464 = arith.constant 1 : i32
        %get3A_465 = arith.index_cast %get3A_464 : i32 to index
        %get3A_466 = arith.index_cast %scan3A_351 : i32 to index
        %get3A_467 = arith.constant 80 : index
        %get3A_468 = tpu.vector_load %arg9[%get3A_465, %get3A_466, %get3A_467] {strides = array<i32>} : memref<2x80x128xf32, #tpu.memory_space<vmem>>, vector<1x1x16xf32>,
        %get3A_469 = vector.shape_cast %get3A_468 : vector<1x1x16xf32> to vector<16xf32>
        %get3A_470 = arith.constant 1 : i32
        %get3A_471 = arith.index_cast %get3A_470 : i32 to index
        %get3A_472 = arith.index_cast %scan3A_351 : i32 to index
        %get3A_473 = arith.constant 80 : index
        %get3A_474 = tpu.vector_load %arg10[%get3A_471, %get3A_472, %get3A_473] {strides = array<i32>} : memref<2x80x128xf32, #tpu.memory_space<vmem>>, vector<1x1x16xf32>,
        %get3A_475 = vector.shape_cast %get3A_474 : vector<1x1x16xf32> to vector<16xf32>
        %add3A_476 = arith.addf %get3A_469, %get3A_475 : vector<16xf32>
        %max3A_477 = arith.constant 0.000000e+00 : f32
        %max3A_478 = vector.broadcast %max3A_477 : f32 to vector<16xf32>
        %max3A_479 = arith.maximumf %add3A_476, %max3A_478 : vector<16xf32>
        %swap3A_480 = arith.constant 1 : i32
        %swap3A_481 = arith.index_cast %swap3A_480 : i32 to index
        %swap3A_482 = arith.index_cast %scan3A_351 : i32 to index
        %swap3A_483 = arith.constant 80 : index
        %swap3A_484 = tpu.vector_load %arg9[%swap3A_481, %swap3A_482, %swap3A_483] {strides = array<i32>} : memref<2x80x128xf32, #tpu.memory_space<vmem>>, vector<1x1x16xf32>,
        %swap3A_485 = vector.shape_cast %swap3A_484 : vector<1x1x16xf32> to vector<16xf32>
        %swap3A_486 = vector.shape_cast %max3A_479 : vector<16xf32> to vector<1x1x16xf32>
        tpu.vector_store %arg9[%swap3A_481, %swap3A_482, %swap3A_483], %swap3A_486 {strides = array<i32>} : memref<2x80x128xf32, #tpu.memory_space<vmem>>, vector<1x1x16xf32>,
        %get3A_487 = arith.constant 1 : i32
        %get3A_488 = arith.index_cast %get3A_487 : i32 to index
        %get3A_489 = arith.index_cast %scan3A_351 : i32 to index
        %get3A_490 = arith.constant 96 : index
        %get3A_491 = tpu.vector_load %arg9[%get3A_488, %get3A_489, %get3A_490] {strides = array<i32>} : memref<2x80x128xf32, #tpu.memory_space<vmem>>, vector<1x1x16xf32>,
        %get3A_492 = vector.shape_cast %get3A_491 : vector<1x1x16xf32> to vector<16xf32>
        %get3A_493 = arith.constant 1 : i32
        %get3A_494 = arith.index_cast %get3A_493 : i32 to index
        %get3A_495 = arith.index_cast %scan3A_351 : i32 to index
        %get3A_496 = arith.constant 96 : index
        %get3A_497 = tpu.vector_load %arg10[%get3A_494, %get3A_495, %get3A_496] {strides = array<i32>} : memref<2x80x128xf32, #tpu.memory_space<vmem>>, vector<1x1x16xf32>,
        %get3A_498 = vector.shape_cast %get3A_497 : vector<1x1x16xf32> to vector<16xf32>
        %add3A_499 = arith.addf %get3A_492, %get3A_498 : vector<16xf32>
        %max3A_500 = arith.constant 0.000000e+00 : f32
        %max3A_501 = vector.broadcast %max3A_500 : f32 to vector<16xf32>
        %max3A_502 = arith.maximumf %add3A_499, %max3A_501 : vector<16xf32>
        %swap3A_503 = arith.constant 1 : i32
        %swap3A_504 = arith.index_cast %swap3A_503 : i32 to index
        %swap3A_505 = arith.index_cast %scan3A_351 : i32 to index
        %swap3A_506 = arith.constant 96 : index
        %swap3A_507 = tpu.vector_load %arg9[%swap3A_504, %swap3A_505, %swap3A_506] {strides = array<i32>} : memref<2x80x128xf32, #tpu.memory_space<vmem>>, vector<1x1x16xf32>,
        %swap3A_508 = vector.shape_cast %swap3A_507 : vector<1x1x16xf32> to vector<16xf32>
        %swap3A_509 = vector.shape_cast %max3A_502 : vector<16xf32> to vector<1x1x16xf32>
        tpu.vector_store %arg9[%swap3A_504, %swap3A_505, %swap3A_506], %swap3A_509 {strides = array<i32>} : memref<2x80x128xf32, #tpu.memory_space<vmem>>, vector<1x1x16xf32>,
        %get3A_510 = arith.constant 1 : i32
        %get3A_511 = arith.index_cast %get3A_510 : i32 to index
        %get3A_512 = arith.index_cast %scan3A_351 : i32 to index
        %get3A_513 = arith.constant 112 : index
        %get3A_514 = tpu.vector_load %arg9[%get3A_511, %get3A_512, %get3A_513] {strides = array<i32>} : memref<2x80x128xf32, #tpu.memory_space<vmem>>, vector<1x1x16xf32>,
        %get3A_515 = vector.shape_cast %get3A_514 : vector<1x1x16xf32> to vector<16xf32>
        %get3A_516 = arith.constant 1 : i32
        %get3A_517 = arith.index_cast %get3A_516 : i32 to index
        %get3A_518 = arith.index_cast %scan3A_351 : i32 to index
        %get3A_519 = arith.constant 112 : index
        %get3A_520 = tpu.vector_load %arg10[%get3A_517, %get3A_518, %get3A_519] {strides = array<i32>} : memref<2x80x128xf32, #tpu.memory_space<vmem>>, vector<1x1x16xf32>,
        %get3A_521 = vector.shape_cast %get3A_520 : vector<1x1x16xf32> to vector<16xf32>
        %add3A_522 = arith.addf %get3A_515, %get3A_521 : vector<16xf32>
        %max3A_523 = arith.constant 0.000000e+00 : f32
        %max3A_524 = vector.broadcast %max3A_523 : f32 to vector<16xf32>
        %max3A_525 = arith.maximumf %add3A_522, %max3A_524 : vector<16xf32>
        %swap3A_526 = arith.constant 1 : i32
        %swap3A_527 = arith.index_cast %swap3A_526 : i32 to index
        %swap3A_528 = arith.index_cast %scan3A_351 : i32 to index
        %swap3A_529 = arith.constant 112 : index
        %swap3A_530 = tpu.vector_load %arg9[%swap3A_527, %swap3A_528, %swap3A_529] {strides = array<i32>} : memref<2x80x128xf32, #tpu.memory_space<vmem>>, vector<1x1x16xf32>,
        %swap3A_531 = vector.shape_cast %swap3A_530 : vector<1x1x16xf32> to vector<16xf32>
        %swap3A_532 = vector.shape_cast %max3A_525 : vector<16xf32> to vector<1x1x16xf32>
        tpu.vector_store %arg9[%swap3A_527, %swap3A_528, %swap3A_529], %swap3A_532 {strides = array<i32>} : memref<2x80x128xf32, #tpu.memory_space<vmem>>, vector<1x1x16xf32>,
      }
      %scan3A_326 = arith.constant 80 : i32
      %mul3A_327 = arith.constant 80 : i32
      %mul3A_328 = arith.muli %add3A_271, %mul3A_327 : i32
      %add3A_329 = arith.addi %mul3A_2, %mul3A_328 : i32
      %dma_wait3A_330 = arith.constant 1 : i32
      %dma_wait3A_331 = arith.constant 0 : i32
      %dma_wait3A_332 = tpu.memref_slice %arg8[%dma_wait3A_330, %dma_wait3A_331] : memref<2x80xi32, #tpu.memory_space<vmem>> -> memref<1x80xi32, #tpu.memory_space<vmem>>
      %dma_wait3A_333 = tpu.memref_squeeze %dma_wait3A_332 : memref<1x80xi32, #tpu.memory_space<vmem>> -> memref<80xi32, #tpu.memory_space<vmem>>
      %dma_wait3A_334 = tpu.memref_slice %arg4[%add3A_329] : memref<640000xi32, #tpu.memory_space<hbm>> -> memref<80xi32, #tpu.memory_space<hbm>>
      %dma_wait3A_335 = arith.constant 0 : i32
      %dma_wait3A_336 = tpu.memref_slice %arg8[%dma_wait3A_330, %dma_wait3A_335] : memref<2x80xi32, #tpu.memory_space<vmem>> -> memref<1x80xi32, #tpu.memory_space<vmem>>
      %dma_wait3A_337 = tpu.memref_squeeze %dma_wait3A_336 : memref<1x80xi32, #tpu.memory_space<vmem>> -> memref<80xi32, #tpu.memory_space<vmem>>
      %dma_wait3A_338 = tpu.memref_slice %arg4[%add3A_329] : memref<640000xi32, #tpu.memory_space<hbm>> -> memref<80xi32, #tpu.memory_space<hbm>>
      tpu.wait_dma2 semaphore(%arg13 : memref<!tpu.dma_semaphore, #tpu.memory_space<semaphore_mem>>) src(%dma_wait3A_338 : memref<80xi32, #tpu.memory_space<hbm>>) dst(%dma_wait3A_337 : memref<80xi32, #tpu.memory_space<vmem>>)
      %dma_start3A_339 = arith.constant 1 : i32
      %dma_start3A_340 = arith.constant 1 : i32
      %dma_start3A_341 = arith.constant 0 : i32
      %dma_start3A_342 = arith.constant 0 : i32
      %dma_start3A_343 = tpu.memref_slice %arg9[%dma_start3A_339, %dma_start3A_341, %dma_start3A_342] : memref<2x80x128xf32, #tpu.memory_space<vmem>> -> memref<1x80x128xf32, #tpu.memory_space<vmem>>
      %dma_start3A_344 = tpu.memref_squeeze %dma_start3A_343 : memref<1x80x128xf32, #tpu.memory_space<vmem>> -> memref<80x128xf32, #tpu.memory_space<vmem>>
      %dma_start3A_345 = arith.constant 0 : i32
      %dma_start3A_346 = tpu.memref_slice %arg8[%dma_start3A_340, %dma_start3A_345] : memref<2x80xi32, #tpu.memory_space<vmem>> -> memref<1x80xi32, #tpu.memory_space<vmem>>
      %dma_start3A_347 = tpu.memref_squeeze %dma_start3A_346 : memref<1x80xi32, #tpu.memory_space<vmem>> -> memref<80xi32, #tpu.memory_space<vmem>>
      %dma_start3A_348 = arith.constant 0 : i32
      %dma_start3A_349 = arith.constant 0 : i32
      %dma_start3A_350 = tpu.memref_slice %arg11[%dma_start3A_348, %dma_start3A_349] : memref<10000x128xf32, #tpu.memory_space<vmem_shared>> -> memref<10000x128xf32, #tpu.memory_space<vmem_shared>>
      tpu.enqueue_indirect_dma source(%dma_start3A_344 : memref<80x128xf32, #tpu.memory_space<vmem>>) target(%dma_start3A_350 : memref<10000x128xf32, #tpu.memory_space<vmem_shared>>) offsets(%dma_start3A_347 : memref<80xi32, #tpu.memory_space<vmem>>) semaphore(%arg19 : memref<!tpu.dma_semaphore, #tpu.memory_space<semaphore_mem>>) {add = true}
    }
    %scan3A_106 = arith.constant 125 : i32
    %dma_wait3A_107 = arith.constant 1 : i32
    %dma_wait3A_108 = arith.constant 1 : i32
    %dma_wait3A_109 = arith.constant 0 : i32
    %dma_wait3A_110 = arith.constant 0 : i32
    %dma_wait3A_111 = tpu.memref_slice %arg9[%dma_wait3A_107, %dma_wait3A_109, %dma_wait3A_110] : memref<2x80x128xf32, #tpu.memory_space<vmem>> -> memref<1x80x128xf32, #tpu.memory_space<vmem>>
    %dma_wait3A_112 = tpu.memref_squeeze %dma_wait3A_111 : memref<1x80x128xf32, #tpu.memory_space<vmem>> -> memref<80x128xf32, #tpu.memory_space<vmem>>
    %dma_wait3A_113 = arith.constant 0 : i32
    %dma_wait3A_114 = tpu.memref_slice %arg8[%dma_wait3A_108, %dma_wait3A_113] : memref<2x80xi32, #tpu.memory_space<vmem>> -> memref<1x80xi32, #tpu.memory_space<vmem>>
    %dma_wait3A_115 = tpu.memref_squeeze %dma_wait3A_114 : memref<1x80xi32, #tpu.memory_space<vmem>> -> memref<80xi32, #tpu.memory_space<vmem>>
    %dma_wait3A_116 = arith.constant 0 : i32
    %dma_wait3A_117 = arith.constant 0 : i32
    %dma_wait3A_118 = tpu.memref_slice %arg11[%dma_wait3A_116, %dma_wait3A_117] : memref<10000x128xf32, #tpu.memory_space<vmem_shared>> -> memref<10000x128xf32, #tpu.memory_space<vmem_shared>>
    tpu.wait_indirect_dma semaphore(%arg19 : memref<!tpu.dma_semaphore, #tpu.memory_space<semaphore_mem>>) src(%dma_wait3A_112 : memref<80x128xf32, #tpu.memory_space<vmem>>) dst(%dma_wait3A_118 : memref<10000x128xf32, #tpu.memory_space<vmem_shared>>)
    %barrier3A_119 = arith.constant 0 : index
    tpu.barrier barrier_id(%barrier3A_119)
    %while3A_120 = arith.constant 0 : i32
    %while3A_121 = arith.constant 0 : i32
    %while3A_122 = arith.subi %select_n3A, %while3A_121 : i32
    %while3A_123 = arith.addi %while3A_121, %while3A_122 : i32
    %while3A_124 = arith.constant 1 : i32
    %while3A_125 = arith.divsi %while3A_122, %while3A_124 : i32
    %while3A_126 = arith.muli %while3A_125, %while3A_124 : i32
    %while3A_127 = arith.addi %while3A_121, %while3A_126 : i32
    %while3A_128 = arith.constant 1 : i32
    scf.for %while3A_130 = %while3A_121 to %while3A_127 step %while3A_128  : i32 {
      %mul3A_131 = arith.constant 16 : i32
      %mul3A_132 = arith.muli %while3A_130, %mul3A_131 : i32
      %add3A_133 = arith.addi %arg1, %mul3A_132 : i32
      %mul3A_134 = arith.constant 80 : i32
      %mul3A_135 = arith.muli %add3A_133, %mul3A_134 : i32
      "tpu.region"() ({
        %run_scoped3A_136 = tpu.sem_alloc : memref<!tpu.dma_semaphore, #tpu.memory_space<semaphore_mem>>
        %dma_start3A_137 = arith.constant 0 : i32
        %dma_start3A_138 = tpu.memref_slice %arg6[%arg0, %mul3A_135, %dma_start3A_137] : memref<2x10000x128xf32, #tpu.memory_space<hbm>> -> memref<1x80x128xf32, #tpu.memory_space<hbm>>
        %dma_start3A_139 = tpu.memref_squeeze %dma_start3A_138 : memref<1x80x128xf32, #tpu.memory_space<hbm>> -> memref<80x128xf32, #tpu.memory_space<hbm>>
        %dma_start3A_140 = arith.constant 0 : i32
        %dma_start3A_141 = tpu.memref_slice %arg11[%mul3A_135, %dma_start3A_140] : memref<10000x128xf32, #tpu.memory_space<vmem_shared>> -> memref<80x128xf32, #tpu.memory_space<vmem_shared>>
        tpu.enqueue_dma source(%dma_start3A_141 : memref<80x128xf32, #tpu.memory_space<vmem_shared>>) target(%dma_start3A_139 : memref<80x128xf32, #tpu.memory_space<hbm>>) target_semaphore(%run_scoped3A_136 : memref<!tpu.dma_semaphore, #tpu.memory_space<semaphore_mem>>)
        %dma_wait3A_142 = arith.constant 0 : i32
        %dma_wait3A_143 = tpu.memref_slice %arg6[%arg0, %mul3A_135, %dma_wait3A_142] : memref<2x10000x128xf32, #tpu.memory_space<hbm>> -> memref<1x80x128xf32, #tpu.memory_space<hbm>>
        %dma_wait3A_144 = tpu.memref_squeeze %dma_wait3A_143 : memref<1x80x128xf32, #tpu.memory_space<hbm>> -> memref<80x128xf32, #tpu.memory_space<hbm>>
        %dma_wait3A_145 = arith.constant 0 : i32
        %dma_wait3A_146 = tpu.memref_slice %arg11[%mul3A_135, %dma_wait3A_145] : memref<10000x128xf32, #tpu.memory_space<vmem_shared>> -> memref<80x128xf32, #tpu.memory_space<vmem_shared>>
        tpu.wait_dma2 semaphore(%run_scoped3A_136 : memref<!tpu.dma_semaphore, #tpu.memory_space<semaphore_mem>>) src(%dma_wait3A_146 : memref<80x128xf32, #tpu.memory_space<vmem_shared>>) dst(%dma_wait3A_144 : memref<80x128xf32, #tpu.memory_space<hbm>>)
        tpu.yield
      }) : () -> ()
    }
    %while3A_129 = arith.constant 1 : i32
    scf.for %while3A_130 = %while3A_127 to %while3A_123 step %while3A_129  : i32 {
      %mul3A_131 = arith.constant 16 : i32
      %mul3A_132 = arith.muli %while3A_130, %mul3A_131 : i32
      %add3A_133 = arith.addi %arg1, %mul3A_132 : i32
      %mul3A_134 = arith.constant 80 : i32
      %mul3A_135 = arith.muli %add3A_133, %mul3A_134 : i32
      "tpu.region"() ({
        %run_scoped3A_136 = tpu.sem_alloc : memref<!tpu.dma_semaphore, #tpu.memory_space<semaphore_mem>>
        %dma_start3A_137 = arith.constant 0 : i32
        %dma_start3A_138 = tpu.memref_slice %arg6[%arg0, %mul3A_135, %dma_start3A_137] : memref<2x10000x128xf32, #tpu.memory_space<hbm>> -> memref<1x80x128xf32, #tpu.memory_space<hbm>>
        %dma_start3A_139 = tpu.memref_squeeze %dma_start3A_138 : memref<1x80x128xf32, #tpu.memory_space<hbm>> -> memref<80x128xf32, #tpu.memory_space<hbm>>
        %dma_start3A_140 = arith.constant 0 : i32
        %dma_start3A_141 = tpu.memref_slice %arg11[%mul3A_135, %dma_start3A_140] : memref<10000x128xf32, #tpu.memory_space<vmem_shared>> -> memref<80x128xf32, #tpu.memory_space<vmem_shared>>
        tpu.enqueue_dma source(%dma_start3A_141 : memref<80x128xf32, #tpu.memory_space<vmem_shared>>) target(%dma_start3A_139 : memref<80x128xf32, #tpu.memory_space<hbm>>) target_semaphore(%run_scoped3A_136 : memref<!tpu.dma_semaphore, #tpu.memory_space<semaphore_mem>>)
        %dma_wait3A_142 = arith.constant 0 : i32
        %dma_wait3A_143 = tpu.memref_slice %arg6[%arg0, %mul3A_135, %dma_wait3A_142] : memref<2x10000x128xf32, #tpu.memory_space<hbm>> -> memref<1x80x128xf32, #tpu.memory_space<hbm>>
        %dma_wait3A_144 = tpu.memref_squeeze %dma_wait3A_143 : memref<1x80x128xf32, #tpu.memory_space<hbm>> -> memref<80x128xf32, #tpu.memory_space<hbm>>
        %dma_wait3A_145 = arith.constant 0 : i32
        %dma_wait3A_146 = tpu.memref_slice %arg11[%mul3A_135, %dma_wait3A_145] : memref<10000x128xf32, #tpu.memory_space<vmem_shared>> -> memref<80x128xf32, #tpu.memory_space<vmem_shared>>
        tpu.wait_dma2 semaphore(%run_scoped3A_136 : memref<!tpu.dma_semaphore, #tpu.memory_space<semaphore_mem>>) src(%dma_wait3A_146 : memref<80x128xf32, #tpu.memory_space<vmem_shared>>) dst(%dma_wait3A_144 : memref<80x128xf32, #tpu.memory_space<hbm>>)
        tpu.yield
      }) : () -> ()
    }
    return
  }
}

module attributes {stable_mosaic.version = 14 : i64} {
  func.func @body(%arg0: i32, %arg1: memref<1280x16xf32, #tpu.memory_space<vmem>>, %arg2: memref<16x128xf32, #tpu.memory_space<vmem>>, %arg3: memref<1x128xf32, #tpu.memory_space<vmem>>, %arg4: memref<1280x128xf32, #tpu.memory_space<vmem>>) attributes {dimension_semantics = [#tpu.dimension_semantics<arbitrary>], iteration_bounds = array<i64: 500>, scalar_prefetch = 0 : i64, scratch_operands = 0 : i64, tpu.core_type = #tpu.core_type<tc>, window_params = [{transform_indices = @transform_0, window_bounds = array<i64: 1280, 16>}, {pipeline_mode = #tpu.pipeline_mode<synchronous>, transform_indices = @transform_1, window_bounds = array<i64: 16, 128>}, {pipeline_mode = #tpu.pipeline_mode<synchronous>, transform_indices = @transform_2, window_bounds = array<i64: 1, 128>}, {transform_indices = @transform_3, window_bounds = array<i64: 1280, 128>}]} {
    %get3A = arith.constant 0 : index
    %get3A_0 = arith.constant 0 : index
    %get3A_1 = vector.load %arg1[%get3A, %get3A_0] : memref<1280x16xf32, #tpu.memory_space<vmem>>, vector<1280x16xf32>
    %get3A_2 = arith.constant 0 : index
    %get3A_3 = arith.constant 0 : index
    %get3A_4 = vector.load %arg2[%get3A_2, %get3A_3] : memref<16x128xf32, #tpu.memory_space<vmem>>, vector<16x128xf32>
    %dot_general3A = arith.constant dense<0.000000e+00> : vector<1280x128xf32>
    %dot_general3A_5 = tpu.matmul %get3A_1, %get3A_4, %dot_general3A {dimension_numbers = #tpu.dot_dimension_numbers<[1], [0], [0], [1], [0, 0, 1, 1], [], []>, transpose_lhs_hint = false} : vector<1280x16xf32>, vector<16x128xf32>, vector<1280x128xf32> -> vector<1280x128xf32>
    %get3A_6 = arith.constant 0 : index
    %get3A_7 = arith.constant 0 : index
    %get3A_8 = vector.load %arg3[%get3A_6, %get3A_7] : memref<1x128xf32, #tpu.memory_space<vmem>>, vector<1x128xf32>
    %add3A = vector.broadcast %get3A_8 : vector<1x128xf32> to vector<1280x128xf32>
    %add3A_9 = arith.addf %dot_general3A_5, %add3A : vector<1280x128xf32>
    %swap3A = arith.constant 0 : index
    %swap3A_10 = arith.constant 0 : index
    %swap3A_11 = vector.load %arg4[%swap3A, %swap3A_10] : memref<1280x128xf32, #tpu.memory_space<vmem>>, vector<1280x128xf32>
    tpu.vector_store %arg4[%swap3A, %swap3A_10], %add3A_9 {strides = array<i32>} : memref<1280x128xf32, #tpu.memory_space<vmem>>, vector<1280x128xf32>,
    return
  }
  func.func @transform_0(%arg0: i32) -> (i32, i32) {
    %c0_i32 = arith.constant 0 : i32
    %c0_i32_0 = arith.constant 0 : i32
    return %arg0, %c0_i32 : i32, i32
  }
  func.func @transform_1(%arg0: i32) -> (i32, i32) {
    %c0_i32 = arith.constant 0 : i32
    %c0_i32_0 = arith.constant 0 : i32
    %c0_i32_1 = arith.constant 0 : i32
    return %c0_i32, %c0_i32_0 : i32, i32
  }
  func.func @transform_2(%arg0: i32) -> (i32, i32) {
    %c0_i32 = arith.constant 0 : i32
    %c0_i32_0 = arith.constant 0 : i32
    %c0_i32_1 = arith.constant 0 : i32
    return %c0_i32, %c0_i32_0 : i32, i32
  }
  func.func @transform_3(%arg0: i32) -> (i32, i32) {
    %c0_i32 = arith.constant 0 : i32
    %c0_i32_0 = arith.constant 0 : i32
    return %arg0, %c0_i32 : i32, i32
  }
}

module attributes {stable_mosaic.version = 14 : i64} {
  func.func @body(%arg0: i32, %arg1: memref<1000x128xf32, #tpu.memory_space<vmem>>, %arg2: memref<1000x128xf32, #tpu.memory_space<vmem>>, %arg3: memref<1000x128xf32, #tpu.memory_space<vmem>>, %arg4: memref<128x128xf32, #tpu.memory_space<vmem>>, %arg5: memref<1x128xf32, #tpu.memory_space<vmem>>, %arg6: memref<1x1xf32, #tpu.memory_space<vmem>>, %arg7: memref<1000x128xf32, #tpu.memory_space<vmem>>) attributes {dimension_semantics = [#tpu.dimension_semantics<arbitrary>], iteration_bounds = array<i64: 20>, scalar_prefetch = 0 : i64, scratch_operands = 0 : i64, tpu.core_type = #tpu.core_type<tc>, window_params = [{transform_indices = @transform_0, window_bounds = array<i64: 1000, 128>}, {transform_indices = @transform_1, window_bounds = array<i64: 1000, 128>}, {transform_indices = @transform_2, window_bounds = array<i64: 1000, 128>}, {pipeline_mode = #tpu.pipeline_mode<synchronous>, transform_indices = @transform_3, window_bounds = array<i64: 128, 128>}, {pipeline_mode = #tpu.pipeline_mode<synchronous>, transform_indices = @transform_4, window_bounds = array<i64: 1, 128>}, {pipeline_mode = #tpu.pipeline_mode<synchronous>, transform_indices = @transform_5, window_bounds = array<i64: 1, 1>}, {transform_indices = @transform_6, window_bounds = array<i64: 1000, 128>}]} {
    %lt3A = arith.constant 10 : i32
    %lt3A_0 = arith.cmpi slt, %arg0, %lt3A : i32
    %get3A = arith.constant 0 : index
    %get3A_1 = arith.constant 0 : index
    %get3A_2 = vector.load %arg1[%get3A, %get3A_1] : memref<1000x128xf32, #tpu.memory_space<vmem>>, vector<1000x128xf32>
    %get3A_3 = arith.constant 0 : index
    %get3A_4 = arith.constant 0 : index
    %get3A_5 = vector.load %arg2[%get3A_3, %get3A_4] : memref<1000x128xf32, #tpu.memory_space<vmem>>, vector<1000x128xf32>
    %select_n3A = arith.select %lt3A_0, %get3A_2, %get3A_5 : vector<1000x128xf32>
    %get3A_6 = arith.constant 0 : index
    %get3A_7 = arith.constant 0 : index
    %get3A_8 = vector.load %arg6[%get3A_6, %get3A_7] : memref<1x1xf32, #tpu.memory_space<vmem>>, vector<1x1xf32>
    %get3A_9 = vector.extract %get3A_8[0, 0] : f32 from vector<1x1xf32>
    %add3A = arith.constant 1.000000e+00 : f32
    %add3A_10 = arith.addf %add3A, %get3A_9 : f32
    %mul3A = vector.broadcast %add3A_10 : f32 to vector<1000x128xf32>
    %mul3A_11 = arith.mulf %mul3A, %select_n3A : vector<1000x128xf32>
    %get3A_12 = arith.constant 0 : index
    %get3A_13 = arith.constant 0 : index
    %get3A_14 = vector.load %arg3[%get3A_12, %get3A_13] : memref<1000x128xf32, #tpu.memory_space<vmem>>, vector<1000x128xf32>
    %add3A_15 = arith.addf %mul3A_11, %get3A_14 : vector<1000x128xf32>
    %get3A_16 = arith.constant 0 : index
    %get3A_17 = arith.constant 0 : index
    %get3A_18 = vector.load %arg4[%get3A_16, %get3A_17] : memref<128x128xf32, #tpu.memory_space<vmem>>, vector<128x128xf32>
    %dot_general3A = arith.constant dense<0.000000e+00> : vector<1000x128xf32>
    %dot_general3A_19 = tpu.matmul %add3A_15, %get3A_18, %dot_general3A {dimension_numbers = #tpu.dot_dimension_numbers<[1], [0], [0], [1], [0, 0, 1, 1], [], []>, transpose_lhs_hint = false} : vector<1000x128xf32>, vector<128x128xf32>, vector<1000x128xf32> -> vector<1000x128xf32>
    %get3A_20 = arith.constant 0 : index
    %get3A_21 = arith.constant 0 : index
    %get3A_22 = vector.load %arg5[%get3A_20, %get3A_21] : memref<1x128xf32, #tpu.memory_space<vmem>>, vector<1x128xf32>
    %add3A_23 = vector.broadcast %get3A_22 : vector<1x128xf32> to vector<1000x128xf32>
    %add3A_24 = arith.addf %dot_general3A_19, %add3A_23 : vector<1000x128xf32>
    %max3A = arith.constant 0.000000e+00 : f32
    %max3A_25 = vector.broadcast %max3A : f32 to vector<1000x128xf32>
    %max3A_26 = arith.maximumf %add3A_24, %max3A_25 : vector<1000x128xf32>
    %swap3A = arith.constant 0 : index
    %swap3A_27 = arith.constant 0 : index
    %swap3A_28 = vector.load %arg7[%swap3A, %swap3A_27] : memref<1000x128xf32, #tpu.memory_space<vmem>>, vector<1000x128xf32>
    tpu.vector_store %arg7[%swap3A, %swap3A_27], %max3A_26 {strides = array<i32>} : memref<1000x128xf32, #tpu.memory_space<vmem>>, vector<1000x128xf32>,
    return
  }
  func.func @transform_0(%arg0: i32) -> (i32, i32) {
    %min3A = arith.constant 9 : i32
    %min3A_0 = arith.minsi %arg0, %min3A : i32
    %c0_i32 = arith.constant 0 : i32
    %c0_i32_1 = arith.constant 0 : i32
    return %min3A_0, %c0_i32 : i32, i32
  }
  func.func @transform_1(%arg0: i32) -> (i32, i32) {
    %sub3A = arith.constant 10 : i32
    %sub3A_0 = arith.subi %arg0, %sub3A : i32
    %max3A = arith.constant 0 : i32
    %max3A_1 = arith.maxsi %sub3A_0, %max3A : i32
    %c0_i32 = arith.constant 0 : i32
    %c0_i32_2 = arith.constant 0 : i32
    return %max3A_1, %c0_i32 : i32, i32
  }
  func.func @transform_2(%arg0: i32) -> (i32, i32) {
    %c0_i32 = arith.constant 0 : i32
    %c0_i32_0 = arith.constant 0 : i32
    return %arg0, %c0_i32 : i32, i32
  }
  func.func @transform_3(%arg0: i32) -> (i32, i32) {
    %c0_i32 = arith.constant 0 : i32
    %c0_i32_0 = arith.constant 0 : i32
    %c0_i32_1 = arith.constant 0 : i32
    return %c0_i32, %c0_i32_0 : i32, i32
  }
  func.func @transform_4(%arg0: i32) -> (i32, i32) {
    %c0_i32 = arith.constant 0 : i32
    %c0_i32_0 = arith.constant 0 : i32
    %c0_i32_1 = arith.constant 0 : i32
    return %c0_i32, %c0_i32_0 : i32, i32
  }
  func.func @transform_5(%arg0: i32) -> (i32, i32) {
    %c0_i32 = arith.constant 0 : i32
    %c0_i32_0 = arith.constant 0 : i32
    %c0_i32_1 = arith.constant 0 : i32
    return %c0_i32, %c0_i32_0 : i32, i32
  }
  func.func @transform_6(%arg0: i32) -> (i32, i32) {
    %c0_i32 = arith.constant 0 : i32
    %c0_i32_0 = arith.constant 0 : i32
    return %arg0, %c0_i32 : i32, i32
  }
}

module attributes {stable_mosaic.version = 14 : i64} {
  func.func @body(%arg0: i32, %arg1: memref<1000x128xf32, #tpu.memory_space<vmem>>, %arg2: memref<1000x128xf32, #tpu.memory_space<vmem>>, %arg3: memref<1000x128xf32, #tpu.memory_space<vmem>>, %arg4: memref<128x128xf32, #tpu.memory_space<vmem>>, %arg5: memref<1x128xf32, #tpu.memory_space<vmem>>, %arg6: memref<1x1xf32, #tpu.memory_space<vmem>>, %arg7: memref<1000x128xf32, #tpu.memory_space<vmem>>) attributes {dimension_semantics = [#tpu.dimension_semantics<arbitrary>], iteration_bounds = array<i64: 20>, scalar_prefetch = 0 : i64, scratch_operands = 0 : i64, tpu.core_type = #tpu.core_type<tc>, window_params = [{transform_indices = @transform_0, window_bounds = array<i64: 1000, 128>}, {transform_indices = @transform_1, window_bounds = array<i64: 1000, 128>}, {transform_indices = @transform_2, window_bounds = array<i64: 1000, 128>}, {pipeline_mode = #tpu.pipeline_mode<synchronous>, transform_indices = @transform_3, window_bounds = array<i64: 128, 128>}, {pipeline_mode = #tpu.pipeline_mode<synchronous>, transform_indices = @transform_4, window_bounds = array<i64: 1, 128>}, {pipeline_mode = #tpu.pipeline_mode<synchronous>, transform_indices = @transform_5, window_bounds = array<i64: 1, 1>}, {transform_indices = @transform_6, window_bounds = array<i64: 1000, 128>}]} {
    %lt3A = arith.constant 10 : i32
    %lt3A_0 = arith.cmpi slt, %arg0, %lt3A : i32
    %get3A = arith.constant 0 : index
    %get3A_1 = arith.constant 0 : index
    %get3A_2 = vector.load %arg1[%get3A, %get3A_1] : memref<1000x128xf32, #tpu.memory_space<vmem>>, vector<1000x128xf32>
    %get3A_3 = arith.constant 0 : index
    %get3A_4 = arith.constant 0 : index
    %get3A_5 = vector.load %arg2[%get3A_3, %get3A_4] : memref<1000x128xf32, #tpu.memory_space<vmem>>, vector<1000x128xf32>
    %select_n3A = arith.select %lt3A_0, %get3A_2, %get3A_5 : vector<1000x128xf32>
    %get3A_6 = arith.constant 0 : index
    %get3A_7 = arith.constant 0 : index
    %get3A_8 = vector.load %arg6[%get3A_6, %get3A_7] : memref<1x1xf32, #tpu.memory_space<vmem>>, vector<1x1xf32>
    %get3A_9 = vector.extract %get3A_8[0, 0] : f32 from vector<1x1xf32>
    %add3A = arith.constant 1.000000e+00 : f32
    %add3A_10 = arith.addf %add3A, %get3A_9 : f32
    %mul3A = vector.broadcast %add3A_10 : f32 to vector<1000x128xf32>
    %mul3A_11 = arith.mulf %mul3A, %select_n3A : vector<1000x128xf32>
    %get3A_12 = arith.constant 0 : index
    %get3A_13 = arith.constant 0 : index
    %get3A_14 = vector.load %arg3[%get3A_12, %get3A_13] : memref<1000x128xf32, #tpu.memory_space<vmem>>, vector<1000x128xf32>
    %add3A_15 = arith.addf %mul3A_11, %get3A_14 : vector<1000x128xf32>
    %get3A_16 = arith.constant 0 : index
    %get3A_17 = arith.constant 0 : index
    %get3A_18 = vector.load %arg4[%get3A_16, %get3A_17] : memref<128x128xf32, #tpu.memory_space<vmem>>, vector<128x128xf32>
    %dot_general3A = arith.constant dense<0.000000e+00> : vector<1000x128xf32>
    %dot_general3A_19 = tpu.matmul %add3A_15, %get3A_18, %dot_general3A {dimension_numbers = #tpu.dot_dimension_numbers<[1], [0], [0], [1], [0, 0, 1, 1], [], []>, transpose_lhs_hint = false} : vector<1000x128xf32>, vector<128x128xf32>, vector<1000x128xf32> -> vector<1000x128xf32>
    %get3A_20 = arith.constant 0 : index
    %get3A_21 = arith.constant 0 : index
    %get3A_22 = vector.load %arg5[%get3A_20, %get3A_21] : memref<1x128xf32, #tpu.memory_space<vmem>>, vector<1x128xf32>
    %add3A_23 = vector.broadcast %get3A_22 : vector<1x128xf32> to vector<1000x128xf32>
    %add3A_24 = arith.addf %dot_general3A_19, %add3A_23 : vector<1000x128xf32>
    %swap3A = arith.constant 0 : index
    %swap3A_25 = arith.constant 0 : index
    %swap3A_26 = vector.load %arg7[%swap3A, %swap3A_25] : memref<1000x128xf32, #tpu.memory_space<vmem>>, vector<1000x128xf32>
    tpu.vector_store %arg7[%swap3A, %swap3A_25], %add3A_24 {strides = array<i32>} : memref<1000x128xf32, #tpu.memory_space<vmem>>, vector<1000x128xf32>,
    return
  }
  func.func @transform_0(%arg0: i32) -> (i32, i32) {
    %min3A = arith.constant 9 : i32
    %min3A_0 = arith.minsi %arg0, %min3A : i32
    %c0_i32 = arith.constant 0 : i32
    %c0_i32_1 = arith.constant 0 : i32
    return %min3A_0, %c0_i32 : i32, i32
  }
  func.func @transform_1(%arg0: i32) -> (i32, i32) {
    %sub3A = arith.constant 10 : i32
    %sub3A_0 = arith.subi %arg0, %sub3A : i32
    %max3A = arith.constant 0 : i32
    %max3A_1 = arith.maxsi %sub3A_0, %max3A : i32
    %c0_i32 = arith.constant 0 : i32
    %c0_i32_2 = arith.constant 0 : i32
    return %max3A_1, %c0_i32 : i32, i32
  }
  func.func @transform_2(%arg0: i32) -> (i32, i32) {
    %c0_i32 = arith.constant 0 : i32
    %c0_i32_0 = arith.constant 0 : i32
    return %arg0, %c0_i32 : i32, i32
  }
  func.func @transform_3(%arg0: i32) -> (i32, i32) {
    %c0_i32 = arith.constant 0 : i32
    %c0_i32_0 = arith.constant 0 : i32
    %c0_i32_1 = arith.constant 0 : i32
    return %c0_i32, %c0_i32_0 : i32, i32
  }
  func.func @transform_4(%arg0: i32) -> (i32, i32) {
    %c0_i32 = arith.constant 0 : i32
    %c0_i32_0 = arith.constant 0 : i32
    %c0_i32_1 = arith.constant 0 : i32
    return %c0_i32, %c0_i32_0 : i32, i32
  }
  func.func @transform_5(%arg0: i32) -> (i32, i32) {
    %c0_i32 = arith.constant 0 : i32
    %c0_i32_0 = arith.constant 0 : i32
    %c0_i32_1 = arith.constant 0 : i32
    return %c0_i32, %c0_i32_0 : i32, i32
  }
  func.func @transform_6(%arg0: i32) -> (i32, i32) {
    %c0_i32 = arith.constant 0 : i32
    %c0_i32_0 = arith.constant 0 : i32
    return %arg0, %c0_i32 : i32, i32
  }
}

</mosaic_0001>

<sc_bundles>
// kernel: kernel.10.cloned.1.call-start
scs
__scs_entry_jumppad:
0x0: {  	(pc) =	sbr.rel $0x88, $3  }
0x1: {  	(tag) =	ssettag $0x0;
	lr =	simm.s32 $0x1  }
0x2: {  	[smem:$0x3F96] =	sst lr;
	_ =	strace $0xD0000000  }
0x3: {  	_ = 	snop  }
0x4: {  	_ = 	snop  }
0x5: {  	_ = 	snop  }
0x6: {  	_ = 	snop  }
0x7: {  	_ = 	snop  }
__scs_overlays_trampoline_lowered:
0x8: {  	[smem:$0x3FA5] =	sst s0  }
0x9: {  	[smem:$0x3FA6] =	sst s1  }
0xa: {  	[smem:$0x3FA7] =	sst s2  }
0xb: {  	[smem:$0x3FA8] =	sst s3  }
0xc: {  	[smem:$0x3FA9] =	sst s4  }
0xd: {  	[smem:$0x3FAA] =	sst s5  }
0xe: {  	[smem:$0x3FAB] =	sst s6  }
0xf: {  	[smem:$0x3FAC] =	sst s7  }
0x10: {  	[smem:$0x3FAD] =	sst s8  }
0x11: {  	[smem:$0x3FAE] =	sst s9;
	s0 =	simm.s32 @!p0 $0x0  }
0x12: {  	s1 =	sld [smem:$0x3F94];
	s0 =	simm.s32 @p0 $0x1  }
0x13: {  	[smem:$0x3FAF] =	sst s0;
	s0 =	simm.s32 @!p1 $0x0  }
0x14: {  	s2 =	sld [smem:$0x3F93];
	s0 =	simm.s32 @p1 $0x1  }
0x15: {  	[smem:$0x3FB0] =	sst s0;
	s0 =	simm.s32 @!p2 $0x0  }
0x16: {  	s3 =	sld [smem:$0x3FDB];
	s0 =	simm.s32 @p2 $0x1  }
0x17: {  	s4 =	simm.s32 $0x1BF5;
	[smem:$0x3FB2] =	sst s0  }
0x18: {  	s0 =	sld [smem:$0x3F95];
	_ =	swait.ge [sflag:s4], $0x0  }
0x19: {  	s7 =	sld [smem:$0x3F96]  }
0x1a: {  	s8 =	sadd.s32 $0xFFFFE003, lr  }
0x1b: {  	s9 =	sadd.s32 $0xFFFFFEF7, lr;
	s5 =	simm.s32 $0xFFFFFFFF;
	p2 =	slt.u32 s8, $0xFFFFF086  }
0x1c: {  	p1 =	slt.u32 s9, $0xF7A;
	s5 =	simm.s32 @!p2 $0x0  }
0x1d: {  	s5 =	simm.s32 @p1 $0x1;
	p0 =	seq.s32 s7, s2  }
0x1e: {  	s7 =	smul.u32 @!p0 $0xF7A, s2;
	p2 =	seq.s32 @!p0 s5, $0x0  }
0x1f: {  	s9 =	smul.u32 $0xF7A, s1;
	s8 =	simm.s32 @!p0 $0x1BF5;
	p2 =	por !p2, p0  }
0x20: {  	[sflag:s8] =	ssyncset.s32 @!p0 $0xFFFFF086;
	s6 =	sadd.s32 @!p0 s3, s7;
	s7 =	simm.s32 @!p0 $0x108  }
0x21: {  	s3 =	sadd.s32 s3, s9;
	s6 =	sadd.s32 @!p0 $0x88, s6;
	s7 =	simm.s32 @p2 $0x1082  }
0x22: {  	[simem:s7], [sflag:s8] =	dma.local @!p0 [hbm:s6], $0xF7A  }
0x23: {  	s9 =	sor.u32 $0xD0000000, s2;
	s6 =	simm.s32 $0x108;
	_ =	swait.ge @!p0 [sflag:s8], $0x0  }
0x24: {  	s3 =	sadd.s32 $0x88, s3;
	s6 =	simm.s32 @!p1 $0x1082;
	[sflag:s4] =	ssyncset.s32 $0xFFFFF086  }
0x25: {  	[simem:s6], [sflag:s4] =	dma.local [hbm:s3], $0xF7A  }
0x26: {  	[smem:$0x3F96] =	sst s1;
	(tag) =	ssettag s2;
	_ =	strace s9  }
0x27: {  	s1 =	sld [smem:$0x3FA6]  }
0x28: {  	s2 =	sld [smem:$0x3FA7]  }
0x29: {  	s4 =	sld [smem:$0x3FA9]  }
0x2a: {  	p0 =	seq.s32 s5, $0x0;
	s5 =	sld [smem:$0x3FAA]  }
0x2b: {  	s6 =	sld [smem:$0x3FAB]  }
0x2c: {  	s7 =	sld [smem:$0x3FAC]  }
0x2d: {  	s3 =	simm.s32 $0x108;
	s8 =	sld [smem:$0x3FAD]  }
0x2e: {  	s3 =	simm.s32 @!p0 $0x1082;
	s9 =	sld [smem:$0x3FAE]  }
0x2f: {  	lr =	sadd.s32 s0, s3;
	s0 =	sld [smem:$0x3FA5]  }
0x30: {  	s3 =	sld [smem:$0x3FA8]  }
0x31: {  	[smem:$0x3FB1] =	sst s10  }
0x32: {  	s10 =	sld [smem:$0x3FAF];
	_ =	sdelay $0x3  }
0x33: {  	p0 =	seq.s32 s10, $0x1;
	s10 =	sld [smem:$0x3FB1];
	_ =	sdelay $0x3  }
0x34: {  	[smem:$0x3FB1] =	sst s10  }
0x35: {  	s10 =	sld [smem:$0x3FB0];
	_ =	sdelay $0x3  }
0x36: {  	p1 =	seq.s32 s10, $0x1;
	s10 =	sld [smem:$0x3FB1];
	_ =	sdelay $0x3  }
0x37: {  	[smem:$0x3FB1] =	sst s10  }
0x38: {  	s10 =	sld [smem:$0x3FB2]  }
0x39: {  	_ = 	snop;
	(pc) =	sbr.ind lr, $3  }
0x3a: {  	_ = 	snop  }
0x3b: {  	_ = 	snop  }
0x3c: {  	p2 =	seq.s32 s10, $0x1;
	s10 =	sld [smem:$0x3FB1]  }
0x3d: {  	_ =	shalt  }
0x3e: {  	_ =	shalt  }
0x3f: {  	_ =	shalt  }
0x40: {  	_ =	shalt  }
0x41: {  	_ =	shalt  }
0x42: {  	_ =	shalt  }
0x43: {  	_ =	shalt  }
0x44: {  	_ =	shalt  }
0x45: {  	_ =	shalt  }
0x46: {  	_ =	shalt  }
0x47: {  	_ =	shalt  }
0x48: {  	_ =	shalt  }
0x49: {  	_ =	shalt  }
0x4a: {  	_ =	shalt  }
0x4b: {  	_ =	shalt  }
0x4c: {  	_ =	shalt  }
0x4d: {  	_ =	shalt  }
0x4e: {  	_ =	shalt  }
0x4f: {  	_ =	shalt  }
0x50: {  	_ =	shalt  }
0x51: {  	_ =	shalt  }
0x52: {  	_ =	shalt  }
0x53: {  	_ =	shalt  }
0x54: {  	_ =	shalt  }
0x55: {  	_ =	shalt  }
0x56: {  	_ =	shalt  }
0x57: {  	_ =	shalt  }
0x58: {  	_ =	shalt  }
0x59: {  	_ =	shalt  }
0x5a: {  	_ =	shalt  }
0x5b: {  	_ =	shalt  }
0x5c: {  	_ =	shalt  }
0x5d: {  	_ =	shalt  }
0x5e: {  	_ =	shalt  }
0x5f: {  	_ =	shalt  }
0x60: {  	_ =	shalt  }
0x61: {  	_ =	shalt  }
0x62: {  	_ =	shalt  }
0x63: {  	_ =	shalt  }
0x64: {  	_ =	shalt  }
0x65: {  	_ =	shalt  }
0x66: {  	_ =	shalt  }
0x67: {  	_ =	shalt  }
0x68: {  	_ =	shalt  }
0x69: {  	_ =	shalt  }
0x6a: {  	_ =	shalt  }
0x6b: {  	_ =	shalt  }
0x6c: {  	_ =	shalt  }
0x6d: {  	_ =	shalt  }
0x6e: {  	_ =	shalt  }
0x6f: {  	_ =	shalt  }
0x70: {  	_ =	shalt  }
0x71: {  	_ =	shalt  }
0x72: {  	_ =	shalt  }
0x73: {  	_ =	shalt  }
0x74: {  	_ =	shalt  }
0x75: {  	_ =	shalt  }
0x76: {  	_ =	shalt  }
0x77: {  	_ =	shalt  }
0x78: {  	_ =	shalt  }
0x79: {  	_ =	shalt  }
0x7a: {  	_ =	shalt  }
0x7b: {  	_ =	shalt  }
0x7c: {  	_ =	shalt  }
0x7d: {  	_ =	shalt  }
0x7e: {  	_ =	shalt  }
0x7f: {  	_ =	shalt  }
0x80: {  	_ =	shalt  }
0x81: {  	_ =	shalt  }
0x82: {  	_ =	shalt  }
0x83: {  	_ =	shalt  }
0x84: {  	_ =	shalt  }
0x85: {  	_ =	shalt  }
0x86: {  	_ =	shalt  }
0x87: {  	_ =	shalt  }
.Lfunc_end0:
.L_simem_size_0:
called_computation.1_lowered:
.L_overlay_start_0:
0x88: {  	s2 =	sld [smem:$0x3FD9]  }
0x89: {  	s3 =	sld [smem:$0x3FFE];
	_ =	sdelay $0x1  }
0x8a: {  	s1 =	srdreg.scid  }
0x8b: {  	s0 =	sand.u32 $0x1, s1  }
0x8c: {  	s16 =	sshll.u32 s0, $0xA;
	s2 =	sadd.s32 s3, s2  }
0x8d: {  	s2 =	sadd.s32 s2, s16  }
0x8e: {  	[smem:$0x3FBD] =	sst s2  }
0x8f: {  	_ = 	snop  }
0x90: {  	(tm) =	ssettm $0x1  }
0x91: {  	s17 =	sld [smem:$0x3FFB];
	_ =	sdelay $0x3  }
0x92: {  	_ =	strace s17  }
0x93: {  	s2 =	sld [smem:$0x3FFC];
	_ =	sdelay $0x3  }
0x94: {  	_ =	strace s2  }
0x95: {  	s2 =	sld [smem:$0x3FFD];
	_ =	sdelay $0x3  }
0x96: {  	_ =	strace s2  }
0x97: {  	_ =	strace $0x8FFFFFFF  }
0x98: {  	s18 =	sld [smem:$0x3FDB];
	_ =	sdelay $0x1  }
0x99: {  	s19 =	simm.s32 $_scs_section_size  }
0x9a: {  	s4 =	simm.s32 $_size__tile_overlayer_lowered;
	s5 =	simm.s32 $_tile_overlayer_lowered  }
0x9b: {  	s22 =	simm.s32 $0x1BFF;
	s21 =	sshll.u32 s5, $0x1;
	s2 =	sadd.s32 s19, s18  }
0x9c: {  	s6 =	simm.s32 $0x0;
	s20 =	sshll.u32 s4, $0x1;
	s4 =	sadd.s32 s21, s2  }
0x9d: {  	[timem:s6], [sflag:s22] =	dma.local [hbm:s4], s20  }
0x9e: {  	_ =	swait.ge [sflag:s22], s20  }
0x9f: {  	s3 =	ssub.s32 $0x0, s20;
	[sflag:s22] =	ssyncset.done $0x0  }
0xa0: {  	[sflag:s22] =	ssyncadd.s32 s3;
	_ =	sdelay $0x1  }
0xa1: {  	s23 =	simm.s32 $0x1B8B  }
0xa2: {  	_ =	swait.ge [sflag:s23], $0x1  }
0xa3: {  	[sflag:s23] =	ssyncset.done $0x0  }
0xa4: {  	s25 =	simm.s32 $0x1B8E;
	s24 =	sld [smem:$0x3FFE];
	[sflag:s23] =	ssyncadd.s32 $0xFFFFFFFF  }
0xa5: {  	s26 =	simm.s32 $execute0_lowered;
	[smem:$0x3FD2] =	sst s25  }
0xa6: {  	s4 =	sshll.u32 s26, $0x1;
	_ =	strace $0x80000049;
	[dreg:$0x1] =	wrdreg $0xFFFFFFFF  }
0xa7: {  	s28 =	simm.s32 $_size_execute0_lowered;
	s2 =	sadd.s32 s2, s4;
	[dreg:$0x0] =	wrdreg $0x0  }
0xa8: {  	s4 =	sshll.u32 s28, $0x1;
	[dreg:$0x2] =	wrdreg s2  }
0xa9: {  	[dreg:$0x3] =	wrdreg s4  }
0xaa: {  	[dreg:$0x4] =	wrdreg $0xC0  }
0xab: {  	_ =	task [dreg:s6], $0x5FFFF  }
0xac: {  	[dreg:$0x1] =	wrdreg $0xFFFFFFFF  }
0xad: {  	[dreg:$0x0] =	wrdreg $0x60  }
0xae: {  	[dreg:$0x2] =	wrdreg s24  }
0xaf: {  	[dreg:$0x3] =	wrdreg $0xA2000  }
0xb0: {  	[dreg:$0x4] =	wrdreg $0x9  }
0xb1: {  	_ =	task.clear_ibuf [dreg:s6], $0x5FFFF;
	_ =	strace $0x90000049  }
0xb2: {  	s29 =	simm.s32 $0x9;
	_ =	strace $0x8000004B  }
0xb3: {  	_ =	swait.ge [sflag:s29], $0x1  }
0xb4: {  	[sflag:s29] =	ssyncadd.s32 $0xFFFFFFFF  }
0xb5: {  	_ =	strace $0x9000004B  }
0xb6: {  	_ =	sfence  }
0xb7: {  	s30 =	sld [smem:$0x0];
	_ =	sdelay $0x2  }
0xb8: {  	s31 =	sshll.u32 s1, $0xD;
	s1 =	sshrl.u32 s1, $0x2  }
0xb9: {  	s3 =	sand.u32 $0x4000, s31;
	s1 =	sadd.s32 s1, s30  }
0xba: {  	s0 =	sor.u32 s3, s0;
	s1 =	sshll.u32 s1, $0x11  }
0xbb: {  	s0 =	sor.u32 s1, s0  }
0xbc: {  	s0 =	sadd.s32 $0x8F2B, s0  }
0xbd: {  	[sflag:s0] =	ssyncadd.remote.s32 $0x1  }
0xbe: {  	_ =	sfence.sel $0xFFFF  }
0xbf: {  	[dreg:$0x0] =	wrdreg $0xFFFFFFFF;
	(pc) =	sbr.abs _section_cstart, $3  }
0xc0: {  	[dreg:$0x1] =	wrdreg $0xFFFFFFFF  }
0xc1: {  	_ =	task.clear_ibuf [dreg:s6], $0x2FFFF;
	_ =	strace $0x9FFFFFFF  }
0xc2: {  	(tm) =	ssettm $0x7FFFFFFF  }
0xc3: {  	_ =	shalt  }
tec
execute0_lowered:
.L_overlay_start_1:
0x0: {  	(tag) =	ssettag $0x1  }
0x1: {  	s0 =	rddreg [dreg:$0x0]  }
0x2: {  	s1 =	rddreg [dreg:$0x1]  }
0x3: {  	s2 =	simm.s32 $0x0;
	s4 =	srdreg.scid;
	s18 =	stileid.u32  }
0x4: {  	s19 =	simm.s32 $0x8;
	s28 =	simm.s32 $0x80;
	s29 =	simm.s32 $0x100  }
0x5: {  	s30 =	simm.s32 $0x7A00;
	s31 =	simm.s32 $0x3;
	[smem:$0x7FF] =	sst s2  }
0x6: {  	s3 =	sadd.s32 $0x16A00, s0;
	s5 =	sadd.s32 $0x2E00, s0;
	s6 =	sadd.s32 $0x64C00, s0  }
0x7: {  	s4 =	sand.u32 $0x1, s4;
	s7 =	sadd.s32 $0xB13200, s0;
	s14 =	smul.u32 $0xA000, s18  }
0x8: {  	p0 =	slt.u32 s18, $0xD;
	s24 =	smul.u32 $0x2800, s18;
	_ =	strace $0x8000004A  }
0x9: {  	s9 =	ssub.s32 $0x2, s4;
	s8 =	sshll.u32 s4, $0x4;
	s19 =	simm.s32 @!p0 $0x7  }
0xa: {  	s4 =	smul.u32 $0x138800, s4;
	s10 =	sshrl.u32 s9, $0x1;
	s11 =	sor.u32 s18, s8  }
0xb: {  	s8 =	sadd.s32 $0x78600, s0;
	s25 =	sshrl.u32 s14, $0x2;
	[dreg:$0x3] =	wrdreg s19  }
0xc: {  	s20 =	ssub.s32 s9, s10;
	s21 =	smul.u32 $0x4E20, s11;
	s9 =	simm.s32 $0x8  }
0xd: {  	s11 =	smul.u32 $0x4E200, s11;
	s26 =	sadd.s32 s24, s4;
	s24 =	simm.s32 $0x50  }
0xe: {  	s4 =	simm.s32 $0x2;
	s10 =	simm.s32 $0x0;
	s0 =	smax.u32 s20, $0x1  }
0xf: {  	s20 =	sadd.s32 s25, s1;
	[dreg:$0xa] =	wrdreg s26;
	s25 =	simm.s32 $0x200  }
0x10: {  	s26 =	simm.s32 $0x180;
	s13 =	sshrl.u32 s21, $0x3;
	[dreg:$0x8] =	wrdreg s0  }
0x11: {  	s11 =	sadd.s32 s7, s11;
	s16 =	sadd.s32 $0xA0, s21;
	[dreg:$0x9] =	wrdreg s20  }
0x12: {  	s17 =	sadd.s32 $0xF0, s21;
	s12 =	sadd.s32 s5, s13;
	[dreg:$0x5] =	wrdreg s11  }
0x13: {  	s23 =	sadd.s32 s6, s13;
	[dreg:$0x4] =	wrdreg s12;
	s12 =	sadd.s32 $0x50, s21  }
0x14: {  	s0 =	simm.s32 $0x5;
	[dreg:$0x7] =	wrdreg s23;
	s22 =	sshrl.u32 s12, $0x3  }
0x15: {  	s21 =	simm.s32 $0x2A00;
	s23 =	simm.s32 $0x1;
	s11 =	sadd.s32 s5, s22  }
0x16: {  	v0 =	vimm.f32 $0.0e+00;
	s22 =	simm.s32 $0x9;
	[dreg:$0x6] =	wrdreg s11;
	s11 =	simm.s32 $0x7  }
.LBB2_1:
0x17: {  	[dreg:$0xb] =	wrdreg s10;
	s10 =	simm.s32 $0x0;
	s13 =	simm.s32 $0x200  }
.LBB2_2:
0x18: {  	p0 =	sne.s32 s13, $0x9E00;
	[tilespmem:s10+$0x2A70] =	vst v0  }
0x19: {  	[tilespmem:s10+$0x2A00] =	vst v0  }
0x1a: {  	[tilespmem:s10+$0x2A10] =	vst v0  }
.Ltmp0:
0x1b: {  	[tilespmem:s10+$0x2A20] =	vst v0;
	(pc) =	sbr.rel @p0 .LBB2_2-.Ltmp0, $4  }
0x1c: {  	[tilespmem:s10+$0x2A30] =	vst v0  }
0x1d: {  	[tilespmem:s10+$0x2A40] =	vst v0  }
0x1e: {  	[tilespmem:s10+$0x2A50] =	vst v0  }
0x1f: {  	[tilespmem:s10+$0x2A60] =	vst v0;
	s10 =	sshra.s32 s13, $0x2;
	s13 =	sadd.s32 $0x200, s13  }
0x20: {  	[tilespmem:s10+$0x2A70] =	vst v0  }
0x21: {  	[tilespmem:s10+$0x2A00] =	vst v0  }
0x22: {  	[tilespmem:s10+$0x2A10] =	vst v0  }
0x23: {  	[tilespmem:s10+$0x2A20] =	vst v0  }
0x24: {  	[tilespmem:s10+$0x2A30] =	vst v0  }
0x25: {  	[tilespmem:s10+$0x2A40] =	vst v0;
	p0 =	sne.s32 s19, $0x1  }
.Ltmp1:
0x26: {  	[tilespmem:s10+$0x2A50] =	vst v0;
	(pc) =	sbr.rel @!p0 .LBB2_5-.Ltmp1, $4  }
0x27: {  	[tilespmem:s10+$0x2A60] =	vst v0  }
0x28: {  	[spmem:s20] =	stream.linear.scatter [tilespmem:s21], [sflag:$0x9], $0x2800, $0x38;
	[tilespmem:$0x1DA80] =	vst v63  }
0x29: {  	_ =	swait.ge [sflag:s22], $0x2800  }
0x2a: {  	s10 =	sadd.s32 $0xFFFFFFFF, s19;
	s13 =	smov.u32 s20;
	[sflag:s22] =	ssyncset.done $0x0  }
.LBB2_4:
0x2b: {  	p1 =	sne.s32 s10, $0x1;
	[sflag:s22] =	ssyncadd.s32 $0xFFFFD800;
	s13 =	sadd.s32 $0x28000, s13  }
.Ltmp2:
0x2c: {  	s10 =	sadd.s32 $0xFFFFFFFF, s10;
	(pc) =	sbr.rel @p1 .LBB2_4-.Ltmp2, $4  }
0x2d: {  	_ = 	snop  }
0x2e: {  	[spmem:s13] =	stream.linear.scatter [tilespmem:s21], [sflag:$0x9], $0x2800, $0x38;
	[tilespmem:$0x1DA80] =	vst v63  }
0x2f: {  	_ =	swait.ge [sflag:s22], $0x2800  }
0x30: {  	[sflag:s22] =	ssyncset.done $0x0  }
.LBB2_5:
0x31: {  	[sflag:s22] =	ssyncadd.s32 $0xFFFFD800;
	s14 =	simm.s32 $0x0;
	s2 =	rddreg [dreg:$0x4]  }
0x32: {  	[tilespmem:s14], [sflag:$0x1] =	stream.linear.gather [hbm4b:s2+s14], $0x50, $0x38;
	[tilespmem:$0x1DA80] =	vst v63  }
0x33: {  	_ =	swait.ge [sflag:s23], $0x50  }
0x34: {  	[sflag:s23] =	ssyncset.done $0x0  }
0x35: {  	[sflag:s23] =	ssyncadd.s32 $0xFFFFFFB0  }
0x36: {  	[tilespmem:s25], [sflag:$0x3] =	stream.indirect.gather [hbm4b:s3+s24], $0x80, s14, s24, $0xb8;
	[tilespmem:$0x1DA80] =	vst v63  }
0x37: {  	s10 =	simm.s32 $0x5200;
	s18 =	rddreg [dreg:$0x5]  }
0x38: {  	[tilespmem:s10], [sflag:$0x5] =	stream.linear.gather [hbm4b:s18+s14], $0x2800, $0x38;
	[tilespmem:$0x1DA80] =	vst v63  }
0x39: {  	s19 =	rddreg [dreg:$0x6]  }
0x3a: {  	[tilespmem:s28], [sflag:$0x1] =	stream.linear.gather [hbm4b:s19+s14], $0x50, $0x38;
	[tilespmem:$0x1DA80] =	vst v63  }
0x3b: {  	s20 =	rddreg [dreg:$0x7]  }
0x3c: {  	[tilespmem:s29], [sflag:$0x9] =	stream.linear.gather [hbm4b:s20+s14], $0x50, $0x38;
	[tilespmem:$0x1DA80] =	vst v63  }
0x3d: {  	_ =	swait.ge [sflag:s22], $0x50  }
0x3e: {  	[sflag:s22] =	ssyncset.done $0x0  }
0x3f: {  	[sflag:s22] =	ssyncadd.s32 $0xFFFFFFB0  }
0x40: {  	[spmem:s1] =	stream.indirect.scatter.add.f32 [tilespmem:s21], [sflag:$0x8], $0x80, s29, s24, $0xb8;
	[tilespmem:$0x1DA80] =	vst v63  }
0x41: {  	_ = 	snop  }
0x42: {  	[tilespmem:s29], [sflag:$0x2] =	stream.linear.gather [hbm4b:s20+s14], $0x50, $0x38;
	[tilespmem:$0x1DA80] =	vst v63  }
0x43: {  	s18 =	simm.s32 $0x0;
	[bflag:$0x0] =	sbarrier.arrive $0xFFFF  }
.LBB2_6:
0x44: {  	_ =	swait.ge [sflag:s9], $0x2800  }
0x45: {  	[sflag:s9] =	ssyncset.done $0x0  }
0x46: {  	s15 =	smul.u32 $0xA0, s18;
	[sflag:s9] =	ssyncadd.s32 $0xFFFFD800  }
0x47: {  	_ =	swait.ge [sflag:s23], $0x50  }
0x48: {  	s13 =	sadd.s32 s15, s12;
	[sflag:s23] =	ssyncset.done $0x0  }
0x49: {  	s10 =	sshll.u32 s13, $0x4;
	[sflag:s23] =	ssyncadd.s32 $0xFFFFFFB0  }
0x4a: {  	[tilespmem:s21], [sflag:$0x4] =	stream.indirect.gather [hbm4b:s3+s24], $0x80, s28, s24, $0xb8;
	[tilespmem:$0x1DA80] =	vst v63  }
0x4b: {  	s2 =	simm.s32 $0x0;
	s10 =	sadd.s32 s7, s10  }
0x4c: {  	[tilespmem:s30], [sflag:$0x6] =	stream.linear.gather [hbm4b:s10+s2], $0x2800, $0x38;
	[tilespmem:$0x1DA80] =	vst v63  }
0x4d: {  	_ =	swait.ge [sflag:s31], $0x2800  }
0x4e: {  	[sflag:s31] =	ssyncset.done $0x0  }
0x4f: {  	p1 =	seq.s32 s18, $0x7C;
	[sflag:s31] =	ssyncadd.s32 $0xFFFFD800  }
0x50: {  	s10 =	sadd.s32 @!p1 s15, s16;
	_ =	swait.ge [sflag:s0], $0x2800  }
0x51: {  	s20 =	sshrl.u32 @!p1 s10, $0x3;
	[sflag:s0] =	ssyncset.done $0x0  }
0x52: {  	s2 =	simm.s32 @!p1 $0x0;
	s19 =	sadd.s32 @!p1 s5, s20;
	[sflag:s0] =	ssyncadd.s32 $0xFFFFD800  }
0x53: {  	[tilespmem:s2], [sflag:$0x1] =	stream.linear.gather @!p1 [hbm4b:s19+s2], $0x50, $0x38;
	[tilespmem:$0x1DA80] =	vst v63  }
0x54: {  	s19 =	sshrl.u32 s13, $0x3  }
0x55: {  	s2 =	sadd.s32 s6, s19;
	s19 =	simm.s32 $0x0  }
0x56: {  	[tilespmem:s26], [sflag:$0x2] =	stream.linear.gather [hbm4b:s2+s14], $0x50, $0x38;
	[tilespmem:$0x1DA80] =	vst v63  }
0x57: {  	v7 =	vld [tilespmem:s19+$0x5200]  }
0x58: {  	v12 =	vld [tilespmem:s19+$0x5210]  }
0x59: {  	v6 =	vld [tilespmem:s19+$0x5220]  }
0x5a: {  	v5 =	vld [tilespmem:s19+$0x5230]  }
0x5b: {  	v4 =	vld [tilespmem:s19+$0x5240]  }
0x5c: {  	v3 =	vld [tilespmem:s19+$0x5250]  }
0x5d: {  	v2 =	vld [tilespmem:s19+$0x5260]  }
0x5e: {  	v1 =	vld [tilespmem:s19+$0x5270]  }
0x5f: {  	v13 =	vld [tilespmem:s19+$0x200]  }
0x60: {  	v14 =	vld [tilespmem:s19+$0x210]  }
0x61: {  	v11 =	vld [tilespmem:s19+$0x220]  }
0x62: {  	v10 =	vld [tilespmem:s19+$0x230]  }
0x63: {  	v9 =	vld [tilespmem:s19+$0x240]  }
0x64: {  	v8 =	vld [tilespmem:s19+$0x250];
	v13 =	vadd.f32 v7, v13  }
0x65: {  	s13 =	simm.s32 $0x200;
	v12 =	vadd.f32 v12, v14;
	v7 =	vld [tilespmem:s19+$0x260]  }
.LBB2_7:
0x66: {  	s2 =	sshra.s32 s13, $0x2;
	p2 =	sne.s32 s13, $0x9E00;
	v13 =	vmax.f32 v13, $0.0e+00;
	v6 =	vadd.f32 v6, v11;
	v11 =	vld [tilespmem:s19+$0x270]  }
0x67: {  	v14 =	vld [tilespmem:s2+$0x5200];
	[tilespmem:s19+$0x200] =	vst v13;
	v12 =	vmax.f32 v12, $0.0e+00;
	v5 =	vadd.f32 v5, v10  }
0x68: {  	v15 =	vld [tilespmem:s2+$0x5210];
	[tilespmem:s19+$0x210] =	vst v12;
	v10 =	vmax.f32 v6, $0.0e+00;
	v4 =	vadd.f32 v4, v9  }
0x69: {  	v6 =	vld [tilespmem:s2+$0x5220];
	[tilespmem:s19+$0x220] =	vst v10;
	v9 =	vmax.f32 v5, $0.0e+00;
	v3 =	vadd.f32 v3, v8  }
0x6a: {  	v5 =	vld [tilespmem:s2+$0x5230];
	[tilespmem:s19+$0x230] =	vst v9;
	v8 =	vmax.f32 v4, $0.0e+00;
	v2 =	vadd.f32 v2, v7  }
0x6b: {  	v4 =	vld [tilespmem:s2+$0x5240];
	[tilespmem:s19+$0x240] =	vst v8;
	v7 =	vmax.f32 v3, $0.0e+00;
	v1 =	vadd.f32 v1, v11  }
0x6c: {  	v3 =	vld [tilespmem:s2+$0x5250];
	[tilespmem:s19+$0x250] =	vst v7;
	v7 =	vmax.f32 v2, $0.0e+00  }
0x6d: {  	v2 =	vld [tilespmem:s2+$0x5260];
	[tilespmem:s19+$0x260] =	vst v7;
	v7 =	vmax.f32 v1, $0.0e+00  }
0x6e: {  	v1 =	vld [tilespmem:s2+$0x5270];
	[tilespmem:s19+$0x270] =	vst v7;
	s19 =	smov.u32 s2  }
0x6f: {  	v7 =	vld [tilespmem:s19+$0x200]  }
0x70: {  	v12 =	vld [tilespmem:s19+$0x210]  }
.Ltmp3:
0x71: {  	v11 =	vld [tilespmem:s19+$0x220];
	(pc) =	sbr.rel @p2 .LBB2_7-.Ltmp3, $4  }
0x72: {  	v10 =	vld [tilespmem:s19+$0x230]  }
0x73: {  	v9 =	vld [tilespmem:s19+$0x240]  }
0x74: {  	v13 =	vadd.f32 v14, v7;
	v8 =	vld [tilespmem:s19+$0x250]  }
0x75: {  	s13 =	sadd.s32 $0x200, s13;
	v12 =	vadd.f32 v15, v12;
	v7 =	vld [tilespmem:s19+$0x260]  }
0x76: {  	v13 =	vmax.f32 v13, $0.0e+00;
	v6 =	vadd.f32 v6, v11;
	v11 =	vld [tilespmem:s19+$0x270]  }
0x77: {  	[tilespmem:s19+$0x200] =	vst v13;
	v12 =	vmax.f32 v12, $0.0e+00;
	v5 =	vadd.f32 v5, v10  }
0x78: {  	[tilespmem:s19+$0x210] =	vst v12;
	v6 =	vmax.f32 v6, $0.0e+00;
	v4 =	vadd.f32 v4, v9  }
0x79: {  	[tilespmem:s19+$0x220] =	vst v6;
	v5 =	vmax.f32 v5, $0.0e+00;
	v3 =	vadd.f32 v3, v8  }
0x7a: {  	[tilespmem:s19+$0x230] =	vst v5;
	v4 =	vmax.f32 v4, $0.0e+00;
	v2 =	vadd.f32 v2, v7  }
0x7b: {  	[tilespmem:s19+$0x240] =	vst v4;
	v3 =	vmax.f32 v3, $0.0e+00;
	v1 =	vadd.f32 v1, v11  }
0x7c: {  	[tilespmem:s19+$0x250] =	vst v3;
	v2 =	vmax.f32 v2, $0.0e+00  }
0x7d: {  	[tilespmem:s19+$0x260] =	vst v2;
	v1 =	vmax.f32 v1, $0.0e+00  }
0x7e: {  	[tilespmem:s19+$0x270] =	vst v1  }
0x7f: {  	_ =	swait.ge [sflag:s4], $0x50  }
0x80: {  	[sflag:s4] =	ssyncset.done $0x0  }
0x81: {  	[sflag:s4] =	ssyncadd.s32 $0xFFFFFFB0  }
0x82: {  	[spmem:s1] =	stream.indirect.scatter.add.f32 [tilespmem:s25], [sflag:$0x7], $0x80, s29, s24, $0xb8;
	[tilespmem:$0x1DA80] =	vst v63  }
0x83: {  	_ =	swait.ge [sflag:s11], $0x2800  }
0x84: {  	[sflag:s11] =	ssyncset.done $0x0  }
0x85: {  	s2 =	simm.s32 @p1 $0x4;
	[sflag:s11] =	ssyncadd.s32 $0xFFFFD800  }
0x86: {  	_ =	swait.ge @p1 [sflag:s2], $0x2800  }
0x87: {  	[sflag:s2] =	ssyncset.done @p1 $0x0  }
0x88: {  	[sflag:s2] =	ssyncadd.s32 @p1 $0xFFFFD800;
	s2 =	simm.s32 @p1 $0x6  }
0x89: {  	_ =	swait.ge @p1 [sflag:s2], $0x2800  }
0x8a: {  	[sflag:s2] =	ssyncset.done @p1 $0x0  }
0x8b: {  	[sflag:s2] =	ssyncadd.s32 @p1 $0xFFFFD800;
	s2 =	simm.s32 @!p1 $0x1  }
0x8c: {  	_ =	swait.ge @!p1 [sflag:s2], $0x50  }
0x8d: {  	s13 =	simm.s32 @!p1 $0x0;
	[sflag:s2] =	ssyncset.done @!p1 $0x0  }
0x8e: {  	s19 =	simm.s32 @!p1 $0x200;
	[sflag:s2] =	ssyncadd.s32 @!p1 $0xFFFFFFB0;
	s2 =	simm.s32 @!p1 $0x50  }
0x8f: {  	[tilespmem:s19], [sflag:$0x3] =	stream.indirect.gather @!p1 [hbm4b:s3+s2], $0x80, s13, s2, $0xb8;
	[tilespmem:$0x1DA80] =	vst v63  }
0x90: {  	s2 =	sshll.u32 @!p1 s10, $0x4  }
0x91: {  	s10 =	simm.s32 @!p1 $0x5200;
	s2 =	sadd.s32 @!p1 s7, s2  }
0x92: {  	[tilespmem:s10], [sflag:$0x5] =	stream.linear.gather @!p1 [hbm4b:s2+s13], $0x2800, $0x38;
	[tilespmem:$0x1DA80] =	vst v63  }
0x93: {  	s2 =	simm.s32 @!p1 $0x4  }
0x94: {  	_ =	swait.ge @!p1 [sflag:s2], $0x2800  }
0x95: {  	[sflag:s2] =	ssyncset.done @!p1 $0x0  }
0x96: {  	[sflag:s2] =	ssyncadd.s32 @!p1 $0xFFFFD800;
	s2 =	simm.s32 @!p1 $0x6  }
0x97: {  	s10 =	sadd.s32 @!p1 s15, s17;
	_ =	swait.ge @!p1 [sflag:s2], $0x2800  }
0x98: {  	s10 =	sshrl.u32 @!p1 s10, $0x3;
	[sflag:s2] =	ssyncset.done @!p1 $0x0  }
0x99: {  	[sflag:s2] =	ssyncadd.s32 @!p1 $0xFFFFD800;
	s2 =	sadd.s32 @!p1 s5, s10;
	s10 =	simm.s32 @!p1 $0x80  }
0x9a: {  	[tilespmem:s10], [sflag:$0x1] =	stream.linear.gather @!p1 [hbm4b:s2+s13], $0x50, $0x38;
	[tilespmem:$0x1DA80] =	vst v63  }
0x9b: {  	s2 =	sadd.s32 @!p1 s6, s20;
	s10 =	simm.s32 @!p1 $0x100  }
0x9c: {  	[tilespmem:s10], [sflag:$0x2] =	stream.linear.gather @!p1 [hbm4b:s2+s13], $0x50, $0x38;
	[tilespmem:$0x1DA80] =	vst v63  }
0x9d: {  	s10 =	simm.s32 $0x0  }
0x9e: {  	v7 =	vld [tilespmem:s10+$0x7A00]  }
0x9f: {  	v12 =	vld [tilespmem:s10+$0x7A10]  }
0xa0: {  	v6 =	vld [tilespmem:s10+$0x7A20]  }
0xa1: {  	v5 =	vld [tilespmem:s10+$0x7A30]  }
0xa2: {  	v4 =	vld [tilespmem:s10+$0x7A40]  }
0xa3: {  	v3 =	vld [tilespmem:s10+$0x7A50]  }
0xa4: {  	v2 =	vld [tilespmem:s10+$0x7A60]  }
0xa5: {  	v1 =	vld [tilespmem:s10+$0x7A70]  }
0xa6: {  	v13 =	vld [tilespmem:s10+$0x2A00]  }
0xa7: {  	v14 =	vld [tilespmem:s10+$0x2A10]  }
0xa8: {  	v11 =	vld [tilespmem:s10+$0x2A20]  }
0xa9: {  	v10 =	vld [tilespmem:s10+$0x2A30]  }
0xaa: {  	v9 =	vld [tilespmem:s10+$0x2A40]  }
0xab: {  	v8 =	vld [tilespmem:s10+$0x2A50];
	v13 =	vadd.f32 v7, v13  }
0xac: {  	s13 =	simm.s32 $0x200;
	v12 =	vadd.f32 v12, v14;
	v7 =	vld [tilespmem:s10+$0x2A60]  }
.LBB2_9:
0xad: {  	s2 =	sshra.s32 s13, $0x2;
	p1 =	sne.s32 s13, $0x9E00;
	v13 =	vmax.f32 v13, $0.0e+00;
	v6 =	vadd.f32 v6, v11;
	v11 =	vld [tilespmem:s10+$0x2A70]  }
0xae: {  	v14 =	vld [tilespmem:s2+$0x7A00];
	[tilespmem:s10+$0x2A00] =	vst v13;
	v12 =	vmax.f32 v12, $0.0e+00;
	v5 =	vadd.f32 v5, v10  }
0xaf: {  	v15 =	vld [tilespmem:s2+$0x7A10];
	[tilespmem:s10+$0x2A10] =	vst v12;
	v10 =	vmax.f32 v6, $0.0e+00;
	v4 =	vadd.f32 v4, v9  }
0xb0: {  	v6 =	vld [tilespmem:s2+$0x7A20];
	[tilespmem:s10+$0x2A20] =	vst v10;
	v9 =	vmax.f32 v5, $0.0e+00;
	v3 =	vadd.f32 v3, v8  }
0xb1: {  	v5 =	vld [tilespmem:s2+$0x7A30];
	[tilespmem:s10+$0x2A30] =	vst v9;
	v8 =	vmax.f32 v4, $0.0e+00;
	v2 =	vadd.f32 v2, v7  }
0xb2: {  	v4 =	vld [tilespmem:s2+$0x7A40];
	[tilespmem:s10+$0x2A40] =	vst v8;
	v7 =	vmax.f32 v3, $0.0e+00;
	v1 =	vadd.f32 v1, v11  }
0xb3: {  	v3 =	vld [tilespmem:s2+$0x7A50];
	[tilespmem:s10+$0x2A50] =	vst v7;
	v7 =	vmax.f32 v2, $0.0e+00  }
0xb4: {  	v2 =	vld [tilespmem:s2+$0x7A60];
	[tilespmem:s10+$0x2A60] =	vst v7;
	v7 =	vmax.f32 v1, $0.0e+00  }
0xb5: {  	v1 =	vld [tilespmem:s2+$0x7A70];
	[tilespmem:s10+$0x2A70] =	vst v7;
	s10 =	smov.u32 s2  }
0xb6: {  	v7 =	vld [tilespmem:s10+$0x2A00]  }
0xb7: {  	v12 =	vld [tilespmem:s10+$0x2A10]  }
.Ltmp4:
0xb8: {  	v11 =	vld [tilespmem:s10+$0x2A20];
	(pc) =	sbr.rel @p1 .LBB2_9-.Ltmp4, $4  }
0xb9: {  	v10 =	vld [tilespmem:s10+$0x2A30]  }
0xba: {  	v9 =	vld [tilespmem:s10+$0x2A40]  }
0xbb: {  	v13 =	vadd.f32 v14, v7;
	v8 =	vld [tilespmem:s10+$0x2A50]  }
0xbc: {  	s13 =	sadd.s32 $0x200, s13;
	v12 =	vadd.f32 v15, v12;
	v7 =	vld [tilespmem:s10+$0x2A60]  }
0xbd: {  	v13 =	vmax.f32 v13, $0.0e+00;
	v6 =	vadd.f32 v6, v11;
	v63 =	vld [tilespmem:s10+$0x2A70]  }
0xbe: {  	[tilespmem:s10+$0x2A00] =	vst v13;
	v12 =	vmax.f32 v12, $0.0e+00;
	v5 =	vadd.f32 v5, v10  }
0xbf: {  	[tilespmem:s10+$0x2A10] =	vst v12;
	v6 =	vmax.f32 v6, $0.0e+00;
	v4 =	vadd.f32 v4, v9  }
0xc0: {  	[tilespmem:s10+$0x2A20] =	vst v6;
	v5 =	vmax.f32 v5, $0.0e+00;
	v3 =	vadd.f32 v3, v8  }
0xc1: {  	[tilespmem:s10+$0x2A30] =	vst v5;
	v4 =	vmax.f32 v4, $0.0e+00;
	v2 =	vadd.f32 v2, v7  }
0xc2: {  	[tilespmem:s10+$0x2A40] =	vst v4;
	v3 =	vmax.f32 v3, $0.0e+00;
	v1 =	vadd.f32 v1, v63  }
0xc3: {  	s18 =	sadd.s32 $0x1, s18;
	[tilespmem:s10+$0x2A50] =	vst v3;
	v2 =	vmax.f32 v2, $0.0e+00  }
0xc4: {  	p1 =	sne.s32 s18, $0x7D;
	[tilespmem:s10+$0x2A60] =	vst v2;
	v1 =	vmax.f32 v1, $0.0e+00  }
.Ltmp5:
0xc5: {  	[tilespmem:s10+$0x2A70] =	vst v1;
	(pc) =	sbr.rel @p1 .LBB2_6-.Ltmp5, $4  }
0xc6: {  	_ =	swait.ge [sflag:s4], $0x50  }
0xc7: {  	[sflag:s4] =	ssyncset.done $0x0  }
0xc8: {  	[sflag:s4] =	ssyncadd.s32 $0xFFFFFFB0  }
0xc9: {  	[spmem:s1] =	stream.indirect.scatter.add.f32 [tilespmem:s21], [sflag:$0x8], $0x80, s26, s24, $0xb8;
	[tilespmem:$0x1DA80] =	vst v63  }
0xca: {  	_ =	swait.ge [sflag:s9], $0x2800  }
0xcb: {  	[sflag:s9] =	ssyncset.done $0x0  }
0xcc: {  	[sflag:s9] =	ssyncadd.s32 $0xFFFFD800  }
0xcd: {  	s2 =	stileid.u32;
	[bflag:$0x0] =	sbarrier.arrive $0xFFFF  }
0xce: {  	s2 =	sshll.u32 s2, $0x6;
	s15 =	rddreg [dreg:$0xa]  }
.Ltmp6:
0xcf: {  	s20 =	rddreg [dreg:$0x9];
	s10 =	sshrl.u32 s15, $0x3;
	(pc) =	sbr.rel @!p0 .LBB2_13-.Ltmp6, $4  }
0xd0: {  	s13 =	sshrl.u32 s20, $0x3;
	s14 =	sadd.s32 s8, s10;
	s10 =	sor.u32 $0x1C09, s2  }
0xd1: {  	[hbm:s14], [sflag:s10] =	dma.local [spmem:s13], $0x500  }
0xd2: {  	s19 =	rddreg [dreg:$0x3]  }
0xd3: {  	s14 =	sadd.s32 $0x28000, s15;
	s15 =	smov.u32 s20;
	s13 =	sadd.s32 $0xFFFFFFFF, s19  }
.LBB2_12:
0xd4: {  	_ =	swait.ge [sflag:s22], $0x500  }
0xd5: {  	s15 =	sadd.s32 $0x28000, s15;
	s2 =	sshrl.u32 s14, $0x3;
	p0 =	sne.s32 s13, $0x1  }
.Ltmp7:
0xd6: {  	s18 =	sshrl.u32 s15, $0x3;
	[sflag:s22] =	ssyncset.done $0x0;
	(pc) =	sbr.rel @p0 .LBB2_12-.Ltmp7, $4  }
0xd7: {  	s2 =	sadd.s32 s8, s2;
	[sflag:s22] =	ssyncadd.s32 $0xFFFFFB00  }
0xd8: {  	[hbm:s2], [sflag:s10] =	dma.local [spmem:s18], $0x500  }
0xd9: {  	s13 =	sadd.s32 $0xFFFFFFFF, s13  }
0xda: {  	s14 =	sadd.s32 $0x28000, s14  }
.LBB2_13:
0xdb: {  	_ =	swait.ge [sflag:s22], $0x500  }
0xdc: {  	s10 =	rddreg [dreg:$0xb]  }
0xdd: {  	s2 =	rddreg [dreg:$0x8];
	s10 =	sadd.s32 $0x1, s10  }
0xde: {  	p0 =	sne.s32 s10, s2  }
.Ltmp8:
0xdf: {  	_ = 	snop;
	(pc) =	sbr.rel @p0 .LBB2_1-.Ltmp8, $3  }
0xe0: {  	_ =	sdelay $0x1  }
0xe1: {  	[sflag:s22] =	ssyncset.done $0x0  }
0xe2: {  	[sflag:s22] =	ssyncadd.s32 $0xFFFFFB00  }
0xe3: {  	_ =	sfence.sel $0x180000  }
0xe4: {  	[bflag:$0x0] =	sbarrier.arrive $0xFFFF  }
0xe5: {  	_ =	strace $0x9000004A  }
0xe6: {  	s0 =	stileid.u32;
	[bflag:$0x2] =	sbarrier.arrive $0xFFFF  }
0xe7: {  	p0 =	sne.s32 s0, $0x0;
	s0 =	rddreg [dreg:$0x2]  }
0xe8: {  	s0 =	sadd.s32 @!p0 $0x100000, s0  }
0xe9: {  	[sflag:s0] =	ssyncadd.tile.s32 @!p0 $0x1;
	_ =	shalt  }
.Lfunc_end2:
_tile_overlayer_lowered:
.L_overlay_start_2:
0xea: {  	(tag) =	ssettag $0x2  }
0xeb: {  	s0 =	rddreg [dreg:$0x0];
	s2 =	stileid.u32  }
0xec: {  	s1 =	rddreg [dreg:$0x1];
	p0 =	sne.s32 s2, $0x0  }
0xed: {  	s3 =	rddreg [dreg:$0x2];
	[bflag:$0x3] =	sbarrier.arrive $0xFFFF;
	s2 =	simm.s32 @!p0 $0x1C09  }
0xee: {  	[timem:s3], [sflag:s2] =	dma.local @!p0 [hbm:s0], s1  }
0xef: {  	s0 =	simm.s32 @!p0 $0x9  }
0xf0: {  	_ =	swait.ge @!p0 [sflag:s0], s1  }
0xf1: {  	s1 =	ssub.s32 @!p0 $0x0, s1;
	[sflag:s0] =	ssyncset.done @!p0 $0x0  }
0xf2: {  	[sflag:s0] =	ssyncadd.s32 @!p0 s1  }
0xf3: {  	[bflag:$0x3] =	sbarrier.arrive $0xFFFF  }
0xf4: {  	_ =	shalt  }

// kernel: kernel.7.cloned.1.call-start
scs
__scs_entry_jumppad:
0x0: {  	(pc) =	sbr.rel $0x88, $3  }
0x1: {  	(tag) =	ssettag $0x0;
	lr =	simm.s32 $0x1  }
0x2: {  	[smem:$0x3F96] =	sst lr;
	_ =	strace $0xD0000000  }
0x3: {  	_ = 	snop  }
0x4: {  	_ = 	snop  }
0x5: {  	_ = 	snop  }
0x6: {  	_ = 	snop  }
0x7: {  	_ = 	snop  }
__scs_overlays_trampoline_lowered:
0x8: {  	[smem:$0x3FA5] =	sst s0  }
0x9: {  	[smem:$0x3FA6] =	sst s1  }
0xa: {  	[smem:$0x3FA7] =	sst s2  }
0xb: {  	[smem:$0x3FA8] =	sst s3  }
0xc: {  	[smem:$0x3FA9] =	sst s4  }
0xd: {  	[smem:$0x3FAA] =	sst s5  }
0xe: {  	[smem:$0x3FAB] =	sst s6  }
0xf: {  	[smem:$0x3FAC] =	sst s7  }
0x10: {  	[smem:$0x3FAD] =	sst s8  }
0x11: {  	[smem:$0x3FAE] =	sst s9;
	s0 =	simm.s32 @!p0 $0x0  }
0x12: {  	s1 =	sld [smem:$0x3F94];
	s0 =	simm.s32 @p0 $0x1  }
0x13: {  	[smem:$0x3FAF] =	sst s0;
	s0 =	simm.s32 @!p1 $0x0  }
0x14: {  	s2 =	sld [smem:$0x3F93];
	s0 =	simm.s32 @p1 $0x1  }
0x15: {  	[smem:$0x3FB0] =	sst s0;
	s0 =	simm.s32 @!p2 $0x0  }
0x16: {  	s3 =	sld [smem:$0x3FDB];
	s0 =	simm.s32 @p2 $0x1  }
0x17: {  	s4 =	simm.s32 $0x1BF5;
	[smem:$0x3FB2] =	sst s0  }
0x18: {  	s0 =	sld [smem:$0x3F95];
	_ =	swait.ge [sflag:s4], $0x0  }
0x19: {  	s7 =	sld [smem:$0x3F96]  }
0x1a: {  	s8 =	sadd.s32 $0xFFFFE003, lr  }
0x1b: {  	s9 =	sadd.s32 $0xFFFFFEF7, lr;
	s5 =	simm.s32 $0xFFFFFFFF;
	p2 =	slt.u32 s8, $0xFFFFF086  }
0x1c: {  	p1 =	slt.u32 s9, $0xF7A;
	s5 =	simm.s32 @!p2 $0x0  }
0x1d: {  	s5 =	simm.s32 @p1 $0x1;
	p0 =	seq.s32 s7, s2  }
0x1e: {  	s7 =	smul.u32 @!p0 $0xF7A, s2;
	p2 =	seq.s32 @!p0 s5, $0x0  }
0x1f: {  	s9 =	smul.u32 $0xF7A, s1;
	s8 =	simm.s32 @!p0 $0x1BF5;
	p2 =	por !p2, p0  }
0x20: {  	[sflag:s8] =	ssyncset.s32 @!p0 $0xFFFFF086;
	s6 =	sadd.s32 @!p0 s3, s7;
	s7 =	simm.s32 @!p0 $0x108  }
0x21: {  	s3 =	sadd.s32 s3, s9;
	s6 =	sadd.s32 @!p0 $0x88, s6;
	s7 =	simm.s32 @p2 $0x1082  }
0x22: {  	[simem:s7], [sflag:s8] =	dma.local @!p0 [hbm:s6], $0xF7A  }
0x23: {  	s9 =	sor.u32 $0xD0000000, s2;
	s6 =	simm.s32 $0x108;
	_ =	swait.ge @!p0 [sflag:s8], $0x0  }
0x24: {  	s3 =	sadd.s32 $0x88, s3;
	s6 =	simm.s32 @!p1 $0x1082;
	[sflag:s4] =	ssyncset.s32 $0xFFFFF086  }
0x25: {  	[simem:s6], [sflag:s4] =	dma.local [hbm:s3], $0xF7A  }
0x26: {  	[smem:$0x3F96] =	sst s1;
	(tag) =	ssettag s2;
	_ =	strace s9  }
0x27: {  	s1 =	sld [smem:$0x3FA6]  }
0x28: {  	s2 =	sld [smem:$0x3FA7]  }
0x29: {  	s4 =	sld [smem:$0x3FA9]  }
0x2a: {  	p0 =	seq.s32 s5, $0x0;
	s5 =	sld [smem:$0x3FAA]  }
0x2b: {  	s6 =	sld [smem:$0x3FAB]  }
0x2c: {  	s7 =	sld [smem:$0x3FAC]  }
0x2d: {  	s3 =	simm.s32 $0x108;
	s8 =	sld [smem:$0x3FAD]  }
0x2e: {  	s3 =	simm.s32 @!p0 $0x1082;
	s9 =	sld [smem:$0x3FAE]  }
0x2f: {  	lr =	sadd.s32 s0, s3;
	s0 =	sld [smem:$0x3FA5]  }
0x30: {  	s3 =	sld [smem:$0x3FA8]  }
0x31: {  	[smem:$0x3FB1] =	sst s10  }
0x32: {  	s10 =	sld [smem:$0x3FAF];
	_ =	sdelay $0x3  }
0x33: {  	p0 =	seq.s32 s10, $0x1;
	s10 =	sld [smem:$0x3FB1];
	_ =	sdelay $0x3  }
0x34: {  	[smem:$0x3FB1] =	sst s10  }
0x35: {  	s10 =	sld [smem:$0x3FB0];
	_ =	sdelay $0x3  }
0x36: {  	p1 =	seq.s32 s10, $0x1;
	s10 =	sld [smem:$0x3FB1];
	_ =	sdelay $0x3  }
0x37: {  	[smem:$0x3FB1] =	sst s10  }
0x38: {  	s10 =	sld [smem:$0x3FB2]  }
0x39: {  	_ = 	snop;
	(pc) =	sbr.ind lr, $3  }
0x3a: {  	_ = 	snop  }
0x3b: {  	_ = 	snop  }
0x3c: {  	p2 =	seq.s32 s10, $0x1;
	s10 =	sld [smem:$0x3FB1]  }
0x3d: {  	_ =	shalt  }
0x3e: {  	_ =	shalt  }
0x3f: {  	_ =	shalt  }
0x40: {  	_ =	shalt  }
0x41: {  	_ =	shalt  }
0x42: {  	_ =	shalt  }
0x43: {  	_ =	shalt  }
0x44: {  	_ =	shalt  }
0x45: {  	_ =	shalt  }
0x46: {  	_ =	shalt  }
0x47: {  	_ =	shalt  }
0x48: {  	_ =	shalt  }
0x49: {  	_ =	shalt  }
0x4a: {  	_ =	shalt  }
0x4b: {  	_ =	shalt  }
0x4c: {  	_ =	shalt  }
0x4d: {  	_ =	shalt  }
0x4e: {  	_ =	shalt  }
0x4f: {  	_ =	shalt  }
0x50: {  	_ =	shalt  }
0x51: {  	_ =	shalt  }
0x52: {  	_ =	shalt  }
0x53: {  	_ =	shalt  }
0x54: {  	_ =	shalt  }
0x55: {  	_ =	shalt  }
0x56: {  	_ =	shalt  }
0x57: {  	_ =	shalt  }
0x58: {  	_ =	shalt  }
0x59: {  	_ =	shalt  }
0x5a: {  	_ =	shalt  }
0x5b: {  	_ =	shalt  }
0x5c: {  	_ =	shalt  }
0x5d: {  	_ =	shalt  }
0x5e: {  	_ =	shalt  }
0x5f: {  	_ =	shalt  }
0x60: {  	_ =	shalt  }
0x61: {  	_ =	shalt  }
0x62: {  	_ =	shalt  }
0x63: {  	_ =	shalt  }
0x64: {  	_ =	shalt  }
0x65: {  	_ =	shalt  }
0x66: {  	_ =	shalt  }
0x67: {  	_ =	shalt  }
0x68: {  	_ =	shalt  }
0x69: {  	_ =	shalt  }
0x6a: {  	_ =	shalt  }
0x6b: {  	_ =	shalt  }
0x6c: {  	_ =	shalt  }
0x6d: {  	_ =	shalt  }
0x6e: {  	_ =	shalt  }
0x6f: {  	_ =	shalt  }
0x70: {  	_ =	shalt  }
0x71: {  	_ =	shalt  }
0x72: {  	_ =	shalt  }
0x73: {  	_ =	shalt  }
0x74: {  	_ =	shalt  }
0x75: {  	_ =	shalt  }
0x76: {  	_ =	shalt  }
0x77: {  	_ =	shalt  }
0x78: {  	_ =	shalt  }
0x79: {  	_ =	shalt  }
0x7a: {  	_ =	shalt  }
0x7b: {  	_ =	shalt  }
0x7c: {  	_ =	shalt  }
0x7d: {  	_ =	shalt  }
0x7e: {  	_ =	shalt  }
0x7f: {  	_ =	shalt  }
0x80: {  	_ =	shalt  }
0x81: {  	_ =	shalt  }
0x82: {  	_ =	shalt  }
0x83: {  	_ =	shalt  }
0x84: {  	_ =	shalt  }
0x85: {  	_ =	shalt  }
0x86: {  	_ =	shalt  }
0x87: {  	_ =	shalt  }
.Lfunc_end0:
.L_simem_size_0:
called_computation_lowered:
.L_overlay_start_0:
0x88: {  	s2 =	sld [smem:$0x3FD9]  }
0x89: {  	s3 =	sld [smem:$0x3FFE];
	_ =	sdelay $0x1  }
0x8a: {  	s1 =	srdreg.scid  }
0x8b: {  	s0 =	sand.u32 $0x1, s1  }
0x8c: {  	s16 =	sshll.u32 s0, $0xA;
	s2 =	sadd.s32 s3, s2  }
0x8d: {  	s2 =	sadd.s32 s2, s16  }
0x8e: {  	[smem:$0x3FBD] =	sst s2  }
0x8f: {  	_ = 	snop  }
0x90: {  	(tm) =	ssettm $0x1  }
0x91: {  	s17 =	sld [smem:$0x3FFB];
	_ =	sdelay $0x3  }
0x92: {  	_ =	strace s17  }
0x93: {  	s2 =	sld [smem:$0x3FFC];
	_ =	sdelay $0x3  }
0x94: {  	_ =	strace s2  }
0x95: {  	s2 =	sld [smem:$0x3FFD];
	_ =	sdelay $0x3  }
0x96: {  	_ =	strace s2  }
0x97: {  	_ =	strace $0x8FFFFFFF  }
0x98: {  	s18 =	sld [smem:$0x3FDB];
	_ =	sdelay $0x1  }
0x99: {  	s19 =	simm.s32 $_scs_section_size  }
0x9a: {  	s4 =	simm.s32 $_size__tile_overlayer_lowered;
	s5 =	simm.s32 $_tile_overlayer_lowered  }
0x9b: {  	s22 =	simm.s32 $0x1BFF;
	s21 =	sshll.u32 s5, $0x1;
	s2 =	sadd.s32 s19, s18  }
0x9c: {  	s6 =	simm.s32 $0x0;
	s20 =	sshll.u32 s4, $0x1;
	s4 =	sadd.s32 s21, s2  }
0x9d: {  	[timem:s6], [sflag:s22] =	dma.local [hbm:s4], s20  }
0x9e: {  	_ =	swait.ge [sflag:s22], s20  }
0x9f: {  	s3 =	ssub.s32 $0x0, s20;
	[sflag:s22] =	ssyncset.done $0x0  }
0xa0: {  	[sflag:s22] =	ssyncadd.s32 s3;
	_ =	sdelay $0x1  }
0xa1: {  	s23 =	simm.s32 $0x1B8B  }
0xa2: {  	_ =	swait.ge [sflag:s23], $0x1  }
0xa3: {  	[sflag:s23] =	ssyncset.done $0x0  }
0xa4: {  	s25 =	simm.s32 $0x1B8E;
	s24 =	sld [smem:$0x3FFE];
	[sflag:s23] =	ssyncadd.s32 $0xFFFFFFFF  }
0xa5: {  	s26 =	simm.s32 $execute0_lowered;
	[smem:$0x3FD2] =	sst s25  }
0xa6: {  	s4 =	sshll.u32 s26, $0x1;
	_ =	strace $0x80000046;
	[dreg:$0x1] =	wrdreg $0xFFFFFFFF  }
0xa7: {  	s28 =	simm.s32 $_size_execute0_lowered;
	s2 =	sadd.s32 s2, s4;
	[dreg:$0x0] =	wrdreg $0x0  }
0xa8: {  	s4 =	sshll.u32 s28, $0x1;
	[dreg:$0x2] =	wrdreg s2  }
0xa9: {  	[dreg:$0x3] =	wrdreg s4  }
0xaa: {  	[dreg:$0x4] =	wrdreg $0xC0  }
0xab: {  	_ =	task [dreg:s6], $0x5FFFF  }
0xac: {  	[dreg:$0x1] =	wrdreg $0xFFFFFFFF  }
0xad: {  	[dreg:$0x0] =	wrdreg $0x60  }
0xae: {  	[dreg:$0x2] =	wrdreg s24  }
0xaf: {  	[dreg:$0x3] =	wrdreg $0xA2000  }
0xb0: {  	[dreg:$0x4] =	wrdreg $0x9  }
0xb1: {  	_ =	task.clear_ibuf [dreg:s6], $0x5FFFF;
	_ =	strace $0x90000046  }
0xb2: {  	s29 =	simm.s32 $0x9;
	_ =	strace $0x80000048  }
0xb3: {  	_ =	swait.ge [sflag:s29], $0x1  }
0xb4: {  	[sflag:s29] =	ssyncadd.s32 $0xFFFFFFFF  }
0xb5: {  	_ =	strace $0x90000048  }
0xb6: {  	_ =	sfence  }
0xb7: {  	s30 =	sld [smem:$0x0];
	_ =	sdelay $0x2  }
0xb8: {  	s31 =	sshll.u32 s1, $0xD;
	s1 =	sshrl.u32 s1, $0x2  }
0xb9: {  	s3 =	sand.u32 $0x4000, s31;
	s1 =	sadd.s32 s1, s30  }
0xba: {  	s0 =	sor.u32 s3, s0;
	s1 =	sshll.u32 s1, $0x11  }
0xbb: {  	s0 =	sor.u32 s1, s0  }
0xbc: {  	s0 =	sadd.s32 $0x8F2B, s0  }
0xbd: {  	[sflag:s0] =	ssyncadd.remote.s32 $0x1  }
0xbe: {  	_ =	sfence.sel $0xFFFF  }
0xbf: {  	[dreg:$0x0] =	wrdreg $0xFFFFFFFF;
	(pc) =	sbr.abs _section_cstart, $3  }
0xc0: {  	[dreg:$0x1] =	wrdreg $0xFFFFFFFF  }
0xc1: {  	_ =	task.clear_ibuf [dreg:s6], $0x2FFFF;
	_ =	strace $0x9FFFFFFF  }
0xc2: {  	(tm) =	ssettm $0x7FFFFFFF  }
0xc3: {  	_ =	shalt  }
tec
execute0_lowered:
.L_overlay_start_1:
0x0: {  	(tag) =	ssettag $0x1  }
0x1: {  	s0 =	rddreg [dreg:$0x0]  }
0x2: {  	s1 =	rddreg [dreg:$0x1]  }
0x3: {  	s2 =	simm.s32 $0x0;
	s4 =	srdreg.scid;
	s18 =	stileid.u32  }
0x4: {  	s19 =	simm.s32 $0x8;
	s28 =	simm.s32 $0x80;
	s29 =	simm.s32 $0x100  }
0x5: {  	s30 =	simm.s32 $0x7A00;
	s31 =	simm.s32 $0x3;
	[smem:$0x7FF] =	sst s2  }
0x6: {  	s3 =	sadd.s32 $0x16A00, s0;
	s5 =	sadd.s32 $0x2E00, s0;
	s6 =	sadd.s32 $0x64C00, s0  }
0x7: {  	s4 =	sand.u32 $0x1, s4;
	s7 =	sadd.s32 $0xB13200, s0;
	s14 =	smul.u32 $0xA000, s18  }
0x8: {  	p0 =	slt.u32 s18, $0xD;
	s24 =	smul.u32 $0x2800, s18;
	_ =	strace $0x80000047  }
0x9: {  	s9 =	ssub.s32 $0x2, s4;
	s8 =	sshll.u32 s4, $0x4;
	s19 =	simm.s32 @!p0 $0x7  }
0xa: {  	s4 =	smul.u32 $0x138800, s4;
	s10 =	sshrl.u32 s9, $0x1;
	s11 =	sor.u32 s18, s8  }
0xb: {  	s8 =	sadd.s32 $0x78600, s0;
	s25 =	sshrl.u32 s14, $0x2;
	[dreg:$0x3] =	wrdreg s19  }
0xc: {  	s20 =	ssub.s32 s9, s10;
	s21 =	smul.u32 $0x4E20, s11;
	s9 =	simm.s32 $0x8  }
0xd: {  	s11 =	smul.u32 $0x4E200, s11;
	s26 =	sadd.s32 s24, s4;
	s24 =	simm.s32 $0x50  }
0xe: {  	s4 =	simm.s32 $0x2;
	s10 =	simm.s32 $0x0;
	s0 =	smax.u32 s20, $0x1  }
0xf: {  	s20 =	sadd.s32 s25, s1;
	[dreg:$0xa] =	wrdreg s26;
	s25 =	simm.s32 $0x200  }
0x10: {  	s26 =	simm.s32 $0x180;
	s13 =	sshrl.u32 s21, $0x3;
	[dreg:$0x8] =	wrdreg s0  }
0x11: {  	s11 =	sadd.s32 s7, s11;
	s16 =	sadd.s32 $0xA0, s21;
	[dreg:$0x9] =	wrdreg s20  }
0x12: {  	s17 =	sadd.s32 $0xF0, s21;
	s12 =	sadd.s32 s5, s13;
	[dreg:$0x5] =	wrdreg s11  }
0x13: {  	s23 =	sadd.s32 s6, s13;
	[dreg:$0x4] =	wrdreg s12;
	s12 =	sadd.s32 $0x50, s21  }
0x14: {  	s0 =	simm.s32 $0x5;
	[dreg:$0x7] =	wrdreg s23;
	s22 =	sshrl.u32 s12, $0x3  }
0x15: {  	s21 =	simm.s32 $0x2A00;
	s23 =	simm.s32 $0x1;
	s11 =	sadd.s32 s5, s22  }
0x16: {  	v0 =	vimm.f32 $0.0e+00;
	s22 =	simm.s32 $0x9;
	[dreg:$0x6] =	wrdreg s11;
	s11 =	simm.s32 $0x7  }
.LBB2_1:
0x17: {  	[dreg:$0xb] =	wrdreg s10;
	s10 =	simm.s32 $0x0;
	s13 =	simm.s32 $0x200  }
.LBB2_2:
0x18: {  	p0 =	sne.s32 s13, $0x9E00;
	[tilespmem:s10+$0x2A70] =	vst v0  }
0x19: {  	[tilespmem:s10+$0x2A00] =	vst v0  }
0x1a: {  	[tilespmem:s10+$0x2A10] =	vst v0  }
.Ltmp0:
0x1b: {  	[tilespmem:s10+$0x2A20] =	vst v0;
	(pc) =	sbr.rel @p0 .LBB2_2-.Ltmp0, $4  }
0x1c: {  	[tilespmem:s10+$0x2A30] =	vst v0  }
0x1d: {  	[tilespmem:s10+$0x2A40] =	vst v0  }
0x1e: {  	[tilespmem:s10+$0x2A50] =	vst v0  }
0x1f: {  	[tilespmem:s10+$0x2A60] =	vst v0;
	s10 =	sshra.s32 s13, $0x2;
	s13 =	sadd.s32 $0x200, s13  }
0x20: {  	[tilespmem:s10+$0x2A70] =	vst v0  }
0x21: {  	[tilespmem:s10+$0x2A00] =	vst v0  }
0x22: {  	[tilespmem:s10+$0x2A10] =	vst v0  }
0x23: {  	[tilespmem:s10+$0x2A20] =	vst v0  }
0x24: {  	[tilespmem:s10+$0x2A30] =	vst v0  }
0x25: {  	[tilespmem:s10+$0x2A40] =	vst v0;
	p0 =	sne.s32 s19, $0x1  }
.Ltmp1:
0x26: {  	[tilespmem:s10+$0x2A50] =	vst v0;
	(pc) =	sbr.rel @!p0 .LBB2_5-.Ltmp1, $4  }
0x27: {  	[tilespmem:s10+$0x2A60] =	vst v0  }
0x28: {  	[spmem:s20] =	stream.linear.scatter [tilespmem:s21], [sflag:$0x9], $0x2800, $0x38;
	[tilespmem:$0x1DA80] =	vst v63  }
0x29: {  	_ =	swait.ge [sflag:s22], $0x2800  }
0x2a: {  	s10 =	sadd.s32 $0xFFFFFFFF, s19;
	s13 =	smov.u32 s20;
	[sflag:s22] =	ssyncset.done $0x0  }
.LBB2_4:
0x2b: {  	p1 =	sne.s32 s10, $0x1;
	[sflag:s22] =	ssyncadd.s32 $0xFFFFD800;
	s13 =	sadd.s32 $0x28000, s13  }
.Ltmp2:
0x2c: {  	s10 =	sadd.s32 $0xFFFFFFFF, s10;
	(pc) =	sbr.rel @p1 .LBB2_4-.Ltmp2, $4  }
0x2d: {  	_ = 	snop  }
0x2e: {  	[spmem:s13] =	stream.linear.scatter [tilespmem:s21], [sflag:$0x9], $0x2800, $0x38;
	[tilespmem:$0x1DA80] =	vst v63  }
0x2f: {  	_ =	swait.ge [sflag:s22], $0x2800  }
0x30: {  	[sflag:s22] =	ssyncset.done $0x0  }
.LBB2_5:
0x31: {  	[sflag:s22] =	ssyncadd.s32 $0xFFFFD800;
	s14 =	simm.s32 $0x0;
	s2 =	rddreg [dreg:$0x4]  }
0x32: {  	[tilespmem:s14], [sflag:$0x1] =	stream.linear.gather [hbm4b:s2+s14], $0x50, $0x38;
	[tilespmem:$0x1DA80] =	vst v63  }
0x33: {  	_ =	swait.ge [sflag:s23], $0x50  }
0x34: {  	[sflag:s23] =	ssyncset.done $0x0  }
0x35: {  	[sflag:s23] =	ssyncadd.s32 $0xFFFFFFB0  }
0x36: {  	[tilespmem:s25], [sflag:$0x3] =	stream.indirect.gather [hbm4b:s3+s24], $0x80, s14, s24, $0xb8;
	[tilespmem:$0x1DA80] =	vst v63  }
0x37: {  	s10 =	simm.s32 $0x5200;
	s18 =	rddreg [dreg:$0x5]  }
0x38: {  	[tilespmem:s10], [sflag:$0x5] =	stream.linear.gather [hbm4b:s18+s14], $0x2800, $0x38;
	[tilespmem:$0x1DA80] =	vst v63  }
0x39: {  	s19 =	rddreg [dreg:$0x6]  }
0x3a: {  	[tilespmem:s28], [sflag:$0x1] =	stream.linear.gather [hbm4b:s19+s14], $0x50, $0x38;
	[tilespmem:$0x1DA80] =	vst v63  }
0x3b: {  	s20 =	rddreg [dreg:$0x7]  }
0x3c: {  	[tilespmem:s29], [sflag:$0x9] =	stream.linear.gather [hbm4b:s20+s14], $0x50, $0x38;
	[tilespmem:$0x1DA80] =	vst v63  }
0x3d: {  	_ =	swait.ge [sflag:s22], $0x50  }
0x3e: {  	[sflag:s22] =	ssyncset.done $0x0  }
0x3f: {  	[sflag:s22] =	ssyncadd.s32 $0xFFFFFFB0  }
0x40: {  	[spmem:s1] =	stream.indirect.scatter.add.f32 [tilespmem:s21], [sflag:$0x8], $0x80, s29, s24, $0xb8;
	[tilespmem:$0x1DA80] =	vst v63  }
0x41: {  	_ = 	snop  }
0x42: {  	[tilespmem:s29], [sflag:$0x2] =	stream.linear.gather [hbm4b:s20+s14], $0x50, $0x38;
	[tilespmem:$0x1DA80] =	vst v63  }
0x43: {  	s18 =	simm.s32 $0x0;
	[bflag:$0x0] =	sbarrier.arrive $0xFFFF  }
.LBB2_6:
0x44: {  	_ =	swait.ge [sflag:s9], $0x2800  }
0x45: {  	[sflag:s9] =	ssyncset.done $0x0  }
0x46: {  	s15 =	smul.u32 $0xA0, s18;
	[sflag:s9] =	ssyncadd.s32 $0xFFFFD800  }
0x47: {  	_ =	swait.ge [sflag:s23], $0x50  }
0x48: {  	s13 =	sadd.s32 s15, s12;
	[sflag:s23] =	ssyncset.done $0x0  }
0x49: {  	s10 =	sshll.u32 s13, $0x4;
	[sflag:s23] =	ssyncadd.s32 $0xFFFFFFB0  }
0x4a: {  	[tilespmem:s21], [sflag:$0x4] =	stream.indirect.gather [hbm4b:s3+s24], $0x80, s28, s24, $0xb8;
	[tilespmem:$0x1DA80] =	vst v63  }
0x4b: {  	s2 =	simm.s32 $0x0;
	s10 =	sadd.s32 s7, s10  }
0x4c: {  	[tilespmem:s30], [sflag:$0x6] =	stream.linear.gather [hbm4b:s10+s2], $0x2800, $0x38;
	[tilespmem:$0x1DA80] =	vst v63  }
0x4d: {  	_ =	swait.ge [sflag:s31], $0x2800  }
0x4e: {  	[sflag:s31] =	ssyncset.done $0x0  }
0x4f: {  	p1 =	seq.s32 s18, $0x7C;
	[sflag:s31] =	ssyncadd.s32 $0xFFFFD800  }
0x50: {  	s10 =	sadd.s32 @!p1 s15, s16;
	_ =	swait.ge [sflag:s0], $0x2800  }
0x51: {  	s20 =	sshrl.u32 @!p1 s10, $0x3;
	[sflag:s0] =	ssyncset.done $0x0  }
0x52: {  	s2 =	simm.s32 @!p1 $0x0;
	s19 =	sadd.s32 @!p1 s5, s20;
	[sflag:s0] =	ssyncadd.s32 $0xFFFFD800  }
0x53: {  	[tilespmem:s2], [sflag:$0x1] =	stream.linear.gather @!p1 [hbm4b:s19+s2], $0x50, $0x38;
	[tilespmem:$0x1DA80] =	vst v63  }
0x54: {  	s19 =	sshrl.u32 s13, $0x3  }
0x55: {  	s2 =	sadd.s32 s6, s19;
	s19 =	simm.s32 $0x0  }
0x56: {  	[tilespmem:s26], [sflag:$0x2] =	stream.linear.gather [hbm4b:s2+s14], $0x50, $0x38;
	[tilespmem:$0x1DA80] =	vst v63  }
0x57: {  	v7 =	vld [tilespmem:s19+$0x5200]  }
0x58: {  	v12 =	vld [tilespmem:s19+$0x5210]  }
0x59: {  	v6 =	vld [tilespmem:s19+$0x5220]  }
0x5a: {  	v5 =	vld [tilespmem:s19+$0x5230]  }
0x5b: {  	v4 =	vld [tilespmem:s19+$0x5240]  }
0x5c: {  	v3 =	vld [tilespmem:s19+$0x5250]  }
0x5d: {  	v2 =	vld [tilespmem:s19+$0x5260]  }
0x5e: {  	v1 =	vld [tilespmem:s19+$0x5270]  }
0x5f: {  	v13 =	vld [tilespmem:s19+$0x200]  }
0x60: {  	v14 =	vld [tilespmem:s19+$0x210]  }
0x61: {  	v11 =	vld [tilespmem:s19+$0x220]  }
0x62: {  	v10 =	vld [tilespmem:s19+$0x230]  }
0x63: {  	v9 =	vld [tilespmem:s19+$0x240]  }
0x64: {  	v8 =	vld [tilespmem:s19+$0x250];
	v13 =	vadd.f32 v7, v13  }
0x65: {  	s13 =	simm.s32 $0x200;
	v12 =	vadd.f32 v12, v14;
	v7 =	vld [tilespmem:s19+$0x260]  }
.LBB2_7:
0x66: {  	s2 =	sshra.s32 s13, $0x2;
	p2 =	sne.s32 s13, $0x9E00;
	v13 =	vmax.f32 v13, $0.0e+00;
	v6 =	vadd.f32 v6, v11;
	v11 =	vld [tilespmem:s19+$0x270]  }
0x67: {  	v14 =	vld [tilespmem:s2+$0x5200];
	[tilespmem:s19+$0x200] =	vst v13;
	v12 =	vmax.f32 v12, $0.0e+00;
	v5 =	vadd.f32 v5, v10  }
0x68: {  	v15 =	vld [tilespmem:s2+$0x5210];
	[tilespmem:s19+$0x210] =	vst v12;
	v10 =	vmax.f32 v6, $0.0e+00;
	v4 =	vadd.f32 v4, v9  }
0x69: {  	v6 =	vld [tilespmem:s2+$0x5220];
	[tilespmem:s19+$0x220] =	vst v10;
	v9 =	vmax.f32 v5, $0.0e+00;
	v3 =	vadd.f32 v3, v8  }
0x6a: {  	v5 =	vld [tilespmem:s2+$0x5230];
	[tilespmem:s19+$0x230] =	vst v9;
	v8 =	vmax.f32 v4, $0.0e+00;
	v2 =	vadd.f32 v2, v7  }
0x6b: {  	v4 =	vld [tilespmem:s2+$0x5240];
	[tilespmem:s19+$0x240] =	vst v8;
	v7 =	vmax.f32 v3, $0.0e+00;
	v1 =	vadd.f32 v1, v11  }
0x6c: {  	v3 =	vld [tilespmem:s2+$0x5250];
	[tilespmem:s19+$0x250] =	vst v7;
	v7 =	vmax.f32 v2, $0.0e+00  }
0x6d: {  	v2 =	vld [tilespmem:s2+$0x5260];
	[tilespmem:s19+$0x260] =	vst v7;
	v7 =	vmax.f32 v1, $0.0e+00  }
0x6e: {  	v1 =	vld [tilespmem:s2+$0x5270];
	[tilespmem:s19+$0x270] =	vst v7;
	s19 =	smov.u32 s2  }
0x6f: {  	v7 =	vld [tilespmem:s19+$0x200]  }
0x70: {  	v12 =	vld [tilespmem:s19+$0x210]  }
.Ltmp3:
0x71: {  	v11 =	vld [tilespmem:s19+$0x220];
	(pc) =	sbr.rel @p2 .LBB2_7-.Ltmp3, $4  }
0x72: {  	v10 =	vld [tilespmem:s19+$0x230]  }
0x73: {  	v9 =	vld [tilespmem:s19+$0x240]  }
0x74: {  	v13 =	vadd.f32 v14, v7;
	v8 =	vld [tilespmem:s19+$0x250]  }
0x75: {  	s13 =	sadd.s32 $0x200, s13;
	v12 =	vadd.f32 v15, v12;
	v7 =	vld [tilespmem:s19+$0x260]  }
0x76: {  	v13 =	vmax.f32 v13, $0.0e+00;
	v6 =	vadd.f32 v6, v11;
	v11 =	vld [tilespmem:s19+$0x270]  }
0x77: {  	[tilespmem:s19+$0x200] =	vst v13;
	v12 =	vmax.f32 v12, $0.0e+00;
	v5 =	vadd.f32 v5, v10  }
0x78: {  	[tilespmem:s19+$0x210] =	vst v12;
	v6 =	vmax.f32 v6, $0.0e+00;
	v4 =	vadd.f32 v4, v9  }
0x79: {  	[tilespmem:s19+$0x220] =	vst v6;
	v5 =	vmax.f32 v5, $0.0e+00;
	v3 =	vadd.f32 v3, v8  }
0x7a: {  	[tilespmem:s19+$0x230] =	vst v5;
	v4 =	vmax.f32 v4, $0.0e+00;
	v2 =	vadd.f32 v2, v7  }
0x7b: {  	[tilespmem:s19+$0x240] =	vst v4;
	v3 =	vmax.f32 v3, $0.0e+00;
	v1 =	vadd.f32 v1, v11  }
0x7c: {  	[tilespmem:s19+$0x250] =	vst v3;
	v2 =	vmax.f32 v2, $0.0e+00  }
0x7d: {  	[tilespmem:s19+$0x260] =	vst v2;
	v1 =	vmax.f32 v1, $0.0e+00  }
0x7e: {  	[tilespmem:s19+$0x270] =	vst v1  }
0x7f: {  	_ =	swait.ge [sflag:s4], $0x50  }
0x80: {  	[sflag:s4] =	ssyncset.done $0x0  }
0x81: {  	[sflag:s4] =	ssyncadd.s32 $0xFFFFFFB0  }
0x82: {  	[spmem:s1] =	stream.indirect.scatter.add.f32 [tilespmem:s25], [sflag:$0x7], $0x80, s29, s24, $0xb8;
	[tilespmem:$0x1DA80] =	vst v63  }
0x83: {  	_ =	swait.ge [sflag:s11], $0x2800  }
0x84: {  	[sflag:s11] =	ssyncset.done $0x0  }
0x85: {  	s2 =	simm.s32 @p1 $0x4;
	[sflag:s11] =	ssyncadd.s32 $0xFFFFD800  }
0x86: {  	_ =	swait.ge @p1 [sflag:s2], $0x2800  }
0x87: {  	[sflag:s2] =	ssyncset.done @p1 $0x0  }
0x88: {  	[sflag:s2] =	ssyncadd.s32 @p1 $0xFFFFD800;
	s2 =	simm.s32 @p1 $0x6  }
0x89: {  	_ =	swait.ge @p1 [sflag:s2], $0x2800  }
0x8a: {  	[sflag:s2] =	ssyncset.done @p1 $0x0  }
0x8b: {  	[sflag:s2] =	ssyncadd.s32 @p1 $0xFFFFD800;
	s2 =	simm.s32 @!p1 $0x1  }
0x8c: {  	_ =	swait.ge @!p1 [sflag:s2], $0x50  }
0x8d: {  	s13 =	simm.s32 @!p1 $0x0;
	[sflag:s2] =	ssyncset.done @!p1 $0x0  }
0x8e: {  	s19 =	simm.s32 @!p1 $0x200;
	[sflag:s2] =	ssyncadd.s32 @!p1 $0xFFFFFFB0;
	s2 =	simm.s32 @!p1 $0x50  }
0x8f: {  	[tilespmem:s19], [sflag:$0x3] =	stream.indirect.gather @!p1 [hbm4b:s3+s2], $0x80, s13, s2, $0xb8;
	[tilespmem:$0x1DA80] =	vst v63  }
0x90: {  	s2 =	sshll.u32 @!p1 s10, $0x4  }
0x91: {  	s10 =	simm.s32 @!p1 $0x5200;
	s2 =	sadd.s32 @!p1 s7, s2  }
0x92: {  	[tilespmem:s10], [sflag:$0x5] =	stream.linear.gather @!p1 [hbm4b:s2+s13], $0x2800, $0x38;
	[tilespmem:$0x1DA80] =	vst v63  }
0x93: {  	s2 =	simm.s32 @!p1 $0x4  }
0x94: {  	_ =	swait.ge @!p1 [sflag:s2], $0x2800  }
0x95: {  	[sflag:s2] =	ssyncset.done @!p1 $0x0  }
0x96: {  	[sflag:s2] =	ssyncadd.s32 @!p1 $0xFFFFD800;
	s2 =	simm.s32 @!p1 $0x6  }
0x97: {  	s10 =	sadd.s32 @!p1 s15, s17;
	_ =	swait.ge @!p1 [sflag:s2], $0x2800  }
0x98: {  	s10 =	sshrl.u32 @!p1 s10, $0x3;
	[sflag:s2] =	ssyncset.done @!p1 $0x0  }
0x99: {  	[sflag:s2] =	ssyncadd.s32 @!p1 $0xFFFFD800;
	s2 =	sadd.s32 @!p1 s5, s10;
	s10 =	simm.s32 @!p1 $0x80  }
0x9a: {  	[tilespmem:s10], [sflag:$0x1] =	stream.linear.gather @!p1 [hbm4b:s2+s13], $0x50, $0x38;
	[tilespmem:$0x1DA80] =	vst v63  }
0x9b: {  	s2 =	sadd.s32 @!p1 s6, s20;
	s10 =	simm.s32 @!p1 $0x100  }
0x9c: {  	[tilespmem:s10], [sflag:$0x2] =	stream.linear.gather @!p1 [hbm4b:s2+s13], $0x50, $0x38;
	[tilespmem:$0x1DA80] =	vst v63  }
0x9d: {  	s10 =	simm.s32 $0x0  }
0x9e: {  	v7 =	vld [tilespmem:s10+$0x7A00]  }
0x9f: {  	v12 =	vld [tilespmem:s10+$0x7A10]  }
0xa0: {  	v6 =	vld [tilespmem:s10+$0x7A20]  }
0xa1: {  	v5 =	vld [tilespmem:s10+$0x7A30]  }
0xa2: {  	v4 =	vld [tilespmem:s10+$0x7A40]  }
0xa3: {  	v3 =	vld [tilespmem:s10+$0x7A50]  }
0xa4: {  	v2 =	vld [tilespmem:s10+$0x7A60]  }
0xa5: {  	v1 =	vld [tilespmem:s10+$0x7A70]  }
0xa6: {  	v13 =	vld [tilespmem:s10+$0x2A00]  }
0xa7: {  	v14 =	vld [tilespmem:s10+$0x2A10]  }
0xa8: {  	v11 =	vld [tilespmem:s10+$0x2A20]  }
0xa9: {  	v10 =	vld [tilespmem:s10+$0x2A30]  }
0xaa: {  	v9 =	vld [tilespmem:s10+$0x2A40]  }
0xab: {  	v8 =	vld [tilespmem:s10+$0x2A50];
	v13 =	vadd.f32 v7, v13  }
0xac: {  	s13 =	simm.s32 $0x200;
	v12 =	vadd.f32 v12, v14;
	v7 =	vld [tilespmem:s10+$0x2A60]  }
.LBB2_9:
0xad: {  	s2 =	sshra.s32 s13, $0x2;
	p1 =	sne.s32 s13, $0x9E00;
	v13 =	vmax.f32 v13, $0.0e+00;
	v6 =	vadd.f32 v6, v11;
	v11 =	vld [tilespmem:s10+$0x2A70]  }
0xae: {  	v14 =	vld [tilespmem:s2+$0x7A00];
	[tilespmem:s10+$0x2A00] =	vst v13;
	v12 =	vmax.f32 v12, $0.0e+00;
	v5 =	vadd.f32 v5, v10  }
0xaf: {  	v15 =	vld [tilespmem:s2+$0x7A10];
	[tilespmem:s10+$0x2A10] =	vst v12;
	v10 =	vmax.f32 v6, $0.0e+00;
	v4 =	vadd.f32 v4, v9  }
0xb0: {  	v6 =	vld [tilespmem:s2+$0x7A20];
	[tilespmem:s10+$0x2A20] =	vst v10;
	v9 =	vmax.f32 v5, $0.0e+00;
	v3 =	vadd.f32 v3, v8  }
0xb1: {  	v5 =	vld [tilespmem:s2+$0x7A30];
	[tilespmem:s10+$0x2A30] =	vst v9;
	v8 =	vmax.f32 v4, $0.0e+00;
	v2 =	vadd.f32 v2, v7  }
0xb2: {  	v4 =	vld [tilespmem:s2+$0x7A40];
	[tilespmem:s10+$0x2A40] =	vst v8;
	v7 =	vmax.f32 v3, $0.0e+00;
	v1 =	vadd.f32 v1, v11  }
0xb3: {  	v3 =	vld [tilespmem:s2+$0x7A50];
	[tilespmem:s10+$0x2A50] =	vst v7;
	v7 =	vmax.f32 v2, $0.0e+00  }
0xb4: {  	v2 =	vld [tilespmem:s2+$0x7A60];
	[tilespmem:s10+$0x2A60] =	vst v7;
	v7 =	vmax.f32 v1, $0.0e+00  }
0xb5: {  	v1 =	vld [tilespmem:s2+$0x7A70];
	[tilespmem:s10+$0x2A70] =	vst v7;
	s10 =	smov.u32 s2  }
0xb6: {  	v7 =	vld [tilespmem:s10+$0x2A00]  }
0xb7: {  	v12 =	vld [tilespmem:s10+$0x2A10]  }
.Ltmp4:
0xb8: {  	v11 =	vld [tilespmem:s10+$0x2A20];
	(pc) =	sbr.rel @p1 .LBB2_9-.Ltmp4, $4  }
0xb9: {  	v10 =	vld [tilespmem:s10+$0x2A30]  }
0xba: {  	v9 =	vld [tilespmem:s10+$0x2A40]  }
0xbb: {  	v13 =	vadd.f32 v14, v7;
	v8 =	vld [tilespmem:s10+$0x2A50]  }
0xbc: {  	s13 =	sadd.s32 $0x200, s13;
	v12 =	vadd.f32 v15, v12;
	v7 =	vld [tilespmem:s10+$0x2A60]  }
0xbd: {  	v13 =	vmax.f32 v13, $0.0e+00;
	v6 =	vadd.f32 v6, v11;
	v63 =	vld [tilespmem:s10+$0x2A70]  }
0xbe: {  	[tilespmem:s10+$0x2A00] =	vst v13;
	v12 =	vmax.f32 v12, $0.0e+00;
	v5 =	vadd.f32 v5, v10  }
0xbf: {  	[tilespmem:s10+$0x2A10] =	vst v12;
	v6 =	vmax.f32 v6, $0.0e+00;
	v4 =	vadd.f32 v4, v9  }
0xc0: {  	[tilespmem:s10+$0x2A20] =	vst v6;
	v5 =	vmax.f32 v5, $0.0e+00;
	v3 =	vadd.f32 v3, v8  }
0xc1: {  	[tilespmem:s10+$0x2A30] =	vst v5;
	v4 =	vmax.f32 v4, $0.0e+00;
	v2 =	vadd.f32 v2, v7  }
0xc2: {  	[tilespmem:s10+$0x2A40] =	vst v4;
	v3 =	vmax.f32 v3, $0.0e+00;
	v1 =	vadd.f32 v1, v63  }
0xc3: {  	s18 =	sadd.s32 $0x1, s18;
	[tilespmem:s10+$0x2A50] =	vst v3;
	v2 =	vmax.f32 v2, $0.0e+00  }
0xc4: {  	p1 =	sne.s32 s18, $0x7D;
	[tilespmem:s10+$0x2A60] =	vst v2;
	v1 =	vmax.f32 v1, $0.0e+00  }
.Ltmp5:
0xc5: {  	[tilespmem:s10+$0x2A70] =	vst v1;
	(pc) =	sbr.rel @p1 .LBB2_6-.Ltmp5, $4  }
0xc6: {  	_ =	swait.ge [sflag:s4], $0x50  }
0xc7: {  	[sflag:s4] =	ssyncset.done $0x0  }
0xc8: {  	[sflag:s4] =	ssyncadd.s32 $0xFFFFFFB0  }
0xc9: {  	[spmem:s1] =	stream.indirect.scatter.add.f32 [tilespmem:s21], [sflag:$0x8], $0x80, s26, s24, $0xb8;
	[tilespmem:$0x1DA80] =	vst v63  }
0xca: {  	_ =	swait.ge [sflag:s9], $0x2800  }
0xcb: {  	[sflag:s9] =	ssyncset.done $0x0  }
0xcc: {  	[sflag:s9] =	ssyncadd.s32 $0xFFFFD800  }
0xcd: {  	s2 =	stileid.u32;
	[bflag:$0x0] =	sbarrier.arrive $0xFFFF  }
0xce: {  	s2 =	sshll.u32 s2, $0x6;
	s15 =	rddreg [dreg:$0xa]  }
.Ltmp6:
0xcf: {  	s20 =	rddreg [dreg:$0x9];
	s10 =	sshrl.u32 s15, $0x3;
	(pc) =	sbr.rel @!p0 .LBB2_13-.Ltmp6, $4  }
0xd0: {  	s13 =	sshrl.u32 s20, $0x3;
	s14 =	sadd.s32 s8, s10;
	s10 =	sor.u32 $0x1C09, s2  }
0xd1: {  	[hbm:s14], [sflag:s10] =	dma.local [spmem:s13], $0x500  }
0xd2: {  	s19 =	rddreg [dreg:$0x3]  }
0xd3: {  	s14 =	sadd.s32 $0x28000, s15;
	s15 =	smov.u32 s20;
	s13 =	sadd.s32 $0xFFFFFFFF, s19  }
.LBB2_12:
0xd4: {  	_ =	swait.ge [sflag:s22], $0x500  }
0xd5: {  	s15 =	sadd.s32 $0x28000, s15;
	s2 =	sshrl.u32 s14, $0x3;
	p0 =	sne.s32 s13, $0x1  }
.Ltmp7:
0xd6: {  	s18 =	sshrl.u32 s15, $0x3;
	[sflag:s22] =	ssyncset.done $0x0;
	(pc) =	sbr.rel @p0 .LBB2_12-.Ltmp7, $4  }
0xd7: {  	s2 =	sadd.s32 s8, s2;
	[sflag:s22] =	ssyncadd.s32 $0xFFFFFB00  }
0xd8: {  	[hbm:s2], [sflag:s10] =	dma.local [spmem:s18], $0x500  }
0xd9: {  	s13 =	sadd.s32 $0xFFFFFFFF, s13  }
0xda: {  	s14 =	sadd.s32 $0x28000, s14  }
.LBB2_13:
0xdb: {  	_ =	swait.ge [sflag:s22], $0x500  }
0xdc: {  	s10 =	rddreg [dreg:$0xb]  }
0xdd: {  	s2 =	rddreg [dreg:$0x8];
	s10 =	sadd.s32 $0x1, s10  }
0xde: {  	p0 =	sne.s32 s10, s2  }
.Ltmp8:
0xdf: {  	_ = 	snop;
	(pc) =	sbr.rel @p0 .LBB2_1-.Ltmp8, $3  }
0xe0: {  	_ =	sdelay $0x1  }
0xe1: {  	[sflag:s22] =	ssyncset.done $0x0  }
0xe2: {  	[sflag:s22] =	ssyncadd.s32 $0xFFFFFB00  }
0xe3: {  	_ =	sfence.sel $0x180000  }
0xe4: {  	[bflag:$0x0] =	sbarrier.arrive $0xFFFF  }
0xe5: {  	_ =	strace $0x90000047  }
0xe6: {  	s0 =	stileid.u32;
	[bflag:$0x2] =	sbarrier.arrive $0xFFFF  }
0xe7: {  	p0 =	sne.s32 s0, $0x0;
	s0 =	rddreg [dreg:$0x2]  }
0xe8: {  	s0 =	sadd.s32 @!p0 $0x100000, s0  }
0xe9: {  	[sflag:s0] =	ssyncadd.tile.s32 @!p0 $0x1;
	_ =	shalt  }
.Lfunc_end2:
_tile_overlayer_lowered:
.L_overlay_start_2:
0xea: {  	(tag) =	ssettag $0x2  }
0xeb: {  	s0 =	rddreg [dreg:$0x0];
	s2 =	stileid.u32  }
0xec: {  	s1 =	rddreg [dreg:$0x1];
	p0 =	sne.s32 s2, $0x0  }
0xed: {  	s3 =	rddreg [dreg:$0x2];
	[bflag:$0x3] =	sbarrier.arrive $0xFFFF;
	s2 =	simm.s32 @!p0 $0x1C09  }
0xee: {  	[timem:s3], [sflag:s2] =	dma.local @!p0 [hbm:s0], s1  }
0xef: {  	s0 =	simm.s32 @!p0 $0x9  }
0xf0: {  	_ =	swait.ge @!p0 [sflag:s0], s1  }
0xf1: {  	s1 =	ssub.s32 @!p0 $0x0, s1;
	[sflag:s0] =	ssyncset.done @!p0 $0x0  }
0xf2: {  	[sflag:s0] =	ssyncadd.s32 @!p0 s1  }
0xf3: {  	[bflag:$0x3] =	sbarrier.arrive $0xFFFF  }
0xf4: {  	_ =	shalt  }

</sc_bundles>
